<compile_context>
chip_gen: v7x
topology: tpu7x:2x2x1
jax: 0.10.2.dev20260603
libtpu: 0.0.44.dev20260713+nightly
codegen_flags: <defaults>
</compile_context>

<pallas_src>
import functools

import jax
import jax.numpy as jnp
from jax import lax
from jax.experimental import pallas as pl
from jax.experimental.pallas import tpu as pltpu
from jax.experimental.pallas import tpu_sc as plsc

N = 10000
E = 320000
D = 128
G = 64
L = 32

NPAD = 10240
NC = 2
NS = 16
NW = NC * NS
EPW = E // NW
CD = 80
NCHD = EPW // CD
EPT = E // NS
CA = 80
NCHT = EPT // CA
NBUF = 5
DH = D // 2
TROWS = NPAD // NS
ZR = 128
BR = 1024
NB = NPAD // BR
RPB = BR // D

def _deg_body(d_hbm, out, didx_all, ones_v, zb, acc):
    cid = lax.axis_index("c")
    sid = lax.axis_index("s")
    wid = cid * NS + sid

    @pl.loop(0, CD // 16)
    def _(i):
        ones_v[pl.ds(i * 16, 16)] = jnp.ones((16,), jnp.float32)

    @pl.loop(0, TROWS // 16)
    def _(i):
        zb[pl.ds(i * 16, 16)] = jnp.zeros((16,), jnp.float32)

    pltpu.sync_copy(zb, acc.at[pl.ds(sid * TROWS, TROWS)])
    pltpu.sync_copy(d_hbm.at[wid], didx_all)
    plsc.subcore_barrier()

    @pl.loop(0, NCHD)
    def _(g):
        pltpu.sync_copy(ones_v, acc.at[didx_all.at[g]], add=True)

    plsc.subcore_barrier()
    r = cid * NPAD + sid * TROWS
    pltpu.sync_copy(acc.at[pl.ds(sid * TROWS, TROWS)],
                    out.at[pl.ds(r, TROWS)])


def _agg_body(hp, s_hbm, d_hbm, out, s2v, d2v, zb, acc, *bufs):
    rows = bufs[:NBUF]
    gsem = bufs[NBUF:2 * NBUF]
    ssem = bufs[2 * NBUF:]
    cid = lax.axis_index("c")
    sid = lax.axis_index("s")

    @pl.loop(0, ZR)
    def _(i):
        for j in range(DH // 16):
            zb[i, pl.ds(j * 16, 16)] = jnp.zeros((16,), jnp.float32)

    @pl.loop(0, TROWS // ZR)
    def _(k):
        pltpu.sync_copy(zb, acc.at[pl.ds(sid * TROWS + k * ZR, ZR)])

    pltpu.sync_copy(s_hbm.at[sid], s2v)
    pltpu.sync_copy(d_hbm.at[sid], d2v)
    hpc = hp.at[cid]
    plsc.subcore_barrier()

    for b in range(NBUF):
        pltpu.async_copy(hpc.at[s2v.at[b]], rows[b], gsem[b])

    @pl.loop(0, NCHT, step=NBUF)
    def _(g):
        for b in range(NBUF):
            cur = g + b
            pltpu.make_async_copy(hpc.at[s2v.at[cur]], rows[b],
                                  gsem[b]).wait()
            pltpu.async_copy(rows[b], acc.at[d2v.at[cur]], ssem[b], add=True)
            pb = (b - 1) % NBUF
            nxt = cur - 1 + NBUF
            cond = (nxt < NCHT) if b > 0 else (g > 0)

            @pl.when(cond)
            def _():
                pltpu.make_async_copy(rows[pb], acc.at[d2v.at[0]],
                                      ssem[pb]).wait()
                pltpu.async_copy(hpc.at[s2v.at[nxt]], rows[pb], gsem[pb])

    for b in range(NBUF):
        pltpu.make_async_copy(rows[b], acc.at[d2v.at[0]], ssem[b]).wait()

    plsc.subcore_barrier()

    @pl.loop(0, TROWS // ZR)
    def _(k):
        r = sid * TROWS + k * ZR
        pltpu.sync_copy(acc.at[pl.ds(r, ZR)], out.at[cid, pl.ds(r, ZR)])


@functools.lru_cache(maxsize=None)
def _sc_kernels():
    mesh = plsc.VectorSubcoreMesh(core_axis_name="c", subcore_axis_name="s")
    params = pltpu.CompilerParams(use_tc_tiling_on_sc=False)
    deg = functools.partial(
        pl.kernel,
        out_type=jax.ShapeDtypeStruct((2 * NPAD,), jnp.float32),
        mesh=mesh,
        scratch_types=[
            pltpu.VMEM((NCHD, CD), jnp.int32),
            pltpu.VMEM((CD,), jnp.float32),
            pltpu.VMEM((TROWS,), jnp.float32),
            pltpu.VMEM_SHARED((NPAD,), jnp.float32),
        ],
        compiler_params=params,
    )(_deg_body)
    agg = functools.partial(
        pl.kernel,
        out_type=jax.ShapeDtypeStruct((2, NPAD, DH), jnp.float32),
        mesh=mesh,
        scratch_types=(
            [pltpu.VMEM((NCHT, CA), jnp.int32),
             pltpu.VMEM((NCHT, CA), jnp.int32),
             pltpu.VMEM((ZR, DH), jnp.float32),
             pltpu.VMEM_SHARED((NPAD, DH), jnp.float32)]
            + [pltpu.VMEM((CA, DH), jnp.float32)] * NBUF
            + [pltpu.SemaphoreType.DMA] * (2 * NBUF)
        ),
        compiler_params=params,
    )(_agg_body)
    return deg, agg


def _dv_block(c0_ref, c1_ref):
    dinv = lax.rsqrt(1.0 + c0_ref[...] + c1_ref[...])
    return jnp.broadcast_to(dinv[:, :, None], (RPB, D, D)).reshape(BR, D)


_CNT_SPEC = pl.BlockSpec((RPB, D), lambda i: (i, 0))


_STACK_SPEC = pl.BlockSpec((2, BR, DH), lambda i: (0, i, 0))
_STACK_OUT = jax.ShapeDtypeStruct((2, NPAD, DH), jnp.float32)


def _split_halves(o):
    return jnp.stack([o[:, :DH], o[:, DH:]], axis=0)


def _join_halves(s3):
    return jnp.concatenate([s3[0], s3[1]], axis=1)


def _mm_scale_body(x_ref, w_ref, c0_ref, c1_ref, o_ref):
    h = lax.dot_general(x_ref[...], w_ref[...], (((1,), (1,)), ((), ())),
                        preferred_element_type=jnp.float32)
    o_ref[...] = _split_halves(h * _dv_block(c0_ref, c1_ref))


_mm_scale_kernel = pl.pallas_call(
    _mm_scale_body,
    grid=(NB,),
    in_specs=[
        pl.BlockSpec((BR, D), lambda i: (i, 0)),
        pl.BlockSpec((D, D), lambda i: (0, 0)),
        _CNT_SPEC,
        _CNT_SPEC,
    ],
    out_specs=_STACK_SPEC,
    out_shape=_STACK_OUT,
)


def _combine_mm_body(a_ref, h_ref, c0_ref, c1_ref, b_ref, w_ref, o_ref):
    dv = _dv_block(c0_ref, c1_ref)
    acc = _join_halves(a_ref[...] + h_ref[...])
    t = acc * dv + b_ref[...]
    h1 = jnp.maximum(t, 0.0)
    h2 = lax.dot_general(h1, w_ref[...], (((1,), (1,)), ((), ())),
                         preferred_element_type=jnp.float32)
    o_ref[...] = _split_halves(h2 * dv)


_combine_mm_kernel = pl.pallas_call(
    _combine_mm_body,
    grid=(NB,),
    in_specs=[
        _STACK_SPEC,
        _STACK_SPEC,
        _CNT_SPEC,
        _CNT_SPEC,
        pl.BlockSpec((1, D), lambda i: (0, 0)),
        pl.BlockSpec((D, D), lambda i: (0, 0)),
    ],
    out_specs=_STACK_SPEC,
    out_shape=_STACK_OUT,
)


def _final_body(a_ref, h_ref, c0_ref, c1_ref, b_ref, bt_ref,
                wmu_ref, bmu_ref, wlv_ref, blv_ref, ge_ref, mu_ref, lv_ref,
                sums, cnts):
    i = pl.program_id(0)
    geb = (_join_halves(a_ref[...] + h_ref[...]) * _dv_block(c0_ref, c1_ref)
           + b_ref[...])
    ge_ref[...] = geb
    act = jnp.maximum(geb, 0.0)
    b = bt_ref[0]
    gid = lax.broadcasted_iota(jnp.int32, (G, BR), 0)
    p = (b == gid).astype(jnp.float32)
    ps = lax.dot_general(p, act, (((1,), (0,)), ((), ())),
                         preferred_element_type=jnp.float32)
    pc = lax.dot_general(p, jnp.ones((BR, D), jnp.float32),
                         (((1,), (0,)), ((), ())),
                         preferred_element_type=jnp.float32)

    @pl.when(i == 0)
    def _():
        sums[...] = ps
        cnts[...] = pc

    @pl.when(i > 0)
    def _():
        sums[...] += ps
        cnts[...] += pc

    @pl.when(i == NB - 1)
    def _():
        pooled = sums[...] / jnp.maximum(cnts[...], 1.0)
        mu_ref[...] = lax.dot_general(
            pooled, wmu_ref[...], (((1,), (1,)), ((), ())),
            preferred_element_type=jnp.float32) + bmu_ref[...]
        lv_ref[...] = lax.dot_general(
            pooled, wlv_ref[...], (((1,), (1,)), ((), ())),
            preferred_element_type=jnp.float32) + blv_ref[...]


_final_kernel = pl.pallas_call(
    _final_body,
    grid=(NB,),
    in_specs=[
        _STACK_SPEC,
        _STACK_SPEC,
        _CNT_SPEC,
        _CNT_SPEC,
        pl.BlockSpec((1, D), lambda i: (0, 0)),
        pl.BlockSpec((1, 1, BR), lambda i: (i, 0, 0)),
        pl.BlockSpec((L, D), lambda i: (0, 0)),
        pl.BlockSpec((1, L), lambda i: (0, 0)),
        pl.BlockSpec((L, D), lambda i: (0, 0)),
        pl.BlockSpec((1, L), lambda i: (0, 0)),
    ],
    out_specs=[
        pl.BlockSpec((BR, D), lambda i: (i, 0)),
        pl.BlockSpec((G, L), lambda i: (0, 0)),
        pl.BlockSpec((G, L), lambda i: (0, 0)),
    ],
    out_shape=[
        jax.ShapeDtypeStruct((N, D), jnp.float32),
        jax.ShapeDtypeStruct((G, L), jnp.float32),
        jax.ShapeDtypeStruct((G, L), jnp.float32),
    ],
    scratch_shapes=[
        pltpu.VMEM((G, D), jnp.float32),
        pltpu.VMEM((G, D), jnp.float32),
    ],
)


def kernel(x, edge_index, batch, W1, b1, W2, b2, Wmu, bmu, Wlv, blv):
    d_deg = edge_index[1].reshape(NW, NCHD, CD)
    s2 = edge_index[0].reshape(NS, NCHT, CA)
    d2 = edge_index[1].reshape(NS, NCHT, CA)
    xp = jnp.pad(x, ((0, NPAD - N), (0, 0)))
    batch3 = jnp.pad(batch, (0, NPAD - N), constant_values=G).reshape(
        NB, 1, BR)

    deg_kernel, agg_kernel = _sc_kernels()
    cc = deg_kernel(d_deg)
    c0 = cc[:NPAD].reshape(NPAD // D, D)
    c1 = cc[NPAD:].reshape(NPAD // D, D)

    hp1 = _mm_scale_kernel(xp, W1, c0, c1)
    a1 = agg_kernel(hp1, s2, d2)
    hp2 = _combine_mm_kernel(a1, hp1, c0, c1, b1.reshape(1, D), W2)
    a2 = agg_kernel(hp2, s2, d2)
    ge, mu, lv = _final_kernel(a2, hp2, c0, c1, b2.reshape(1, D),
                               batch3, Wmu, bmu.reshape(1, L),
                               Wlv, blv.reshape(1, L))
    return mu, lv, ge

# --- scband reference (transcript-rebuilt; emitter-appended) ---
"""Pipeline reference for scband-discrepancy-vae-90975997264267 (READ-ONLY COPY).

The authoritative reference and input builder live on the scoring server;
editing this copy changes nothing except your own understanding.
"""

import jax, jax.numpy as jnp
import numpy as np

N = 10000
E = 320000
D = 128
H1 = 128
H2 = 128
L = 32
G = 64


def setup_inputs(seed: int = 0) -> dict:
    key = jax.random.key(seed)
    ks = jax.random.split(key, 12)
    x = jax.random.normal(ks[0], (N, D), dtype=jnp.float32)
    edge_index = jax.random.randint(ks[1], (2, E), 0, N, dtype=jnp.int32)
    batch = jnp.sort(jax.random.randint(ks[2], (N,), 0, G, dtype=jnp.int32))
    # learned params (xavier-ish init)
    W1 = jax.random.normal(ks[3], (H1, D), dtype=jnp.float32) * (1.0 / np.sqrt(D))
    b1 = jnp.zeros((H1,), jnp.float32)
    W2 = jax.random.normal(ks[4], (H2, H1), dtype=jnp.float32) * (1.0 / np.sqrt(H1))
    b2 = jnp.zeros((H2,), jnp.float32)
    Wmu = jax.random.normal(ks[5], (L, H2), dtype=jnp.float32) * (1.0 / np.sqrt(H2))
    bmu = jnp.zeros((L,), jnp.float32)
    Wlv = jax.random.normal(ks[6], (L, H2), dtype=jnp.float32) * (1.0 / np.sqrt(H2))
    blv = jnp.zeros((L,), jnp.float32)
    return {"x": x, "edge_index": edge_index, "batch": batch,
            "W1": W1, "b1": b1, "W2": W2, "b2": b2,
            "Wmu": Wmu, "bmu": bmu, "Wlv": Wlv, "blv": blv}


def _gcn_conv(x, edge_index, W, b):
    # PyG GCNConv: add self-loops, symmetric normalization, linear (no lin bias), scatter-add, + bias
    src = edge_index[0]
    dst = edge_index[1]
    loop = jnp.arange(N, dtype=src.dtype)
    s = jnp.concatenate([src, loop])
    d = jnp.concatenate([dst, loop])
    deg = jnp.zeros((N,), jnp.float32).at[d].add(1.0)
    dinv = jnp.where(deg > 0, 1.0 / jnp.sqrt(deg), 0.0)
    norm = dinv[s] * dinv[d]
    h = x @ W.T
    msg = h[s] * norm[:, None]
    out = jax.ops.segment_sum(msg, d, num_segments=N)
    return out + b


def reference(x, edge_index, batch, W1, b1, W2, b2, Wmu, bmu, Wlv, blv):
    h = jax.nn.relu(_gcn_conv(x, edge_index, W1, b1))
    # dropout is identity in eval mode
    gene_embeddings = _gcn_conv(h, edge_index, W2, b2)
    act = jax.nn.relu(gene_embeddings)
    sums = jax.ops.segment_sum(act, batch, num_segments=G)
    counts = jax.ops.segment_sum(jnp.ones((N,), jnp.float32), batch, num_segments=G)
    pooled = sums / jnp.clip(counts, 1.0)[:, None]
    mu = pooled @ Wmu.T + bmu
    logvar = pooled @ Wlv.T + blv
    return (mu, logvar, gene_embeddings)

if __name__ == "__main__":
    import jax
    _d = setup_inputs()
    print(jax.jit(kernel)(*tuple(_d.values())))

</pallas_src>

<mosaic_0001>
#map = affine_map<(d0, d1) -> (0, 0, 0)>
#map1 = affine_map<(d0, d1) -> (0)>
module attributes {stable_mosaic.version = 14 : i64} {
  func.func @_deg_body(%arg0: i32, %arg1: i32, %arg2: memref<32x125x80xi32, #tpu.memory_space<hbm>>, %arg3: memref<20480xf32, #tpu.memory_space<hbm>>, %arg4: memref<125x80xi32, #tpu.memory_space<vmem>>, %arg5: memref<80xf32, #tpu.memory_space<vmem>>, %arg6: memref<640xf32, #tpu.memory_space<vmem>>, %arg7: memref<10240xf32, #tpu.memory_space<vmem_shared>>) attributes {dimension_semantics = [#tpu.dimension_semantics<core_parallel>, #tpu.dimension_semantics<subcore_parallel>], iteration_bounds = array<i64: 2, 16>, scalar_prefetch = 0 : i64, scratch_operands = 4 : i64, tpu.core_type = #tpu.core_type<sc_vector_subcore>, window_params = [{transform_indices = #map}, {transform_indices = #map1}]} {
    %mul3A = arith.constant 16 : i32
    %mul3A_0 = arith.muli %arg0, %mul3A : i32
    %add3A = arith.addi %mul3A_0, %arg1 : i32
    %scan3A = arith.constant 0 : i32
    %scan3A_1 = arith.constant 5 : i32
    %scan3A_2 = arith.addi %scan3A, %scan3A_1 : i32
    %scan3A_3 = arith.constant 1 : i32
    scf.for %scan3A_25 = %scan3A to %scan3A_2 step %scan3A_3  : i32 {
      %mul3A_26 = arith.constant 1 : i32
      %mul3A_27 = arith.muli %scan3A_25, %mul3A_26 : i32
      %add3A_28 = arith.constant 0 : i32
      %add3A_29 = arith.addi %add3A_28, %mul3A_27 : i32
      %broadcast_in_dim3A = arith.constant 1.000000e+00 : f32
      %broadcast_in_dim3A_30 = vector.broadcast %broadcast_in_dim3A : f32 to vector<16xf32>
      %mul3A_31 = arith.constant 16 : i32
      %mul3A_32 = arith.muli %add3A_29, %mul3A_31 : i32
      %swap3A = arith.index_cast %mul3A_32 : i32 to index
      %swap3A_33 = tpu.vector_load %arg5[%swap3A] {strides = array<i32>} : memref<80xf32, #tpu.memory_space<vmem>>, vector<16xf32>,
      %swap3A_34 = vector.shape_cast %swap3A_33 : vector<16xf32> to vector<16xf32>
      %swap3A_35 = vector.shape_cast %broadcast_in_dim3A_30 : vector<16xf32> to vector<16xf32>
      tpu.vector_store %arg5[%swap3A], %swap3A_35 {strides = array<i32>} : memref<80xf32, #tpu.memory_space<vmem>>, vector<16xf32>,
    }
    %scan3A_4 = arith.constant 5 : i32
    %scan3A_5 = arith.constant 0 : i32
    %scan3A_6 = arith.constant 40 : i32
    %scan3A_7 = arith.addi %scan3A_5, %scan3A_6 : i32
    %scan3A_8 = arith.constant 1 : i32
    scf.for %scan3A_25 = %scan3A_5 to %scan3A_7 step %scan3A_8  : i32 {
      %mul3A_26 = arith.constant 1 : i32
      %mul3A_27 = arith.muli %scan3A_25, %mul3A_26 : i32
      %add3A_28 = arith.constant 0 : i32
      %add3A_29 = arith.addi %add3A_28, %mul3A_27 : i32
      %broadcast_in_dim3A = arith.constant 0.000000e+00 : f32
      %broadcast_in_dim3A_30 = vector.broadcast %broadcast_in_dim3A : f32 to vector<16xf32>
      %mul3A_31 = arith.constant 16 : i32
      %mul3A_32 = arith.muli %add3A_29, %mul3A_31 : i32
      %swap3A = arith.index_cast %mul3A_32 : i32 to index
      %swap3A_33 = tpu.vector_load %arg6[%swap3A] {strides = array<i32>} : memref<640xf32, #tpu.memory_space<vmem>>, vector<16xf32>,
      %swap3A_34 = vector.shape_cast %swap3A_33 : vector<16xf32> to vector<16xf32>
      %swap3A_35 = vector.shape_cast %broadcast_in_dim3A_30 : vector<16xf32> to vector<16xf32>
      tpu.vector_store %arg6[%swap3A], %swap3A_35 {strides = array<i32>} : memref<640xf32, #tpu.memory_space<vmem>>, vector<16xf32>,
    }
    %scan3A_9 = arith.constant 40 : i32
    %mul3A_10 = arith.constant 640 : i32
    %mul3A_11 = arith.muli %arg1, %mul3A_10 : i32
    "tpu.region"() ({
      %run_scoped3A = tpu.sem_alloc : memref<!tpu.dma_semaphore, #tpu.memory_space<semaphore_mem>>
      %dma_start3A = tpu.memref_slice %arg7[%mul3A_11] : memref<10240xf32, #tpu.memory_space<vmem_shared>> -> memref<640xf32, #tpu.memory_space<vmem_shared>>
      %dma_start3A_25 = tpu.memref_slice %arg7[%mul3A_11] : memref<10240xf32, #tpu.memory_space<vmem_shared>> -> memref<640xf32, #tpu.memory_space<vmem_shared>>
      tpu.enqueue_dma source(%arg6 : memref<640xf32, #tpu.memory_space<vmem>>) target(%dma_start3A_25 : memref<640xf32, #tpu.memory_space<vmem_shared>>) target_semaphore(%run_scoped3A : memref<!tpu.dma_semaphore, #tpu.memory_space<semaphore_mem>>)
      %dma_wait3A = tpu.memref_slice %arg7[%mul3A_11] : memref<10240xf32, #tpu.memory_space<vmem_shared>> -> memref<640xf32, #tpu.memory_space<vmem_shared>>
      %dma_wait3A_26 = tpu.memref_slice %arg7[%mul3A_11] : memref<10240xf32, #tpu.memory_space<vmem_shared>> -> memref<640xf32, #tpu.memory_space<vmem_shared>>
      tpu.wait_dma2 semaphore(%run_scoped3A : memref<!tpu.dma_semaphore, #tpu.memory_space<semaphore_mem>>) src(%arg6 : memref<640xf32, #tpu.memory_space<vmem>>) dst(%dma_wait3A_26 : memref<640xf32, #tpu.memory_space<vmem_shared>>)
      tpu.yield
    }) : () -> ()
    "tpu.region"() ({
      %run_scoped3A = tpu.sem_alloc : memref<!tpu.dma_semaphore, #tpu.memory_space<semaphore_mem>>
      %dma_start3A = arith.constant 0 : i32
      %dma_start3A_25 = arith.constant 0 : i32
      %dma_start3A_26 = tpu.memref_slice %arg2[%add3A, %dma_start3A, %dma_start3A_25] : memref<32x125x80xi32, #tpu.memory_space<hbm>> -> memref<1x125x80xi32, #tpu.memory_space<hbm>>
      %dma_start3A_27 = tpu.memref_squeeze %dma_start3A_26 : memref<1x125x80xi32, #tpu.memory_space<hbm>> -> memref<125x80xi32, #tpu.memory_space<hbm>>
      %dma_start3A_28 = arith.constant 0 : i32
      %dma_start3A_29 = arith.constant 0 : i32
      %dma_start3A_30 = tpu.memref_slice %arg2[%add3A, %dma_start3A_28, %dma_start3A_29] : memref<32x125x80xi32, #tpu.memory_space<hbm>> -> memref<1x125x80xi32, #tpu.memory_space<hbm>>
      %dma_start3A_31 = tpu.memref_squeeze %dma_start3A_30 : memref<1x125x80xi32, #tpu.memory_space<hbm>> -> memref<125x80xi32, #tpu.memory_space<hbm>>
      tpu.enqueue_dma source(%dma_start3A_31 : memref<125x80xi32, #tpu.memory_space<hbm>>) target(%arg4 : memref<125x80xi32, #tpu.memory_space<vmem>>) target_semaphore(%run_scoped3A : memref<!tpu.dma_semaphore, #tpu.memory_space<semaphore_mem>>)
      %dma_wait3A = arith.constant 0 : i32
      %dma_wait3A_32 = arith.constant 0 : i32
      %dma_wait3A_33 = tpu.memref_slice %arg2[%add3A, %dma_wait3A, %dma_wait3A_32] : memref<32x125x80xi32, #tpu.memory_space<hbm>> -> memref<1x125x80xi32, #tpu.memory_space<hbm>>
      %dma_wait3A_34 = tpu.memref_squeeze %dma_wait3A_33 : memref<1x125x80xi32, #tpu.memory_space<hbm>> -> memref<125x80xi32, #tpu.memory_space<hbm>>
      %dma_wait3A_35 = arith.constant 0 : i32
      %dma_wait3A_36 = arith.constant 0 : i32
      %dma_wait3A_37 = tpu.memref_slice %arg2[%add3A, %dma_wait3A_35, %dma_wait3A_36] : memref<32x125x80xi32, #tpu.memory_space<hbm>> -> memref<1x125x80xi32, #tpu.memory_space<hbm>>
      %dma_wait3A_38 = tpu.memref_squeeze %dma_wait3A_37 : memref<1x125x80xi32, #tpu.memory_space<hbm>> -> memref<125x80xi32, #tpu.memory_space<hbm>>
      tpu.wait_dma2 semaphore(%run_scoped3A : memref<!tpu.dma_semaphore, #tpu.memory_space<semaphore_mem>>) src(%dma_wait3A_38 : memref<125x80xi32, #tpu.memory_space<hbm>>) dst(%arg4 : memref<125x80xi32, #tpu.memory_space<vmem>>)
      tpu.yield
    }) : () -> ()
    %barrier3A = arith.constant 0 : index
    tpu.barrier barrier_id(%barrier3A)
    %scan3A_12 = arith.constant 0 : i32
    %scan3A_13 = arith.constant 125 : i32
    %scan3A_14 = arith.addi %scan3A_12, %scan3A_13 : i32
    %scan3A_15 = arith.constant 1 : i32
    scf.for %scan3A_25 = %scan3A_12 to %scan3A_14 step %scan3A_15  : i32 {
      %mul3A_26 = arith.constant 1 : i32
      %mul3A_27 = arith.muli %scan3A_25, %mul3A_26 : i32
      %add3A_28 = arith.constant 0 : i32
      %add3A_29 = arith.addi %add3A_28, %mul3A_27 : i32
      "tpu.region"() ({
        %run_scoped3A = tpu.sem_alloc : memref<!tpu.dma_semaphore, #tpu.memory_space<semaphore_mem>>
        %dma_start3A = arith.constant 0 : i32
        %dma_start3A_30 = tpu.memref_slice %arg4[%add3A_29, %dma_start3A] : memref<125x80xi32, #tpu.memory_space<vmem>> -> memref<1x80xi32, #tpu.memory_space<vmem>>
        %dma_start3A_31 = tpu.memref_squeeze %dma_start3A_30 : memref<1x80xi32, #tpu.memory_space<vmem>> -> memref<80xi32, #tpu.memory_space<vmem>>
        %dma_start3A_32 = arith.constant 0 : i32
        %dma_start3A_33 = tpu.memref_slice %arg7[%dma_start3A_32] : memref<10240xf32, #tpu.memory_space<vmem_shared>> -> memref<10240xf32, #tpu.memory_space<vmem_shared>>
        tpu.enqueue_indirect_dma source(%arg5 : memref<80xf32, #tpu.memory_space<vmem>>) target(%dma_start3A_33 : memref<10240xf32, #tpu.memory_space<vmem_shared>>) offsets(%dma_start3A_31 : memref<80xi32, #tpu.memory_space<vmem>>) semaphore(%run_scoped3A : memref<!tpu.dma_semaphore, #tpu.memory_space<semaphore_mem>>) {add = true}
        %dma_wait3A = arith.constant 0 : i32
        %dma_wait3A_34 = tpu.memref_slice %arg4[%add3A_29, %dma_wait3A] : memref<125x80xi32, #tpu.memory_space<vmem>> -> memref<1x80xi32, #tpu.memory_space<vmem>>
        %dma_wait3A_35 = tpu.memref_squeeze %dma_wait3A_34 : memref<1x80xi32, #tpu.memory_space<vmem>> -> memref<80xi32, #tpu.memory_space<vmem>>
        %dma_wait3A_36 = arith.constant 0 : i32
        %dma_wait3A_37 = tpu.memref_slice %arg7[%dma_wait3A_36] : memref<10240xf32, #tpu.memory_space<vmem_shared>> -> memref<10240xf32, #tpu.memory_space<vmem_shared>>
        tpu.wait_indirect_dma semaphore(%run_scoped3A : memref<!tpu.dma_semaphore, #tpu.memory_space<semaphore_mem>>) src(%arg5 : memref<80xf32, #tpu.memory_space<vmem>>) dst(%dma_wait3A_37 : memref<10240xf32, #tpu.memory_space<vmem_shared>>)
        tpu.yield
      }) : () -> ()
    }
    %scan3A_16 = arith.constant 125 : i32
    %barrier3A_17 = arith.constant 0 : index
    tpu.barrier barrier_id(%barrier3A_17)
    %mul3A_18 = arith.constant 10240 : i32
    %mul3A_19 = arith.muli %arg0, %mul3A_18 : i32
    %mul3A_20 = arith.constant 640 : i32
    %mul3A_21 = arith.muli %arg1, %mul3A_20 : i32
    %add3A_22 = arith.addi %mul3A_19, %mul3A_21 : i32
    %mul3A_23 = arith.constant 640 : i32
    %mul3A_24 = arith.muli %arg1, %mul3A_23 : i32
    "tpu.region"() ({
      %run_scoped3A = tpu.sem_alloc : memref<!tpu.dma_semaphore, #tpu.memory_space<semaphore_mem>>
      %dma_start3A = tpu.memref_slice %arg3[%add3A_22] : memref<20480xf32, #tpu.memory_space<hbm>> -> memref<640xf32, #tpu.memory_space<hbm>>
      %dma_start3A_25 = tpu.memref_slice %arg7[%mul3A_24] : memref<10240xf32, #tpu.memory_space<vmem_shared>> -> memref<640xf32, #tpu.memory_space<vmem_shared>>
      tpu.enqueue_dma source(%dma_start3A_25 : memref<640xf32, #tpu.memory_space<vmem_shared>>) target(%dma_start3A : memref<640xf32, #tpu.memory_space<hbm>>) target_semaphore(%run_scoped3A : memref<!tpu.dma_semaphore, #tpu.memory_space<semaphore_mem>>)
      %dma_wait3A = tpu.memref_slice %arg3[%add3A_22] : memref<20480xf32, #tpu.memory_space<hbm>> -> memref<640xf32, #tpu.memory_space<hbm>>
      %dma_wait3A_26 = tpu.memref_slice %arg7[%mul3A_24] : memref<10240xf32, #tpu.memory_space<vmem_shared>> -> memref<640xf32, #tpu.memory_space<vmem_shared>>
      tpu.wait_dma2 semaphore(%run_scoped3A : memref<!tpu.dma_semaphore, #tpu.memory_space<semaphore_mem>>) src(%dma_wait3A_26 : memref<640xf32, #tpu.memory_space<vmem_shared>>) dst(%dma_wait3A : memref<640xf32, #tpu.memory_space<hbm>>)
      tpu.yield
    }) : () -> ()
    return
  }
}

#map = affine_map<(d0, d1) -> (0, 0, 0)>
module attributes {stable_mosaic.version = 14 : i64} {
  func.func @_agg_body(%arg0: i32, %arg1: i32, %arg2: memref<2x10240x64xf32, #tpu.memory_space<hbm>>, %arg3: memref<16x250x80xi32, #tpu.memory_space<hbm>>, %arg4: memref<16x250x80xi32, #tpu.memory_space<hbm>>, %arg5: memref<2x10240x64xf32, #tpu.memory_space<hbm>>, %arg6: memref<250x80xi32, #tpu.memory_space<vmem>>, %arg7: memref<250x80xi32, #tpu.memory_space<vmem>>, %arg8: memref<128x64xf32, #tpu.memory_space<vmem>>, %arg9: memref<10240x64xf32, #tpu.memory_space<vmem_shared>>, %arg10: memref<80x64xf32, #tpu.memory_space<vmem>>, %arg11: memref<80x64xf32, #tpu.memory_space<vmem>>, %arg12: memref<80x64xf32, #tpu.memory_space<vmem>>, %arg13: memref<80x64xf32, #tpu.memory_space<vmem>>, %arg14: memref<80x64xf32, #tpu.memory_space<vmem>>, %arg15: memref<!tpu.dma_semaphore, #tpu.memory_space<semaphore_mem>>, %arg16: memref<!tpu.dma_semaphore, #tpu.memory_space<semaphore_mem>>, %arg17: memref<!tpu.dma_semaphore, #tpu.memory_space<semaphore_mem>>, %arg18: memref<!tpu.dma_semaphore, #tpu.memory_space<semaphore_mem>>, %arg19: memref<!tpu.dma_semaphore, #tpu.memory_space<semaphore_mem>>, %arg20: memref<!tpu.dma_semaphore, #tpu.memory_space<semaphore_mem>>, %arg21: memref<!tpu.dma_semaphore, #tpu.memory_space<semaphore_mem>>, %arg22: memref<!tpu.dma_semaphore, #tpu.memory_space<semaphore_mem>>, %arg23: memref<!tpu.dma_semaphore, #tpu.memory_space<semaphore_mem>>, %arg24: memref<!tpu.dma_semaphore, #tpu.memory_space<semaphore_mem>>) attributes {dimension_semantics = [#tpu.dimension_semantics<core_parallel>, #tpu.dimension_semantics<subcore_parallel>], iteration_bounds = array<i64: 2, 16>, scalar_prefetch = 0 : i64, scratch_operands = 19 : i64, tpu.core_type = #tpu.core_type<sc_vector_subcore>, window_params = [{transform_indices = #map}, {transform_indices = #map}, {transform_indices = #map}, {transform_indices = #map}]} {
    %scan3A = arith.constant 0 : i32
    %scan3A_0 = arith.constant 128 : i32
    %scan3A_1 = arith.addi %scan3A, %scan3A_0 : i32
    %scan3A_2 = arith.constant 1 : i32
    scf.for %scan3A_108 = %scan3A to %scan3A_1 step %scan3A_2  : i32 {
      %mul3A = arith.constant 1 : i32
      %mul3A_109 = arith.muli %scan3A_108, %mul3A : i32
      %add3A = arith.constant 0 : i32
      %add3A_110 = arith.addi %add3A, %mul3A_109 : i32
      %broadcast_in_dim3A = arith.constant 0.000000e+00 : f32
      %broadcast_in_dim3A_111 = vector.broadcast %broadcast_in_dim3A : f32 to vector<16xf32>
      %swap3A = arith.index_cast %add3A_110 : i32 to index
      %swap3A_112 = arith.constant 0 : index
      %swap3A_113 = tpu.vector_load %arg8[%swap3A, %swap3A_112] {strides = array<i32>} : memref<128x64xf32, #tpu.memory_space<vmem>>, vector<1x16xf32>,
      %swap3A_114 = vector.shape_cast %swap3A_113 : vector<1x16xf32> to vector<16xf32>
      %swap3A_115 = vector.shape_cast %broadcast_in_dim3A_111 : vector<16xf32> to vector<1x16xf32>
      tpu.vector_store %arg8[%swap3A, %swap3A_112], %swap3A_115 {strides = array<i32>} : memref<128x64xf32, #tpu.memory_space<vmem>>, vector<1x16xf32>,
      %broadcast_in_dim3A_116 = arith.constant 0.000000e+00 : f32
      %broadcast_in_dim3A_117 = vector.broadcast %broadcast_in_dim3A_116 : f32 to vector<16xf32>
      %swap3A_118 = arith.index_cast %add3A_110 : i32 to index
      %swap3A_119 = arith.constant 16 : index
      %swap3A_120 = tpu.vector_load %arg8[%swap3A_118, %swap3A_119] {strides = array<i32>} : memref<128x64xf32, #tpu.memory_space<vmem>>, vector<1x16xf32>,
      %swap3A_121 = vector.shape_cast %swap3A_120 : vector<1x16xf32> to vector<16xf32>
      %swap3A_122 = vector.shape_cast %broadcast_in_dim3A_117 : vector<16xf32> to vector<1x16xf32>
      tpu.vector_store %arg8[%swap3A_118, %swap3A_119], %swap3A_122 {strides = array<i32>} : memref<128x64xf32, #tpu.memory_space<vmem>>, vector<1x16xf32>,
      %broadcast_in_dim3A_123 = arith.constant 0.000000e+00 : f32
      %broadcast_in_dim3A_124 = vector.broadcast %broadcast_in_dim3A_123 : f32 to vector<16xf32>
      %swap3A_125 = arith.index_cast %add3A_110 : i32 to index
      %swap3A_126 = arith.constant 32 : index
      %swap3A_127 = tpu.vector_load %arg8[%swap3A_125, %swap3A_126] {strides = array<i32>} : memref<128x64xf32, #tpu.memory_space<vmem>>, vector<1x16xf32>,
      %swap3A_128 = vector.shape_cast %swap3A_127 : vector<1x16xf32> to vector<16xf32>
      %swap3A_129 = vector.shape_cast %broadcast_in_dim3A_124 : vector<16xf32> to vector<1x16xf32>
      tpu.vector_store %arg8[%swap3A_125, %swap3A_126], %swap3A_129 {strides = array<i32>} : memref<128x64xf32, #tpu.memory_space<vmem>>, vector<1x16xf32>,
      %broadcast_in_dim3A_130 = arith.constant 0.000000e+00 : f32
      %broadcast_in_dim3A_131 = vector.broadcast %broadcast_in_dim3A_130 : f32 to vector<16xf32>
      %swap3A_132 = arith.index_cast %add3A_110 : i32 to index
      %swap3A_133 = arith.constant 48 : index
      %swap3A_134 = tpu.vector_load %arg8[%swap3A_132, %swap3A_133] {strides = array<i32>} : memref<128x64xf32, #tpu.memory_space<vmem>>, vector<1x16xf32>,
      %swap3A_135 = vector.shape_cast %swap3A_134 : vector<1x16xf32> to vector<16xf32>
      %swap3A_136 = vector.shape_cast %broadcast_in_dim3A_131 : vector<16xf32> to vector<1x16xf32>
      tpu.vector_store %arg8[%swap3A_132, %swap3A_133], %swap3A_136 {strides = array<i32>} : memref<128x64xf32, #tpu.memory_space<vmem>>, vector<1x16xf32>,
    }
    %scan3A_3 = arith.constant 128 : i32
    %scan3A_4 = arith.constant 0 : i32
    %scan3A_5 = arith.constant 5 : i32
    %scan3A_6 = arith.addi %scan3A_4, %scan3A_5 : i32
    %scan3A_7 = arith.constant 1 : i32
    scf.for %scan3A_108 = %scan3A_4 to %scan3A_6 step %scan3A_7  : i32 {
      %mul3A = arith.constant 1 : i32
      %mul3A_109 = arith.muli %scan3A_108, %mul3A : i32
      %add3A = arith.constant 0 : i32
      %add3A_110 = arith.addi %add3A, %mul3A_109 : i32
      %mul3A_111 = arith.constant 640 : i32
      %mul3A_112 = arith.muli %arg1, %mul3A_111 : i32
      %mul3A_113 = arith.constant 128 : i32
      %mul3A_114 = arith.muli %add3A_110, %mul3A_113 : i32
      %add3A_115 = arith.addi %mul3A_112, %mul3A_114 : i32
      "tpu.region"() ({
        %run_scoped3A = tpu.sem_alloc : memref<!tpu.dma_semaphore, #tpu.memory_space<semaphore_mem>>
        %dma_start3A_116 = arith.constant 0 : i32
        %dma_start3A_117 = tpu.memref_slice %arg9[%add3A_115, %dma_start3A_116] : memref<10240x64xf32, #tpu.memory_space<vmem_shared>> -> memref<128x64xf32, #tpu.memory_space<vmem_shared>>
        %dma_start3A_118 = arith.constant 0 : i32
        %dma_start3A_119 = tpu.memref_slice %arg9[%add3A_115, %dma_start3A_118] : memref<10240x64xf32, #tpu.memory_space<vmem_shared>> -> memref<128x64xf32, #tpu.memory_space<vmem_shared>>
        tpu.enqueue_dma source(%arg8 : memref<128x64xf32, #tpu.memory_space<vmem>>) target(%dma_start3A_119 : memref<128x64xf32, #tpu.memory_space<vmem_shared>>) target_semaphore(%run_scoped3A : memref<!tpu.dma_semaphore, #tpu.memory_space<semaphore_mem>>)
        %dma_wait3A_120 = arith.constant 0 : i32
        %dma_wait3A_121 = tpu.memref_slice %arg9[%add3A_115, %dma_wait3A_120] : memref<10240x64xf32, #tpu.memory_space<vmem_shared>> -> memref<128x64xf32, #tpu.memory_space<vmem_shared>>
        %dma_wait3A_122 = arith.constant 0 : i32
        %dma_wait3A_123 = tpu.memref_slice %arg9[%add3A_115, %dma_wait3A_122] : memref<10240x64xf32, #tpu.memory_space<vmem_shared>> -> memref<128x64xf32, #tpu.memory_space<vmem_shared>>
        tpu.wait_dma2 semaphore(%run_scoped3A : memref<!tpu.dma_semaphore, #tpu.memory_space<semaphore_mem>>) src(%arg8 : memref<128x64xf32, #tpu.memory_space<vmem>>) dst(%dma_wait3A_123 : memref<128x64xf32, #tpu.memory_space<vmem_shared>>)
        tpu.yield
      }) : () -> ()
    }
    %scan3A_8 = arith.constant 5 : i32
    "tpu.region"() ({
      %run_scoped3A = tpu.sem_alloc : memref<!tpu.dma_semaphore, #tpu.memory_space<semaphore_mem>>
      %dma_start3A_108 = arith.constant 0 : i32
      %dma_start3A_109 = arith.constant 0 : i32
      %dma_start3A_110 = tpu.memref_slice %arg3[%arg1, %dma_start3A_108, %dma_start3A_109] : memref<16x250x80xi32, #tpu.memory_space<hbm>> -> memref<1x250x80xi32, #tpu.memory_space<hbm>>
      %dma_start3A_111 = tpu.memref_squeeze %dma_start3A_110 : memref<1x250x80xi32, #tpu.memory_space<hbm>> -> memref<250x80xi32, #tpu.memory_space<hbm>>
      %dma_start3A_112 = arith.constant 0 : i32
      %dma_start3A_113 = arith.constant 0 : i32
      %dma_start3A_114 = tpu.memref_slice %arg3[%arg1, %dma_start3A_112, %dma_start3A_113] : memref<16x250x80xi32, #tpu.memory_space<hbm>> -> memref<1x250x80xi32, #tpu.memory_space<hbm>>
      %dma_start3A_115 = tpu.memref_squeeze %dma_start3A_114 : memref<1x250x80xi32, #tpu.memory_space<hbm>> -> memref<250x80xi32, #tpu.memory_space<hbm>>
      tpu.enqueue_dma source(%dma_start3A_115 : memref<250x80xi32, #tpu.memory_space<hbm>>) target(%arg6 : memref<250x80xi32, #tpu.memory_space<vmem>>) target_semaphore(%run_scoped3A : memref<!tpu.dma_semaphore, #tpu.memory_space<semaphore_mem>>)
      %dma_wait3A_116 = arith.constant 0 : i32
      %dma_wait3A_117 = arith.constant 0 : i32
      %dma_wait3A_118 = tpu.memref_slice %arg3[%arg1, %dma_wait3A_116, %dma_wait3A_117] : memref<16x250x80xi32, #tpu.memory_space<hbm>> -> memref<1x250x80xi32, #tpu.memory_space<hbm>>
      %dma_wait3A_119 = tpu.memref_squeeze %dma_wait3A_118 : memref<1x250x80xi32, #tpu.memory_space<hbm>> -> memref<250x80xi32, #tpu.memory_space<hbm>>
      %dma_wait3A_120 = arith.constant 0 : i32
      %dma_wait3A_121 = arith.constant 0 : i32
      %dma_wait3A_122 = tpu.memref_slice %arg3[%arg1, %dma_wait3A_120, %dma_wait3A_121] : memref<16x250x80xi32, #tpu.memory_space<hbm>> -> memref<1x250x80xi32, #tpu.memory_space<hbm>>
      %dma_wait3A_123 = tpu.memref_squeeze %dma_wait3A_122 : memref<1x250x80xi32, #tpu.memory_space<hbm>> -> memref<250x80xi32, #tpu.memory_space<hbm>>
      tpu.wait_dma2 semaphore(%run_scoped3A : memref<!tpu.dma_semaphore, #tpu.memory_space<semaphore_mem>>) src(%dma_wait3A_123 : memref<250x80xi32, #tpu.memory_space<hbm>>) dst(%arg6 : memref<250x80xi32, #tpu.memory_space<vmem>>)
      tpu.yield
    }) : () -> ()
    "tpu.region"() ({
      %run_scoped3A = tpu.sem_alloc : memref<!tpu.dma_semaphore, #tpu.memory_space<semaphore_mem>>
      %dma_start3A_108 = arith.constant 0 : i32
      %dma_start3A_109 = arith.constant 0 : i32
      %dma_start3A_110 = tpu.memref_slice %arg4[%arg1, %dma_start3A_108, %dma_start3A_109] : memref<16x250x80xi32, #tpu.memory_space<hbm>> -> memref<1x250x80xi32, #tpu.memory_space<hbm>>
      %dma_start3A_111 = tpu.memref_squeeze %dma_start3A_110 : memref<1x250x80xi32, #tpu.memory_space<hbm>> -> memref<250x80xi32, #tpu.memory_space<hbm>>
      %dma_start3A_112 = arith.constant 0 : i32
      %dma_start3A_113 = arith.constant 0 : i32
      %dma_start3A_114 = tpu.memref_slice %arg4[%arg1, %dma_start3A_112, %dma_start3A_113] : memref<16x250x80xi32, #tpu.memory_space<hbm>> -> memref<1x250x80xi32, #tpu.memory_space<hbm>>
      %dma_start3A_115 = tpu.memref_squeeze %dma_start3A_114 : memref<1x250x80xi32, #tpu.memory_space<hbm>> -> memref<250x80xi32, #tpu.memory_space<hbm>>
      tpu.enqueue_dma source(%dma_start3A_115 : memref<250x80xi32, #tpu.memory_space<hbm>>) target(%arg7 : memref<250x80xi32, #tpu.memory_space<vmem>>) target_semaphore(%run_scoped3A : memref<!tpu.dma_semaphore, #tpu.memory_space<semaphore_mem>>)
      %dma_wait3A_116 = arith.constant 0 : i32
      %dma_wait3A_117 = arith.constant 0 : i32
      %dma_wait3A_118 = tpu.memref_slice %arg4[%arg1, %dma_wait3A_116, %dma_wait3A_117] : memref<16x250x80xi32, #tpu.memory_space<hbm>> -> memref<1x250x80xi32, #tpu.memory_space<hbm>>
      %dma_wait3A_119 = tpu.memref_squeeze %dma_wait3A_118 : memref<1x250x80xi32, #tpu.memory_space<hbm>> -> memref<250x80xi32, #tpu.memory_space<hbm>>
      %dma_wait3A_120 = arith.constant 0 : i32
      %dma_wait3A_121 = arith.constant 0 : i32
      %dma_wait3A_122 = tpu.memref_slice %arg4[%arg1, %dma_wait3A_120, %dma_wait3A_121] : memref<16x250x80xi32, #tpu.memory_space<hbm>> -> memref<1x250x80xi32, #tpu.memory_space<hbm>>
      %dma_wait3A_123 = tpu.memref_squeeze %dma_wait3A_122 : memref<1x250x80xi32, #tpu.memory_space<hbm>> -> memref<250x80xi32, #tpu.memory_space<hbm>>
      tpu.wait_dma2 semaphore(%run_scoped3A : memref<!tpu.dma_semaphore, #tpu.memory_space<semaphore_mem>>) src(%dma_wait3A_123 : memref<250x80xi32, #tpu.memory_space<hbm>>) dst(%arg7 : memref<250x80xi32, #tpu.memory_space<vmem>>)
      tpu.yield
    }) : () -> ()
    %barrier3A = arith.constant 0 : index
    tpu.barrier barrier_id(%barrier3A)
    %dma_start3A = arith.constant 0 : i32
    %dma_start3A_9 = arith.constant 0 : i32
    %dma_start3A_10 = tpu.memref_slice %arg6[%dma_start3A, %dma_start3A_9] : memref<250x80xi32, #tpu.memory_space<vmem>> -> memref<1x80xi32, #tpu.memory_space<vmem>>
    %dma_start3A_11 = tpu.memref_squeeze %dma_start3A_10 : memref<1x80xi32, #tpu.memory_space<vmem>> -> memref<80xi32, #tpu.memory_space<vmem>>
    %dma_start3A_12 = arith.constant 0 : i32
    %dma_start3A_13 = arith.constant 0 : i32
    %dma_start3A_14 = tpu.memref_slice %arg2[%arg0, %dma_start3A_12, %dma_start3A_13] : memref<2x10240x64xf32, #tpu.memory_space<hbm>> -> memref<1x10240x64xf32, #tpu.memory_space<hbm>>
    %dma_start3A_15 = tpu.memref_squeeze %dma_start3A_14 : memref<1x10240x64xf32, #tpu.memory_space<hbm>> -> memref<10240x64xf32, #tpu.memory_space<hbm>>
    %dma_start3A_16 = arith.constant 0 : i32
    %dma_start3A_17 = arith.constant 0 : i32
    %dma_start3A_18 = tpu.memref_slice %dma_start3A_15[%dma_start3A_16, %dma_start3A_17] : memref<10240x64xf32, #tpu.memory_space<hbm>> -> memref<10240x64xf32, #tpu.memory_space<hbm>>
    tpu.enqueue_indirect_dma source(%dma_start3A_18 : memref<10240x64xf32, #tpu.memory_space<hbm>>) target(%arg10 : memref<80x64xf32, #tpu.memory_space<vmem>>) offsets(%dma_start3A_11 : memref<80xi32, #tpu.memory_space<vmem>>) semaphore(%arg15 : memref<!tpu.dma_semaphore, #tpu.memory_space<semaphore_mem>>)
    %dma_start3A_19 = arith.constant 1 : i32
    %dma_start3A_20 = arith.constant 0 : i32
    %dma_start3A_21 = tpu.memref_slice %arg6[%dma_start3A_19, %dma_start3A_20] : memref<250x80xi32, #tpu.memory_space<vmem>> -> memref<1x80xi32, #tpu.memory_space<vmem>>
    %dma_start3A_22 = tpu.memref_squeeze %dma_start3A_21 : memref<1x80xi32, #tpu.memory_space<vmem>> -> memref<80xi32, #tpu.memory_space<vmem>>
    %dma_start3A_23 = arith.constant 0 : i32
    %dma_start3A_24 = arith.constant 0 : i32
    %dma_start3A_25 = tpu.memref_slice %arg2[%arg0, %dma_start3A_23, %dma_start3A_24] : memref<2x10240x64xf32, #tpu.memory_space<hbm>> -> memref<1x10240x64xf32, #tpu.memory_space<hbm>>
    %dma_start3A_26 = tpu.memref_squeeze %dma_start3A_25 : memref<1x10240x64xf32, #tpu.memory_space<hbm>> -> memref<10240x64xf32, #tpu.memory_space<hbm>>
    %dma_start3A_27 = arith.constant 0 : i32
    %dma_start3A_28 = arith.constant 0 : i32
    %dma_start3A_29 = tpu.memref_slice %dma_start3A_26[%dma_start3A_27, %dma_start3A_28] : memref<10240x64xf32, #tpu.memory_space<hbm>> -> memref<10240x64xf32, #tpu.memory_space<hbm>>
    tpu.enqueue_indirect_dma source(%dma_start3A_29 : memref<10240x64xf32, #tpu.memory_space<hbm>>) target(%arg11 : memref<80x64xf32, #tpu.memory_space<vmem>>) offsets(%dma_start3A_22 : memref<80xi32, #tpu.memory_space<vmem>>) semaphore(%arg16 : memref<!tpu.dma_semaphore, #tpu.memory_space<semaphore_mem>>)
    %dma_start3A_30 = arith.constant 2 : i32
    %dma_start3A_31 = arith.constant 0 : i32
    %dma_start3A_32 = tpu.memref_slice %arg6[%dma_start3A_30, %dma_start3A_31] : memref<250x80xi32, #tpu.memory_space<vmem>> -> memref<1x80xi32, #tpu.memory_space<vmem>>
    %dma_start3A_33 = tpu.memref_squeeze %dma_start3A_32 : memref<1x80xi32, #tpu.memory_space<vmem>> -> memref<80xi32, #tpu.memory_space<vmem>>
    %dma_start3A_34 = arith.constant 0 : i32
    %dma_start3A_35 = arith.constant 0 : i32
    %dma_start3A_36 = tpu.memref_slice %arg2[%arg0, %dma_start3A_34, %dma_start3A_35] : memref<2x10240x64xf32, #tpu.memory_space<hbm>> -> memref<1x10240x64xf32, #tpu.memory_space<hbm>>
    %dma_start3A_37 = tpu.memref_squeeze %dma_start3A_36 : memref<1x10240x64xf32, #tpu.memory_space<hbm>> -> memref<10240x64xf32, #tpu.memory_space<hbm>>
    %dma_start3A_38 = arith.constant 0 : i32
    %dma_start3A_39 = arith.constant 0 : i32
    %dma_start3A_40 = tpu.memref_slice %dma_start3A_37[%dma_start3A_38, %dma_start3A_39] : memref<10240x64xf32, #tpu.memory_space<hbm>> -> memref<10240x64xf32, #tpu.memory_space<hbm>>
    tpu.enqueue_indirect_dma source(%dma_start3A_40 : memref<10240x64xf32, #tpu.memory_space<hbm>>) target(%arg12 : memref<80x64xf32, #tpu.memory_space<vmem>>) offsets(%dma_start3A_33 : memref<80xi32, #tpu.memory_space<vmem>>) semaphore(%arg17 : memref<!tpu.dma_semaphore, #tpu.memory_space<semaphore_mem>>)
    %dma_start3A_41 = arith.constant 3 : i32
    %dma_start3A_42 = arith.constant 0 : i32
    %dma_start3A_43 = tpu.memref_slice %arg6[%dma_start3A_41, %dma_start3A_42] : memref<250x80xi32, #tpu.memory_space<vmem>> -> memref<1x80xi32, #tpu.memory_space<vmem>>
    %dma_start3A_44 = tpu.memref_squeeze %dma_start3A_43 : memref<1x80xi32, #tpu.memory_space<vmem>> -> memref<80xi32, #tpu.memory_space<vmem>>
    %dma_start3A_45 = arith.constant 0 : i32
    %dma_start3A_46 = arith.constant 0 : i32
    %dma_start3A_47 = tpu.memref_slice %arg2[%arg0, %dma_start3A_45, %dma_start3A_46] : memref<2x10240x64xf32, #tpu.memory_space<hbm>> -> memref<1x10240x64xf32, #tpu.memory_space<hbm>>
    %dma_start3A_48 = tpu.memref_squeeze %dma_start3A_47 : memref<1x10240x64xf32, #tpu.memory_space<hbm>> -> memref<10240x64xf32, #tpu.memory_space<hbm>>
    %dma_start3A_49 = arith.constant 0 : i32
    %dma_start3A_50 = arith.constant 0 : i32
    %dma_start3A_51 = tpu.memref_slice %dma_start3A_48[%dma_start3A_49, %dma_start3A_50] : memref<10240x64xf32, #tpu.memory_space<hbm>> -> memref<10240x64xf32, #tpu.memory_space<hbm>>
    tpu.enqueue_indirect_dma source(%dma_start3A_51 : memref<10240x64xf32, #tpu.memory_space<hbm>>) target(%arg13 : memref<80x64xf32, #tpu.memory_space<vmem>>) offsets(%dma_start3A_44 : memref<80xi32, #tpu.memory_space<vmem>>) semaphore(%arg18 : memref<!tpu.dma_semaphore, #tpu.memory_space<semaphore_mem>>)
    %dma_start3A_52 = arith.constant 4 : i32
    %dma_start3A_53 = arith.constant 0 : i32
    %dma_start3A_54 = tpu.memref_slice %arg6[%dma_start3A_52, %dma_start3A_53] : memref<250x80xi32, #tpu.memory_space<vmem>> -> memref<1x80xi32, #tpu.memory_space<vmem>>
    %dma_start3A_55 = tpu.memref_squeeze %dma_start3A_54 : memref<1x80xi32, #tpu.memory_space<vmem>> -> memref<80xi32, #tpu.memory_space<vmem>>
    %dma_start3A_56 = arith.constant 0 : i32
    %dma_start3A_57 = arith.constant 0 : i32
    %dma_start3A_58 = tpu.memref_slice %arg2[%arg0, %dma_start3A_56, %dma_start3A_57] : memref<2x10240x64xf32, #tpu.memory_space<hbm>> -> memref<1x10240x64xf32, #tpu.memory_space<hbm>>
    %dma_start3A_59 = tpu.memref_squeeze %dma_start3A_58 : memref<1x10240x64xf32, #tpu.memory_space<hbm>> -> memref<10240x64xf32, #tpu.memory_space<hbm>>
    %dma_start3A_60 = arith.constant 0 : i32
    %dma_start3A_61 = arith.constant 0 : i32
    %dma_start3A_62 = tpu.memref_slice %dma_start3A_59[%dma_start3A_60, %dma_start3A_61] : memref<10240x64xf32, #tpu.memory_space<hbm>> -> memref<10240x64xf32, #tpu.memory_space<hbm>>
    tpu.enqueue_indirect_dma source(%dma_start3A_62 : memref<10240x64xf32, #tpu.memory_space<hbm>>) target(%arg14 : memref<80x64xf32, #tpu.memory_space<vmem>>) offsets(%dma_start3A_55 : memref<80xi32, #tpu.memory_space<vmem>>) semaphore(%arg19 : memref<!tpu.dma_semaphore, #tpu.memory_space<semaphore_mem>>)
    %scan3A_63 = arith.constant 0 : i32
    %scan3A_64 = arith.constant 50 : i32
    %scan3A_65 = arith.addi %scan3A_63, %scan3A_64 : i32
    %scan3A_66 = arith.constant 1 : i32
    scf.for %scan3A_108 = %scan3A_63 to %scan3A_65 step %scan3A_66  : i32 {
      %mul3A = arith.constant 5 : i32
      %mul3A_109 = arith.muli %scan3A_108, %mul3A : i32
      %add3A = arith.constant 0 : i32
      %add3A_110 = arith.addi %add3A, %mul3A_109 : i32
      %add3A_111 = arith.constant 0 : i32
      %add3A_112 = arith.addi %add3A_110, %add3A_111 : i32
      %dma_wait3A_113 = arith.constant 0 : i32
      %dma_wait3A_114 = tpu.memref_slice %arg6[%add3A_112, %dma_wait3A_113] : memref<250x80xi32, #tpu.memory_space<vmem>> -> memref<1x80xi32, #tpu.memory_space<vmem>>
      %dma_wait3A_115 = tpu.memref_squeeze %dma_wait3A_114 : memref<1x80xi32, #tpu.memory_space<vmem>> -> memref<80xi32, #tpu.memory_space<vmem>>
      %dma_wait3A_116 = arith.constant 0 : i32
      %dma_wait3A_117 = arith.constant 0 : i32
      %dma_wait3A_118 = tpu.memref_slice %arg2[%arg0, %dma_wait3A_116, %dma_wait3A_117] : memref<2x10240x64xf32, #tpu.memory_space<hbm>> -> memref<1x10240x64xf32, #tpu.memory_space<hbm>>
      %dma_wait3A_119 = tpu.memref_squeeze %dma_wait3A_118 : memref<1x10240x64xf32, #tpu.memory_space<hbm>> -> memref<10240x64xf32, #tpu.memory_space<hbm>>
      %dma_wait3A_120 = arith.constant 0 : i32
      %dma_wait3A_121 = arith.constant 0 : i32
      %dma_wait3A_122 = tpu.memref_slice %dma_wait3A_119[%dma_wait3A_120, %dma_wait3A_121] : memref<10240x64xf32, #tpu.memory_space<hbm>> -> memref<10240x64xf32, #tpu.memory_space<hbm>>
      tpu.wait_indirect_dma semaphore(%arg15 : memref<!tpu.dma_semaphore, #tpu.memory_space<semaphore_mem>>) src(%dma_wait3A_122 : memref<10240x64xf32, #tpu.memory_space<hbm>>) dst(%arg10 : memref<80x64xf32, #tpu.memory_space<vmem>>)
      %dma_start3A_123 = arith.constant 0 : i32
      %dma_start3A_124 = tpu.memref_slice %arg7[%add3A_112, %dma_start3A_123] : memref<250x80xi32, #tpu.memory_space<vmem>> -> memref<1x80xi32, #tpu.memory_space<vmem>>
      %dma_start3A_125 = tpu.memref_squeeze %dma_start3A_124 : memref<1x80xi32, #tpu.memory_space<vmem>> -> memref<80xi32, #tpu.memory_space<vmem>>
      %dma_start3A_126 = arith.constant 0 : i32
      %dma_start3A_127 = arith.constant 0 : i32
      %dma_start3A_128 = tpu.memref_slice %arg9[%dma_start3A_126, %dma_start3A_127] : memref<10240x64xf32, #tpu.memory_space<vmem_shared>> -> memref<10240x64xf32, #tpu.memory_space<vmem_shared>>
      tpu.enqueue_indirect_dma source(%arg10 : memref<80x64xf32, #tpu.memory_space<vmem>>) target(%dma_start3A_128 : memref<10240x64xf32, #tpu.memory_space<vmem_shared>>) offsets(%dma_start3A_125 : memref<80xi32, #tpu.memory_space<vmem>>) semaphore(%arg20 : memref<!tpu.dma_semaphore, #tpu.memory_space<semaphore_mem>>) {add = true}
      %sub3A = arith.constant 1 : i32
      %sub3A_129 = arith.subi %add3A_112, %sub3A : i32
      %add3A_130 = arith.constant 5 : i32
      %add3A_131 = arith.addi %sub3A_129, %add3A_130 : i32
      %gt3A = arith.constant 0 : i32
      %gt3A_132 = arith.cmpi sgt, %add3A_110, %gt3A : i32
      %convert_element_type3A = arith.extui %gt3A_132 : i1 to i32
      %cond3A = arith.constant 0 : i32
      %cond3A_133 = arith.cmpi ne, %convert_element_type3A, %cond3A : i32
      scf.if %cond3A_133 {
        %dma_wait3A_241 = arith.constant 0 : i32
        %dma_wait3A_242 = arith.constant 0 : i32
        %dma_wait3A_243 = tpu.memref_slice %arg7[%dma_wait3A_241, %dma_wait3A_242] : memref<250x80xi32, #tpu.memory_space<vmem>> -> memref<1x80xi32, #tpu.memory_space<vmem>>
        %dma_wait3A_244 = tpu.memref_squeeze %dma_wait3A_243 : memref<1x80xi32, #tpu.memory_space<vmem>> -> memref<80xi32, #tpu.memory_space<vmem>>
        %dma_wait3A_245 = arith.constant 0 : i32
        %dma_wait3A_246 = arith.constant 0 : i32
        %dma_wait3A_247 = tpu.memref_slice %arg9[%dma_wait3A_245, %dma_wait3A_246] : memref<10240x64xf32, #tpu.memory_space<vmem_shared>> -> memref<10240x64xf32, #tpu.memory_space<vmem_shared>>
        tpu.wait_indirect_dma semaphore(%arg24 : memref<!tpu.dma_semaphore, #tpu.memory_space<semaphore_mem>>) src(%arg14 : memref<80x64xf32, #tpu.memory_space<vmem>>) dst(%dma_wait3A_247 : memref<10240x64xf32, #tpu.memory_space<vmem_shared>>)
        %dma_start3A_248 = arith.constant 0 : i32
        %dma_start3A_249 = tpu.memref_slice %arg6[%add3A_131, %dma_start3A_248] : memref<250x80xi32, #tpu.memory_space<vmem>> -> memref<1x80xi32, #tpu.memory_space<vmem>>
        %dma_start3A_250 = tpu.memref_squeeze %dma_start3A_249 : memref<1x80xi32, #tpu.memory_space<vmem>> -> memref<80xi32, #tpu.memory_space<vmem>>
        %dma_start3A_251 = arith.constant 0 : i32
        %dma_start3A_252 = arith.constant 0 : i32
        %dma_start3A_253 = tpu.memref_slice %arg2[%arg0, %dma_start3A_251, %dma_start3A_252] : memref<2x10240x64xf32, #tpu.memory_space<hbm>> -> memref<1x10240x64xf32, #tpu.memory_space<hbm>>
        %dma_start3A_254 = tpu.memref_squeeze %dma_start3A_253 : memref<1x10240x64xf32, #tpu.memory_space<hbm>> -> memref<10240x64xf32, #tpu.memory_space<hbm>>
        %dma_start3A_255 = arith.constant 0 : i32
        %dma_start3A_256 = arith.constant 0 : i32
        %dma_start3A_257 = tpu.memref_slice %dma_start3A_254[%dma_start3A_255, %dma_start3A_256] : memref<10240x64xf32, #tpu.memory_space<hbm>> -> memref<10240x64xf32, #tpu.memory_space<hbm>>
        tpu.enqueue_indirect_dma source(%dma_start3A_257 : memref<10240x64xf32, #tpu.memory_space<hbm>>) target(%arg14 : memref<80x64xf32, #tpu.memory_space<vmem>>) offsets(%dma_start3A_250 : memref<80xi32, #tpu.memory_space<vmem>>) semaphore(%arg19 : memref<!tpu.dma_semaphore, #tpu.memory_space<semaphore_mem>>)
      } else {
      }
      %add3A_134 = arith.constant 1 : i32
      %add3A_135 = arith.addi %add3A_110, %add3A_134 : i32
      %dma_wait3A_136 = arith.constant 0 : i32
      %dma_wait3A_137 = tpu.memref_slice %arg6[%add3A_135, %dma_wait3A_136] : memref<250x80xi32, #tpu.memory_space<vmem>> -> memref<1x80xi32, #tpu.memory_space<vmem>>
      %dma_wait3A_138 = tpu.memref_squeeze %dma_wait3A_137 : memref<1x80xi32, #tpu.memory_space<vmem>> -> memref<80xi32, #tpu.memory_space<vmem>>
      %dma_wait3A_139 = arith.constant 0 : i32
      %dma_wait3A_140 = arith.constant 0 : i32
      %dma_wait3A_141 = tpu.memref_slice %arg2[%arg0, %dma_wait3A_139, %dma_wait3A_140] : memref<2x10240x64xf32, #tpu.memory_space<hbm>> -> memref<1x10240x64xf32, #tpu.memory_space<hbm>>
      %dma_wait3A_142 = tpu.memref_squeeze %dma_wait3A_141 : memref<1x10240x64xf32, #tpu.memory_space<hbm>> -> memref<10240x64xf32, #tpu.memory_space<hbm>>
      %dma_wait3A_143 = arith.constant 0 : i32
      %dma_wait3A_144 = arith.constant 0 : i32
      %dma_wait3A_145 = tpu.memref_slice %dma_wait3A_142[%dma_wait3A_143, %dma_wait3A_144] : memref<10240x64xf32, #tpu.memory_space<hbm>> -> memref<10240x64xf32, #tpu.memory_space<hbm>>
      tpu.wait_indirect_dma semaphore(%arg16 : memref<!tpu.dma_semaphore, #tpu.memory_space<semaphore_mem>>) src(%dma_wait3A_145 : memref<10240x64xf32, #tpu.memory_space<hbm>>) dst(%arg11 : memref<80x64xf32, #tpu.memory_space<vmem>>)
      %dma_start3A_146 = arith.constant 0 : i32
      %dma_start3A_147 = tpu.memref_slice %arg7[%add3A_135, %dma_start3A_146] : memref<250x80xi32, #tpu.memory_space<vmem>> -> memref<1x80xi32, #tpu.memory_space<vmem>>
      %dma_start3A_148 = tpu.memref_squeeze %dma_start3A_147 : memref<1x80xi32, #tpu.memory_space<vmem>> -> memref<80xi32, #tpu.memory_space<vmem>>
      %dma_start3A_149 = arith.constant 0 : i32
      %dma_start3A_150 = arith.constant 0 : i32
      %dma_start3A_151 = tpu.memref_slice %arg9[%dma_start3A_149, %dma_start3A_150] : memref<10240x64xf32, #tpu.memory_space<vmem_shared>> -> memref<10240x64xf32, #tpu.memory_space<vmem_shared>>
      tpu.enqueue_indirect_dma source(%arg11 : memref<80x64xf32, #tpu.memory_space<vmem>>) target(%dma_start3A_151 : memref<10240x64xf32, #tpu.memory_space<vmem_shared>>) offsets(%dma_start3A_148 : memref<80xi32, #tpu.memory_space<vmem>>) semaphore(%arg21 : memref<!tpu.dma_semaphore, #tpu.memory_space<semaphore_mem>>) {add = true}
      %sub3A_152 = arith.constant 1 : i32
      %sub3A_153 = arith.subi %add3A_135, %sub3A_152 : i32
      %add3A_154 = arith.constant 5 : i32
      %add3A_155 = arith.addi %sub3A_153, %add3A_154 : i32
      %lt3A = arith.constant 250 : i32
      %lt3A_156 = arith.cmpi slt, %add3A_155, %lt3A : i32
      %convert_element_type3A_157 = arith.extui %lt3A_156 : i1 to i32
      %cond3A_158 = arith.constant 0 : i32
      %cond3A_159 = arith.cmpi ne, %convert_element_type3A_157, %cond3A_158 : i32
      scf.if %cond3A_159 {
        %dma_wait3A_241 = arith.constant 0 : i32
        %dma_wait3A_242 = arith.constant 0 : i32
        %dma_wait3A_243 = tpu.memref_slice %arg7[%dma_wait3A_241, %dma_wait3A_242] : memref<250x80xi32, #tpu.memory_space<vmem>> -> memref<1x80xi32, #tpu.memory_space<vmem>>
        %dma_wait3A_244 = tpu.memref_squeeze %dma_wait3A_243 : memref<1x80xi32, #tpu.memory_space<vmem>> -> memref<80xi32, #tpu.memory_space<vmem>>
        %dma_wait3A_245 = arith.constant 0 : i32
        %dma_wait3A_246 = arith.constant 0 : i32
        %dma_wait3A_247 = tpu.memref_slice %arg9[%dma_wait3A_245, %dma_wait3A_246] : memref<10240x64xf32, #tpu.memory_space<vmem_shared>> -> memref<10240x64xf32, #tpu.memory_space<vmem_shared>>
        tpu.wait_indirect_dma semaphore(%arg20 : memref<!tpu.dma_semaphore, #tpu.memory_space<semaphore_mem>>) src(%arg10 : memref<80x64xf32, #tpu.memory_space<vmem>>) dst(%dma_wait3A_247 : memref<10240x64xf32, #tpu.memory_space<vmem_shared>>)
        %dma_start3A_248 = arith.constant 0 : i32
        %dma_start3A_249 = tpu.memref_slice %arg6[%add3A_155, %dma_start3A_248] : memref<250x80xi32, #tpu.memory_space<vmem>> -> memref<1x80xi32, #tpu.memory_space<vmem>>
        %dma_start3A_250 = tpu.memref_squeeze %dma_start3A_249 : memref<1x80xi32, #tpu.memory_space<vmem>> -> memref<80xi32, #tpu.memory_space<vmem>>
        %dma_start3A_251 = arith.constant 0 : i32
        %dma_start3A_252 = arith.constant 0 : i32
        %dma_start3A_253 = tpu.memref_slice %arg2[%arg0, %dma_start3A_251, %dma_start3A_252] : memref<2x10240x64xf32, #tpu.memory_space<hbm>> -> memref<1x10240x64xf32, #tpu.memory_space<hbm>>
        %dma_start3A_254 = tpu.memref_squeeze %dma_start3A_253 : memref<1x10240x64xf32, #tpu.memory_space<hbm>> -> memref<10240x64xf32, #tpu.memory_space<hbm>>
        %dma_start3A_255 = arith.constant 0 : i32
        %dma_start3A_256 = arith.constant 0 : i32
        %dma_start3A_257 = tpu.memref_slice %dma_start3A_254[%dma_start3A_255, %dma_start3A_256] : memref<10240x64xf32, #tpu.memory_space<hbm>> -> memref<10240x64xf32, #tpu.memory_space<hbm>>
        tpu.enqueue_indirect_dma source(%dma_start3A_257 : memref<10240x64xf32, #tpu.memory_space<hbm>>) target(%arg10 : memref<80x64xf32, #tpu.memory_space<vmem>>) offsets(%dma_start3A_250 : memref<80xi32, #tpu.memory_space<vmem>>) semaphore(%arg15 : memref<!tpu.dma_semaphore, #tpu.memory_space<semaphore_mem>>)
      } else {
      }
      %add3A_160 = arith.constant 2 : i32
      %add3A_161 = arith.addi %add3A_110, %add3A_160 : i32
      %dma_wait3A_162 = arith.constant 0 : i32
      %dma_wait3A_163 = tpu.memref_slice %arg6[%add3A_161, %dma_wait3A_162] : memref<250x80xi32, #tpu.memory_space<vmem>> -> memref<1x80xi32, #tpu.memory_space<vmem>>
      %dma_wait3A_164 = tpu.memref_squeeze %dma_wait3A_163 : memref<1x80xi32, #tpu.memory_space<vmem>> -> memref<80xi32, #tpu.memory_space<vmem>>
      %dma_wait3A_165 = arith.constant 0 : i32
      %dma_wait3A_166 = arith.constant 0 : i32
      %dma_wait3A_167 = tpu.memref_slice %arg2[%arg0, %dma_wait3A_165, %dma_wait3A_166] : memref<2x10240x64xf32, #tpu.memory_space<hbm>> -> memref<1x10240x64xf32, #tpu.memory_space<hbm>>
      %dma_wait3A_168 = tpu.memref_squeeze %dma_wait3A_167 : memref<1x10240x64xf32, #tpu.memory_space<hbm>> -> memref<10240x64xf32, #tpu.memory_space<hbm>>
      %dma_wait3A_169 = arith.constant 0 : i32
      %dma_wait3A_170 = arith.constant 0 : i32
      %dma_wait3A_171 = tpu.memref_slice %dma_wait3A_168[%dma_wait3A_169, %dma_wait3A_170] : memref<10240x64xf32, #tpu.memory_space<hbm>> -> memref<10240x64xf32, #tpu.memory_space<hbm>>
      tpu.wait_indirect_dma semaphore(%arg17 : memref<!tpu.dma_semaphore, #tpu.memory_space<semaphore_mem>>) src(%dma_wait3A_171 : memref<10240x64xf32, #tpu.memory_space<hbm>>) dst(%arg12 : memref<80x64xf32, #tpu.memory_space<vmem>>)
      %dma_start3A_172 = arith.constant 0 : i32
      %dma_start3A_173 = tpu.memref_slice %arg7[%add3A_161, %dma_start3A_172] : memref<250x80xi32, #tpu.memory_space<vmem>> -> memref<1x80xi32, #tpu.memory_space<vmem>>
      %dma_start3A_174 = tpu.memref_squeeze %dma_start3A_173 : memref<1x80xi32, #tpu.memory_space<vmem>> -> memref<80xi32, #tpu.memory_space<vmem>>
      %dma_start3A_175 = arith.constant 0 : i32
      %dma_start3A_176 = arith.constant 0 : i32
      %dma_start3A_177 = tpu.memref_slice %arg9[%dma_start3A_175, %dma_start3A_176] : memref<10240x64xf32, #tpu.memory_space<vmem_shared>> -> memref<10240x64xf32, #tpu.memory_space<vmem_shared>>
      tpu.enqueue_indirect_dma source(%arg12 : memref<80x64xf32, #tpu.memory_space<vmem>>) target(%dma_start3A_177 : memref<10240x64xf32, #tpu.memory_space<vmem_shared>>) offsets(%dma_start3A_174 : memref<80xi32, #tpu.memory_space<vmem>>) semaphore(%arg22 : memref<!tpu.dma_semaphore, #tpu.memory_space<semaphore_mem>>) {add = true}
      %sub3A_178 = arith.constant 1 : i32
      %sub3A_179 = arith.subi %add3A_161, %sub3A_178 : i32
      %add3A_180 = arith.constant 5 : i32
      %add3A_181 = arith.addi %sub3A_179, %add3A_180 : i32
      %lt3A_182 = arith.constant 250 : i32
      %lt3A_183 = arith.cmpi slt, %add3A_181, %lt3A_182 : i32
      %convert_element_type3A_184 = arith.extui %lt3A_183 : i1 to i32
      %cond3A_185 = arith.constant 0 : i32
      %cond3A_186 = arith.cmpi ne, %convert_element_type3A_184, %cond3A_185 : i32
      scf.if %cond3A_186 {
        %dma_wait3A_241 = arith.constant 0 : i32
        %dma_wait3A_242 = arith.constant 0 : i32
        %dma_wait3A_243 = tpu.memref_slice %arg7[%dma_wait3A_241, %dma_wait3A_242] : memref<250x80xi32, #tpu.memory_space<vmem>> -> memref<1x80xi32, #tpu.memory_space<vmem>>
        %dma_wait3A_244 = tpu.memref_squeeze %dma_wait3A_243 : memref<1x80xi32, #tpu.memory_space<vmem>> -> memref<80xi32, #tpu.memory_space<vmem>>
        %dma_wait3A_245 = arith.constant 0 : i32
        %dma_wait3A_246 = arith.constant 0 : i32
        %dma_wait3A_247 = tpu.memref_slice %arg9[%dma_wait3A_245, %dma_wait3A_246] : memref<10240x64xf32, #tpu.memory_space<vmem_shared>> -> memref<10240x64xf32, #tpu.memory_space<vmem_shared>>
        tpu.wait_indirect_dma semaphore(%arg21 : memref<!tpu.dma_semaphore, #tpu.memory_space<semaphore_mem>>) src(%arg11 : memref<80x64xf32, #tpu.memory_space<vmem>>) dst(%dma_wait3A_247 : memref<10240x64xf32, #tpu.memory_space<vmem_shared>>)
        %dma_start3A_248 = arith.constant 0 : i32
        %dma_start3A_249 = tpu.memref_slice %arg6[%add3A_181, %dma_start3A_248] : memref<250x80xi32, #tpu.memory_space<vmem>> -> memref<1x80xi32, #tpu.memory_space<vmem>>
        %dma_start3A_250 = tpu.memref_squeeze %dma_start3A_249 : memref<1x80xi32, #tpu.memory_space<vmem>> -> memref<80xi32, #tpu.memory_space<vmem>>
        %dma_start3A_251 = arith.constant 0 : i32
        %dma_start3A_252 = arith.constant 0 : i32
        %dma_start3A_253 = tpu.memref_slice %arg2[%arg0, %dma_start3A_251, %dma_start3A_252] : memref<2x10240x64xf32, #tpu.memory_space<hbm>> -> memref<1x10240x64xf32, #tpu.memory_space<hbm>>
        %dma_start3A_254 = tpu.memref_squeeze %dma_start3A_253 : memref<1x10240x64xf32, #tpu.memory_space<hbm>> -> memref<10240x64xf32, #tpu.memory_space<hbm>>
        %dma_start3A_255 = arith.constant 0 : i32
        %dma_start3A_256 = arith.constant 0 : i32
        %dma_start3A_257 = tpu.memref_slice %dma_start3A_254[%dma_start3A_255, %dma_start3A_256] : memref<10240x64xf32, #tpu.memory_space<hbm>> -> memref<10240x64xf32, #tpu.memory_space<hbm>>
        tpu.enqueue_indirect_dma source(%dma_start3A_257 : memref<10240x64xf32, #tpu.memory_space<hbm>>) target(%arg11 : memref<80x64xf32, #tpu.memory_space<vmem>>) offsets(%dma_start3A_250 : memref<80xi32, #tpu.memory_space<vmem>>) semaphore(%arg16 : memref<!tpu.dma_semaphore, #tpu.memory_space<semaphore_mem>>)
      } else {
      }
      %add3A_187 = arith.constant 3 : i32
      %add3A_188 = arith.addi %add3A_110, %add3A_187 : i32
      %dma_wait3A_189 = arith.constant 0 : i32
      %dma_wait3A_190 = tpu.memref_slice %arg6[%add3A_188, %dma_wait3A_189] : memref<250x80xi32, #tpu.memory_space<vmem>> -> memref<1x80xi32, #tpu.memory_space<vmem>>
      %dma_wait3A_191 = tpu.memref_squeeze %dma_wait3A_190 : memref<1x80xi32, #tpu.memory_space<vmem>> -> memref<80xi32, #tpu.memory_space<vmem>>
      %dma_wait3A_192 = arith.constant 0 : i32
      %dma_wait3A_193 = arith.constant 0 : i32
      %dma_wait3A_194 = tpu.memref_slice %arg2[%arg0, %dma_wait3A_192, %dma_wait3A_193] : memref<2x10240x64xf32, #tpu.memory_space<hbm>> -> memref<1x10240x64xf32, #tpu.memory_space<hbm>>
      %dma_wait3A_195 = tpu.memref_squeeze %dma_wait3A_194 : memref<1x10240x64xf32, #tpu.memory_space<hbm>> -> memref<10240x64xf32, #tpu.memory_space<hbm>>
      %dma_wait3A_196 = arith.constant 0 : i32
      %dma_wait3A_197 = arith.constant 0 : i32
      %dma_wait3A_198 = tpu.memref_slice %dma_wait3A_195[%dma_wait3A_196, %dma_wait3A_197] : memref<10240x64xf32, #tpu.memory_space<hbm>> -> memref<10240x64xf32, #tpu.memory_space<hbm>>
      tpu.wait_indirect_dma semaphore(%arg18 : memref<!tpu.dma_semaphore, #tpu.memory_space<semaphore_mem>>) src(%dma_wait3A_198 : memref<10240x64xf32, #tpu.memory_space<hbm>>) dst(%arg13 : memref<80x64xf32, #tpu.memory_space<vmem>>)
      %dma_start3A_199 = arith.constant 0 : i32
      %dma_start3A_200 = tpu.memref_slice %arg7[%add3A_188, %dma_start3A_199] : memref<250x80xi32, #tpu.memory_space<vmem>> -> memref<1x80xi32, #tpu.memory_space<vmem>>
      %dma_start3A_201 = tpu.memref_squeeze %dma_start3A_200 : memref<1x80xi32, #tpu.memory_space<vmem>> -> memref<80xi32, #tpu.memory_space<vmem>>
      %dma_start3A_202 = arith.constant 0 : i32
      %dma_start3A_203 = arith.constant 0 : i32
      %dma_start3A_204 = tpu.memref_slice %arg9[%dma_start3A_202, %dma_start3A_203] : memref<10240x64xf32, #tpu.memory_space<vmem_shared>> -> memref<10240x64xf32, #tpu.memory_space<vmem_shared>>
      tpu.enqueue_indirect_dma source(%arg13 : memref<80x64xf32, #tpu.memory_space<vmem>>) target(%dma_start3A_204 : memref<10240x64xf32, #tpu.memory_space<vmem_shared>>) offsets(%dma_start3A_201 : memref<80xi32, #tpu.memory_space<vmem>>) semaphore(%arg23 : memref<!tpu.dma_semaphore, #tpu.memory_space<semaphore_mem>>) {add = true}
      %sub3A_205 = arith.constant 1 : i32
      %sub3A_206 = arith.subi %add3A_188, %sub3A_205 : i32
      %add3A_207 = arith.constant 5 : i32
      %add3A_208 = arith.addi %sub3A_206, %add3A_207 : i32
      %lt3A_209 = arith.constant 250 : i32
      %lt3A_210 = arith.cmpi slt, %add3A_208, %lt3A_209 : i32
      %convert_element_type3A_211 = arith.extui %lt3A_210 : i1 to i32
      %cond3A_212 = arith.constant 0 : i32
      %cond3A_213 = arith.cmpi ne, %convert_element_type3A_211, %cond3A_212 : i32
      scf.if %cond3A_213 {
        %dma_wait3A_241 = arith.constant 0 : i32
        %dma_wait3A_242 = arith.constant 0 : i32
        %dma_wait3A_243 = tpu.memref_slice %arg7[%dma_wait3A_241, %dma_wait3A_242] : memref<250x80xi32, #tpu.memory_space<vmem>> -> memref<1x80xi32, #tpu.memory_space<vmem>>
        %dma_wait3A_244 = tpu.memref_squeeze %dma_wait3A_243 : memref<1x80xi32, #tpu.memory_space<vmem>> -> memref<80xi32, #tpu.memory_space<vmem>>
        %dma_wait3A_245 = arith.constant 0 : i32
        %dma_wait3A_246 = arith.constant 0 : i32
        %dma_wait3A_247 = tpu.memref_slice %arg9[%dma_wait3A_245, %dma_wait3A_246] : memref<10240x64xf32, #tpu.memory_space<vmem_shared>> -> memref<10240x64xf32, #tpu.memory_space<vmem_shared>>
        tpu.wait_indirect_dma semaphore(%arg22 : memref<!tpu.dma_semaphore, #tpu.memory_space<semaphore_mem>>) src(%arg12 : memref<80x64xf32, #tpu.memory_space<vmem>>) dst(%dma_wait3A_247 : memref<10240x64xf32, #tpu.memory_space<vmem_shared>>)
        %dma_start3A_248 = arith.constant 0 : i32
        %dma_start3A_249 = tpu.memref_slice %arg6[%add3A_208, %dma_start3A_248] : memref<250x80xi32, #tpu.memory_space<vmem>> -> memref<1x80xi32, #tpu.memory_space<vmem>>
        %dma_start3A_250 = tpu.memref_squeeze %dma_start3A_249 : memref<1x80xi32, #tpu.memory_space<vmem>> -> memref<80xi32, #tpu.memory_space<vmem>>
        %dma_start3A_251 = arith.constant 0 : i32
        %dma_start3A_252 = arith.constant 0 : i32
        %dma_start3A_253 = tpu.memref_slice %arg2[%arg0, %dma_start3A_251, %dma_start3A_252] : memref<2x10240x64xf32, #tpu.memory_space<hbm>> -> memref<1x10240x64xf32, #tpu.memory_space<hbm>>
        %dma_start3A_254 = tpu.memref_squeeze %dma_start3A_253 : memref<1x10240x64xf32, #tpu.memory_space<hbm>> -> memref<10240x64xf32, #tpu.memory_space<hbm>>
        %dma_start3A_255 = arith.constant 0 : i32
        %dma_start3A_256 = arith.constant 0 : i32
        %dma_start3A_257 = tpu.memref_slice %dma_start3A_254[%dma_start3A_255, %dma_start3A_256] : memref<10240x64xf32, #tpu.memory_space<hbm>> -> memref<10240x64xf32, #tpu.memory_space<hbm>>
        tpu.enqueue_indirect_dma source(%dma_start3A_257 : memref<10240x64xf32, #tpu.memory_space<hbm>>) target(%arg12 : memref<80x64xf32, #tpu.memory_space<vmem>>) offsets(%dma_start3A_250 : memref<80xi32, #tpu.memory_space<vmem>>) semaphore(%arg17 : memref<!tpu.dma_semaphore, #tpu.memory_space<semaphore_mem>>)
      } else {
      }
      %add3A_214 = arith.constant 4 : i32
      %add3A_215 = arith.addi %add3A_110, %add3A_214 : i32
      %dma_wait3A_216 = arith.constant 0 : i32
      %dma_wait3A_217 = tpu.memref_slice %arg6[%add3A_215, %dma_wait3A_216] : memref<250x80xi32, #tpu.memory_space<vmem>> -> memref<1x80xi32, #tpu.memory_space<vmem>>
      %dma_wait3A_218 = tpu.memref_squeeze %dma_wait3A_217 : memref<1x80xi32, #tpu.memory_space<vmem>> -> memref<80xi32, #tpu.memory_space<vmem>>
      %dma_wait3A_219 = arith.constant 0 : i32
      %dma_wait3A_220 = arith.constant 0 : i32
      %dma_wait3A_221 = tpu.memref_slice %arg2[%arg0, %dma_wait3A_219, %dma_wait3A_220] : memref<2x10240x64xf32, #tpu.memory_space<hbm>> -> memref<1x10240x64xf32, #tpu.memory_space<hbm>>
      %dma_wait3A_222 = tpu.memref_squeeze %dma_wait3A_221 : memref<1x10240x64xf32, #tpu.memory_space<hbm>> -> memref<10240x64xf32, #tpu.memory_space<hbm>>
      %dma_wait3A_223 = arith.constant 0 : i32
      %dma_wait3A_224 = arith.constant 0 : i32
      %dma_wait3A_225 = tpu.memref_slice %dma_wait3A_222[%dma_wait3A_223, %dma_wait3A_224] : memref<10240x64xf32, #tpu.memory_space<hbm>> -> memref<10240x64xf32, #tpu.memory_space<hbm>>
      tpu.wait_indirect_dma semaphore(%arg19 : memref<!tpu.dma_semaphore, #tpu.memory_space<semaphore_mem>>) src(%dma_wait3A_225 : memref<10240x64xf32, #tpu.memory_space<hbm>>) dst(%arg14 : memref<80x64xf32, #tpu.memory_space<vmem>>)
      %dma_start3A_226 = arith.constant 0 : i32
      %dma_start3A_227 = tpu.memref_slice %arg7[%add3A_215, %dma_start3A_226] : memref<250x80xi32, #tpu.memory_space<vmem>> -> memref<1x80xi32, #tpu.memory_space<vmem>>
      %dma_start3A_228 = tpu.memref_squeeze %dma_start3A_227 : memref<1x80xi32, #tpu.memory_space<vmem>> -> memref<80xi32, #tpu.memory_space<vmem>>
      %dma_start3A_229 = arith.constant 0 : i32
      %dma_start3A_230 = arith.constant 0 : i32
      %dma_start3A_231 = tpu.memref_slice %arg9[%dma_start3A_229, %dma_start3A_230] : memref<10240x64xf32, #tpu.memory_space<vmem_shared>> -> memref<10240x64xf32, #tpu.memory_space<vmem_shared>>
      tpu.enqueue_indirect_dma source(%arg14 : memref<80x64xf32, #tpu.memory_space<vmem>>) target(%dma_start3A_231 : memref<10240x64xf32, #tpu.memory_space<vmem_shared>>) offsets(%dma_start3A_228 : memref<80xi32, #tpu.memory_space<vmem>>) semaphore(%arg24 : memref<!tpu.dma_semaphore, #tpu.memory_space<semaphore_mem>>) {add = true}
      %sub3A_232 = arith.constant 1 : i32
      %sub3A_233 = arith.subi %add3A_215, %sub3A_232 : i32
      %add3A_234 = arith.constant 5 : i32
      %add3A_235 = arith.addi %sub3A_233, %add3A_234 : i32
      %lt3A_236 = arith.constant 250 : i32
      %lt3A_237 = arith.cmpi slt, %add3A_235, %lt3A_236 : i32
      %convert_element_type3A_238 = arith.extui %lt3A_237 : i1 to i32
      %cond3A_239 = arith.constant 0 : i32
      %cond3A_240 = arith.cmpi ne, %convert_element_type3A_238, %cond3A_239 : i32
      scf.if %cond3A_240 {
        %dma_wait3A_241 = arith.constant 0 : i32
        %dma_wait3A_242 = arith.constant 0 : i32
        %dma_wait3A_243 = tpu.memref_slice %arg7[%dma_wait3A_241, %dma_wait3A_242] : memref<250x80xi32, #tpu.memory_space<vmem>> -> memref<1x80xi32, #tpu.memory_space<vmem>>
        %dma_wait3A_244 = tpu.memref_squeeze %dma_wait3A_243 : memref<1x80xi32, #tpu.memory_space<vmem>> -> memref<80xi32, #tpu.memory_space<vmem>>
        %dma_wait3A_245 = arith.constant 0 : i32
        %dma_wait3A_246 = arith.constant 0 : i32
        %dma_wait3A_247 = tpu.memref_slice %arg9[%dma_wait3A_245, %dma_wait3A_246] : memref<10240x64xf32, #tpu.memory_space<vmem_shared>> -> memref<10240x64xf32, #tpu.memory_space<vmem_shared>>
        tpu.wait_indirect_dma semaphore(%arg23 : memref<!tpu.dma_semaphore, #tpu.memory_space<semaphore_mem>>) src(%arg13 : memref<80x64xf32, #tpu.memory_space<vmem>>) dst(%dma_wait3A_247 : memref<10240x64xf32, #tpu.memory_space<vmem_shared>>)
        %dma_start3A_248 = arith.constant 0 : i32
        %dma_start3A_249 = tpu.memref_slice %arg6[%add3A_235, %dma_start3A_248] : memref<250x80xi32, #tpu.memory_space<vmem>> -> memref<1x80xi32, #tpu.memory_space<vmem>>
        %dma_start3A_250 = tpu.memref_squeeze %dma_start3A_249 : memref<1x80xi32, #tpu.memory_space<vmem>> -> memref<80xi32, #tpu.memory_space<vmem>>
        %dma_start3A_251 = arith.constant 0 : i32
        %dma_start3A_252 = arith.constant 0 : i32
        %dma_start3A_253 = tpu.memref_slice %arg2[%arg0, %dma_start3A_251, %dma_start3A_252] : memref<2x10240x64xf32, #tpu.memory_space<hbm>> -> memref<1x10240x64xf32, #tpu.memory_space<hbm>>
        %dma_start3A_254 = tpu.memref_squeeze %dma_start3A_253 : memref<1x10240x64xf32, #tpu.memory_space<hbm>> -> memref<10240x64xf32, #tpu.memory_space<hbm>>
        %dma_start3A_255 = arith.constant 0 : i32
        %dma_start3A_256 = arith.constant 0 : i32
        %dma_start3A_257 = tpu.memref_slice %dma_start3A_254[%dma_start3A_255, %dma_start3A_256] : memref<10240x64xf32, #tpu.memory_space<hbm>> -> memref<10240x64xf32, #tpu.memory_space<hbm>>
        tpu.enqueue_indirect_dma source(%dma_start3A_257 : memref<10240x64xf32, #tpu.memory_space<hbm>>) target(%arg13 : memref<80x64xf32, #tpu.memory_space<vmem>>) offsets(%dma_start3A_250 : memref<80xi32, #tpu.memory_space<vmem>>) semaphore(%arg18 : memref<!tpu.dma_semaphore, #tpu.memory_space<semaphore_mem>>)
      } else {
      }
    }
    %scan3A_67 = arith.constant 50 : i32
    %dma_wait3A = arith.constant 0 : i32
    %dma_wait3A_68 = arith.constant 0 : i32
    %dma_wait3A_69 = tpu.memref_slice %arg7[%dma_wait3A, %dma_wait3A_68] : memref<250x80xi32, #tpu.memory_space<vmem>> -> memref<1x80xi32, #tpu.memory_space<vmem>>
    %dma_wait3A_70 = tpu.memref_squeeze %dma_wait3A_69 : memref<1x80xi32, #tpu.memory_space<vmem>> -> memref<80xi32, #tpu.memory_space<vmem>>
    %dma_wait3A_71 = arith.constant 0 : i32
    %dma_wait3A_72 = arith.constant 0 : i32
    %dma_wait3A_73 = tpu.memref_slice %arg9[%dma_wait3A_71, %dma_wait3A_72] : memref<10240x64xf32, #tpu.memory_space<vmem_shared>> -> memref<10240x64xf32, #tpu.memory_space<vmem_shared>>
    tpu.wait_indirect_dma semaphore(%arg20 : memref<!tpu.dma_semaphore, #tpu.memory_space<semaphore_mem>>) src(%arg10 : memref<80x64xf32, #tpu.memory_space<vmem>>) dst(%dma_wait3A_73 : memref<10240x64xf32, #tpu.memory_space<vmem_shared>>)
    %dma_wait3A_74 = arith.constant 0 : i32
    %dma_wait3A_75 = arith.constant 0 : i32
    %dma_wait3A_76 = tpu.memref_slice %arg7[%dma_wait3A_74, %dma_wait3A_75] : memref<250x80xi32, #tpu.memory_space<vmem>> -> memref<1x80xi32, #tpu.memory_space<vmem>>
    %dma_wait3A_77 = tpu.memref_squeeze %dma_wait3A_76 : memref<1x80xi32, #tpu.memory_space<vmem>> -> memref<80xi32, #tpu.memory_space<vmem>>
    %dma_wait3A_78 = arith.constant 0 : i32
    %dma_wait3A_79 = arith.constant 0 : i32
    %dma_wait3A_80 = tpu.memref_slice %arg9[%dma_wait3A_78, %dma_wait3A_79] : memref<10240x64xf32, #tpu.memory_space<vmem_shared>> -> memref<10240x64xf32, #tpu.memory_space<vmem_shared>>
    tpu.wait_indirect_dma semaphore(%arg21 : memref<!tpu.dma_semaphore, #tpu.memory_space<semaphore_mem>>) src(%arg11 : memref<80x64xf32, #tpu.memory_space<vmem>>) dst(%dma_wait3A_80 : memref<10240x64xf32, #tpu.memory_space<vmem_shared>>)
    %dma_wait3A_81 = arith.constant 0 : i32
    %dma_wait3A_82 = arith.constant 0 : i32
    %dma_wait3A_83 = tpu.memref_slice %arg7[%dma_wait3A_81, %dma_wait3A_82] : memref<250x80xi32, #tpu.memory_space<vmem>> -> memref<1x80xi32, #tpu.memory_space<vmem>>
    %dma_wait3A_84 = tpu.memref_squeeze %dma_wait3A_83 : memref<1x80xi32, #tpu.memory_space<vmem>> -> memref<80xi32, #tpu.memory_space<vmem>>
    %dma_wait3A_85 = arith.constant 0 : i32
    %dma_wait3A_86 = arith.constant 0 : i32
    %dma_wait3A_87 = tpu.memref_slice %arg9[%dma_wait3A_85, %dma_wait3A_86] : memref<10240x64xf32, #tpu.memory_space<vmem_shared>> -> memref<10240x64xf32, #tpu.memory_space<vmem_shared>>
    tpu.wait_indirect_dma semaphore(%arg22 : memref<!tpu.dma_semaphore, #tpu.memory_space<semaphore_mem>>) src(%arg12 : memref<80x64xf32, #tpu.memory_space<vmem>>) dst(%dma_wait3A_87 : memref<10240x64xf32, #tpu.memory_space<vmem_shared>>)
    %dma_wait3A_88 = arith.constant 0 : i32
    %dma_wait3A_89 = arith.constant 0 : i32
    %dma_wait3A_90 = tpu.memref_slice %arg7[%dma_wait3A_88, %dma_wait3A_89] : memref<250x80xi32, #tpu.memory_space<vmem>> -> memref<1x80xi32, #tpu.memory_space<vmem>>
    %dma_wait3A_91 = tpu.memref_squeeze %dma_wait3A_90 : memref<1x80xi32, #tpu.memory_space<vmem>> -> memref<80xi32, #tpu.memory_space<vmem>>
    %dma_wait3A_92 = arith.constant 0 : i32
    %dma_wait3A_93 = arith.constant 0 : i32
    %dma_wait3A_94 = tpu.memref_slice %arg9[%dma_wait3A_92, %dma_wait3A_93] : memref<10240x64xf32, #tpu.memory_space<vmem_shared>> -> memref<10240x64xf32, #tpu.memory_space<vmem_shared>>
    tpu.wait_indirect_dma semaphore(%arg23 : memref<!tpu.dma_semaphore, #tpu.memory_space<semaphore_mem>>) src(%arg13 : memref<80x64xf32, #tpu.memory_space<vmem>>) dst(%dma_wait3A_94 : memref<10240x64xf32, #tpu.memory_space<vmem_shared>>)
    %dma_wait3A_95 = arith.constant 0 : i32
    %dma_wait3A_96 = arith.constant 0 : i32
    %dma_wait3A_97 = tpu.memref_slice %arg7[%dma_wait3A_95, %dma_wait3A_96] : memref<250x80xi32, #tpu.memory_space<vmem>> -> memref<1x80xi32, #tpu.memory_space<vmem>>
    %dma_wait3A_98 = tpu.memref_squeeze %dma_wait3A_97 : memref<1x80xi32, #tpu.memory_space<vmem>> -> memref<80xi32, #tpu.memory_space<vmem>>
    %dma_wait3A_99 = arith.constant 0 : i32
    %dma_wait3A_100 = arith.constant 0 : i32
    %dma_wait3A_101 = tpu.memref_slice %arg9[%dma_wait3A_99, %dma_wait3A_100] : memref<10240x64xf32, #tpu.memory_space<vmem_shared>> -> memref<10240x64xf32, #tpu.memory_space<vmem_shared>>
    tpu.wait_indirect_dma semaphore(%arg24 : memref<!tpu.dma_semaphore, #tpu.memory_space<semaphore_mem>>) src(%arg14 : memref<80x64xf32, #tpu.memory_space<vmem>>) dst(%dma_wait3A_101 : memref<10240x64xf32, #tpu.memory_space<vmem_shared>>)
    %barrier3A_102 = arith.constant 0 : index
    tpu.barrier barrier_id(%barrier3A_102)
    %scan3A_103 = arith.constant 0 : i32
    %scan3A_104 = arith.constant 5 : i32
    %scan3A_105 = arith.addi %scan3A_103, %scan3A_104 : i32
    %scan3A_106 = arith.constant 1 : i32
    scf.for %scan3A_108 = %scan3A_103 to %scan3A_105 step %scan3A_106  : i32 {
      %mul3A = arith.constant 1 : i32
      %mul3A_109 = arith.muli %scan3A_108, %mul3A : i32
      %add3A = arith.constant 0 : i32
      %add3A_110 = arith.addi %add3A, %mul3A_109 : i32
      %mul3A_111 = arith.constant 640 : i32
      %mul3A_112 = arith.muli %arg1, %mul3A_111 : i32
      %mul3A_113 = arith.constant 128 : i32
      %mul3A_114 = arith.muli %add3A_110, %mul3A_113 : i32
      %add3A_115 = arith.addi %mul3A_112, %mul3A_114 : i32
      "tpu.region"() ({
        %run_scoped3A = tpu.sem_alloc : memref<!tpu.dma_semaphore, #tpu.memory_space<semaphore_mem>>
        %dma_start3A_116 = arith.constant 0 : i32
        %dma_start3A_117 = tpu.memref_slice %arg5[%arg0, %add3A_115, %dma_start3A_116] : memref<2x10240x64xf32, #tpu.memory_space<hbm>> -> memref<1x128x64xf32, #tpu.memory_space<hbm>>
        %dma_start3A_118 = tpu.memref_squeeze %dma_start3A_117 : memref<1x128x64xf32, #tpu.memory_space<hbm>> -> memref<128x64xf32, #tpu.memory_space<hbm>>
        %dma_start3A_119 = arith.constant 0 : i32
        %dma_start3A_120 = tpu.memref_slice %arg9[%add3A_115, %dma_start3A_119] : memref<10240x64xf32, #tpu.memory_space<vmem_shared>> -> memref<128x64xf32, #tpu.memory_space<vmem_shared>>
        tpu.enqueue_dma source(%dma_start3A_120 : memref<128x64xf32, #tpu.memory_space<vmem_shared>>) target(%dma_start3A_118 : memref<128x64xf32, #tpu.memory_space<hbm>>) target_semaphore(%run_scoped3A : memref<!tpu.dma_semaphore, #tpu.memory_space<semaphore_mem>>)
        %dma_wait3A_121 = arith.constant 0 : i32
        %dma_wait3A_122 = tpu.memref_slice %arg5[%arg0, %add3A_115, %dma_wait3A_121] : memref<2x10240x64xf32, #tpu.memory_space<hbm>> -> memref<1x128x64xf32, #tpu.memory_space<hbm>>
        %dma_wait3A_123 = tpu.memref_squeeze %dma_wait3A_122 : memref<1x128x64xf32, #tpu.memory_space<hbm>> -> memref<128x64xf32, #tpu.memory_space<hbm>>
        %dma_wait3A_124 = arith.constant 0 : i32
        %dma_wait3A_125 = tpu.memref_slice %arg9[%add3A_115, %dma_wait3A_124] : memref<10240x64xf32, #tpu.memory_space<vmem_shared>> -> memref<128x64xf32, #tpu.memory_space<vmem_shared>>
        tpu.wait_dma2 semaphore(%run_scoped3A : memref<!tpu.dma_semaphore, #tpu.memory_space<semaphore_mem>>) src(%dma_wait3A_125 : memref<128x64xf32, #tpu.memory_space<vmem_shared>>) dst(%dma_wait3A_123 : memref<128x64xf32, #tpu.memory_space<hbm>>)
        tpu.yield
      }) : () -> ()
    }
    %scan3A_107 = arith.constant 5 : i32
    return
  }
}

#map = affine_map<(d0, d1) -> (0, 0, 0)>
module attributes {stable_mosaic.version = 14 : i64} {
  func.func @_agg_body(%arg0: i32, %arg1: i32, %arg2: memref<2x10240x64xf32, #tpu.memory_space<hbm>>, %arg3: memref<16x250x80xi32, #tpu.memory_space<hbm>>, %arg4: memref<16x250x80xi32, #tpu.memory_space<hbm>>, %arg5: memref<2x10240x64xf32, #tpu.memory_space<hbm>>, %arg6: memref<250x80xi32, #tpu.memory_space<vmem>>, %arg7: memref<250x80xi32, #tpu.memory_space<vmem>>, %arg8: memref<128x64xf32, #tpu.memory_space<vmem>>, %arg9: memref<10240x64xf32, #tpu.memory_space<vmem_shared>>, %arg10: memref<80x64xf32, #tpu.memory_space<vmem>>, %arg11: memref<80x64xf32, #tpu.memory_space<vmem>>, %arg12: memref<80x64xf32, #tpu.memory_space<vmem>>, %arg13: memref<80x64xf32, #tpu.memory_space<vmem>>, %arg14: memref<80x64xf32, #tpu.memory_space<vmem>>, %arg15: memref<!tpu.dma_semaphore, #tpu.memory_space<semaphore_mem>>, %arg16: memref<!tpu.dma_semaphore, #tpu.memory_space<semaphore_mem>>, %arg17: memref<!tpu.dma_semaphore, #tpu.memory_space<semaphore_mem>>, %arg18: memref<!tpu.dma_semaphore, #tpu.memory_space<semaphore_mem>>, %arg19: memref<!tpu.dma_semaphore, #tpu.memory_space<semaphore_mem>>, %arg20: memref<!tpu.dma_semaphore, #tpu.memory_space<semaphore_mem>>, %arg21: memref<!tpu.dma_semaphore, #tpu.memory_space<semaphore_mem>>, %arg22: memref<!tpu.dma_semaphore, #tpu.memory_space<semaphore_mem>>, %arg23: memref<!tpu.dma_semaphore, #tpu.memory_space<semaphore_mem>>, %arg24: memref<!tpu.dma_semaphore, #tpu.memory_space<semaphore_mem>>) attributes {dimension_semantics = [#tpu.dimension_semantics<core_parallel>, #tpu.dimension_semantics<subcore_parallel>], iteration_bounds = array<i64: 2, 16>, scalar_prefetch = 0 : i64, scratch_operands = 19 : i64, tpu.core_type = #tpu.core_type<sc_vector_subcore>, window_params = [{transform_indices = #map}, {transform_indices = #map}, {transform_indices = #map}, {transform_indices = #map}]} {
    %scan3A = arith.constant 0 : i32
    %scan3A_0 = arith.constant 128 : i32
    %scan3A_1 = arith.addi %scan3A, %scan3A_0 : i32
    %scan3A_2 = arith.constant 1 : i32
    scf.for %scan3A_108 = %scan3A to %scan3A_1 step %scan3A_2  : i32 {
      %mul3A = arith.constant 1 : i32
      %mul3A_109 = arith.muli %scan3A_108, %mul3A : i32
      %add3A = arith.constant 0 : i32
      %add3A_110 = arith.addi %add3A, %mul3A_109 : i32
      %broadcast_in_dim3A = arith.constant 0.000000e+00 : f32
      %broadcast_in_dim3A_111 = vector.broadcast %broadcast_in_dim3A : f32 to vector<16xf32>
      %swap3A = arith.index_cast %add3A_110 : i32 to index
      %swap3A_112 = arith.constant 0 : index
      %swap3A_113 = tpu.vector_load %arg8[%swap3A, %swap3A_112] {strides = array<i32>} : memref<128x64xf32, #tpu.memory_space<vmem>>, vector<1x16xf32>,
      %swap3A_114 = vector.shape_cast %swap3A_113 : vector<1x16xf32> to vector<16xf32>
      %swap3A_115 = vector.shape_cast %broadcast_in_dim3A_111 : vector<16xf32> to vector<1x16xf32>
      tpu.vector_store %arg8[%swap3A, %swap3A_112], %swap3A_115 {strides = array<i32>} : memref<128x64xf32, #tpu.memory_space<vmem>>, vector<1x16xf32>,
      %broadcast_in_dim3A_116 = arith.constant 0.000000e+00 : f32
      %broadcast_in_dim3A_117 = vector.broadcast %broadcast_in_dim3A_116 : f32 to vector<16xf32>
      %swap3A_118 = arith.index_cast %add3A_110 : i32 to index
      %swap3A_119 = arith.constant 16 : index
      %swap3A_120 = tpu.vector_load %arg8[%swap3A_118, %swap3A_119] {strides = array<i32>} : memref<128x64xf32, #tpu.memory_space<vmem>>, vector<1x16xf32>,
      %swap3A_121 = vector.shape_cast %swap3A_120 : vector<1x16xf32> to vector<16xf32>
      %swap3A_122 = vector.shape_cast %broadcast_in_dim3A_117 : vector<16xf32> to vector<1x16xf32>
      tpu.vector_store %arg8[%swap3A_118, %swap3A_119], %swap3A_122 {strides = array<i32>} : memref<128x64xf32, #tpu.memory_space<vmem>>, vector<1x16xf32>,
      %broadcast_in_dim3A_123 = arith.constant 0.000000e+00 : f32
      %broadcast_in_dim3A_124 = vector.broadcast %broadcast_in_dim3A_123 : f32 to vector<16xf32>
      %swap3A_125 = arith.index_cast %add3A_110 : i32 to index
      %swap3A_126 = arith.constant 32 : index
      %swap3A_127 = tpu.vector_load %arg8[%swap3A_125, %swap3A_126] {strides = array<i32>} : memref<128x64xf32, #tpu.memory_space<vmem>>, vector<1x16xf32>,
      %swap3A_128 = vector.shape_cast %swap3A_127 : vector<1x16xf32> to vector<16xf32>
      %swap3A_129 = vector.shape_cast %broadcast_in_dim3A_124 : vector<16xf32> to vector<1x16xf32>
      tpu.vector_store %arg8[%swap3A_125, %swap3A_126], %swap3A_129 {strides = array<i32>} : memref<128x64xf32, #tpu.memory_space<vmem>>, vector<1x16xf32>,
      %broadcast_in_dim3A_130 = arith.constant 0.000000e+00 : f32
      %broadcast_in_dim3A_131 = vector.broadcast %broadcast_in_dim3A_130 : f32 to vector<16xf32>
      %swap3A_132 = arith.index_cast %add3A_110 : i32 to index
      %swap3A_133 = arith.constant 48 : index
      %swap3A_134 = tpu.vector_load %arg8[%swap3A_132, %swap3A_133] {strides = array<i32>} : memref<128x64xf32, #tpu.memory_space<vmem>>, vector<1x16xf32>,
      %swap3A_135 = vector.shape_cast %swap3A_134 : vector<1x16xf32> to vector<16xf32>
      %swap3A_136 = vector.shape_cast %broadcast_in_dim3A_131 : vector<16xf32> to vector<1x16xf32>
      tpu.vector_store %arg8[%swap3A_132, %swap3A_133], %swap3A_136 {strides = array<i32>} : memref<128x64xf32, #tpu.memory_space<vmem>>, vector<1x16xf32>,
    }
    %scan3A_3 = arith.constant 128 : i32
    %scan3A_4 = arith.constant 0 : i32
    %scan3A_5 = arith.constant 5 : i32
    %scan3A_6 = arith.addi %scan3A_4, %scan3A_5 : i32
    %scan3A_7 = arith.constant 1 : i32
    scf.for %scan3A_108 = %scan3A_4 to %scan3A_6 step %scan3A_7  : i32 {
      %mul3A = arith.constant 1 : i32
      %mul3A_109 = arith.muli %scan3A_108, %mul3A : i32
      %add3A = arith.constant 0 : i32
      %add3A_110 = arith.addi %add3A, %mul3A_109 : i32
      %mul3A_111 = arith.constant 640 : i32
      %mul3A_112 = arith.muli %arg1, %mul3A_111 : i32
      %mul3A_113 = arith.constant 128 : i32
      %mul3A_114 = arith.muli %add3A_110, %mul3A_113 : i32
      %add3A_115 = arith.addi %mul3A_112, %mul3A_114 : i32
      "tpu.region"() ({
        %run_scoped3A = tpu.sem_alloc : memref<!tpu.dma_semaphore, #tpu.memory_space<semaphore_mem>>
        %dma_start3A_116 = arith.constant 0 : i32
        %dma_start3A_117 = tpu.memref_slice %arg9[%add3A_115, %dma_start3A_116] : memref<10240x64xf32, #tpu.memory_space<vmem_shared>> -> memref<128x64xf32, #tpu.memory_space<vmem_shared>>
        %dma_start3A_118 = arith.constant 0 : i32
        %dma_start3A_119 = tpu.memref_slice %arg9[%add3A_115, %dma_start3A_118] : memref<10240x64xf32, #tpu.memory_space<vmem_shared>> -> memref<128x64xf32, #tpu.memory_space<vmem_shared>>
        tpu.enqueue_dma source(%arg8 : memref<128x64xf32, #tpu.memory_space<vmem>>) target(%dma_start3A_119 : memref<128x64xf32, #tpu.memory_space<vmem_shared>>) target_semaphore(%run_scoped3A : memref<!tpu.dma_semaphore, #tpu.memory_space<semaphore_mem>>)
        %dma_wait3A_120 = arith.constant 0 : i32
        %dma_wait3A_121 = tpu.memref_slice %arg9[%add3A_115, %dma_wait3A_120] : memref<10240x64xf32, #tpu.memory_space<vmem_shared>> -> memref<128x64xf32, #tpu.memory_space<vmem_shared>>
        %dma_wait3A_122 = arith.constant 0 : i32
        %dma_wait3A_123 = tpu.memref_slice %arg9[%add3A_115, %dma_wait3A_122] : memref<10240x64xf32, #tpu.memory_space<vmem_shared>> -> memref<128x64xf32, #tpu.memory_space<vmem_shared>>
        tpu.wait_dma2 semaphore(%run_scoped3A : memref<!tpu.dma_semaphore, #tpu.memory_space<semaphore_mem>>) src(%arg8 : memref<128x64xf32, #tpu.memory_space<vmem>>) dst(%dma_wait3A_123 : memref<128x64xf32, #tpu.memory_space<vmem_shared>>)
        tpu.yield
      }) : () -> ()
    }
    %scan3A_8 = arith.constant 5 : i32
    "tpu.region"() ({
      %run_scoped3A = tpu.sem_alloc : memref<!tpu.dma_semaphore, #tpu.memory_space<semaphore_mem>>
      %dma_start3A_108 = arith.constant 0 : i32
      %dma_start3A_109 = arith.constant 0 : i32
      %dma_start3A_110 = tpu.memref_slice %arg3[%arg1, %dma_start3A_108, %dma_start3A_109] : memref<16x250x80xi32, #tpu.memory_space<hbm>> -> memref<1x250x80xi32, #tpu.memory_space<hbm>>
      %dma_start3A_111 = tpu.memref_squeeze %dma_start3A_110 : memref<1x250x80xi32, #tpu.memory_space<hbm>> -> memref<250x80xi32, #tpu.memory_space<hbm>>
      %dma_start3A_112 = arith.constant 0 : i32
      %dma_start3A_113 = arith.constant 0 : i32
      %dma_start3A_114 = tpu.memref_slice %arg3[%arg1, %dma_start3A_112, %dma_start3A_113] : memref<16x250x80xi32, #tpu.memory_space<hbm>> -> memref<1x250x80xi32, #tpu.memory_space<hbm>>
      %dma_start3A_115 = tpu.memref_squeeze %dma_start3A_114 : memref<1x250x80xi32, #tpu.memory_space<hbm>> -> memref<250x80xi32, #tpu.memory_space<hbm>>
      tpu.enqueue_dma source(%dma_start3A_115 : memref<250x80xi32, #tpu.memory_space<hbm>>) target(%arg6 : memref<250x80xi32, #tpu.memory_space<vmem>>) target_semaphore(%run_scoped3A : memref<!tpu.dma_semaphore, #tpu.memory_space<semaphore_mem>>)
      %dma_wait3A_116 = arith.constant 0 : i32
      %dma_wait3A_117 = arith.constant 0 : i32
      %dma_wait3A_118 = tpu.memref_slice %arg3[%arg1, %dma_wait3A_116, %dma_wait3A_117] : memref<16x250x80xi32, #tpu.memory_space<hbm>> -> memref<1x250x80xi32, #tpu.memory_space<hbm>>
      %dma_wait3A_119 = tpu.memref_squeeze %dma_wait3A_118 : memref<1x250x80xi32, #tpu.memory_space<hbm>> -> memref<250x80xi32, #tpu.memory_space<hbm>>
      %dma_wait3A_120 = arith.constant 0 : i32
      %dma_wait3A_121 = arith.constant 0 : i32
      %dma_wait3A_122 = tpu.memref_slice %arg3[%arg1, %dma_wait3A_120, %dma_wait3A_121] : memref<16x250x80xi32, #tpu.memory_space<hbm>> -> memref<1x250x80xi32, #tpu.memory_space<hbm>>
      %dma_wait3A_123 = tpu.memref_squeeze %dma_wait3A_122 : memref<1x250x80xi32, #tpu.memory_space<hbm>> -> memref<250x80xi32, #tpu.memory_space<hbm>>
      tpu.wait_dma2 semaphore(%run_scoped3A : memref<!tpu.dma_semaphore, #tpu.memory_space<semaphore_mem>>) src(%dma_wait3A_123 : memref<250x80xi32, #tpu.memory_space<hbm>>) dst(%arg6 : memref<250x80xi32, #tpu.memory_space<vmem>>)
      tpu.yield
    }) : () -> ()
    "tpu.region"() ({
      %run_scoped3A = tpu.sem_alloc : memref<!tpu.dma_semaphore, #tpu.memory_space<semaphore_mem>>
      %dma_start3A_108 = arith.constant 0 : i32
      %dma_start3A_109 = arith.constant 0 : i32
      %dma_start3A_110 = tpu.memref_slice %arg4[%arg1, %dma_start3A_108, %dma_start3A_109] : memref<16x250x80xi32, #tpu.memory_space<hbm>> -> memref<1x250x80xi32, #tpu.memory_space<hbm>>
      %dma_start3A_111 = tpu.memref_squeeze %dma_start3A_110 : memref<1x250x80xi32, #tpu.memory_space<hbm>> -> memref<250x80xi32, #tpu.memory_space<hbm>>
      %dma_start3A_112 = arith.constant 0 : i32
      %dma_start3A_113 = arith.constant 0 : i32
      %dma_start3A_114 = tpu.memref_slice %arg4[%arg1, %dma_start3A_112, %dma_start3A_113] : memref<16x250x80xi32, #tpu.memory_space<hbm>> -> memref<1x250x80xi32, #tpu.memory_space<hbm>>
      %dma_start3A_115 = tpu.memref_squeeze %dma_start3A_114 : memref<1x250x80xi32, #tpu.memory_space<hbm>> -> memref<250x80xi32, #tpu.memory_space<hbm>>
      tpu.enqueue_dma source(%dma_start3A_115 : memref<250x80xi32, #tpu.memory_space<hbm>>) target(%arg7 : memref<250x80xi32, #tpu.memory_space<vmem>>) target_semaphore(%run_scoped3A : memref<!tpu.dma_semaphore, #tpu.memory_space<semaphore_mem>>)
      %dma_wait3A_116 = arith.constant 0 : i32
      %dma_wait3A_117 = arith.constant 0 : i32
      %dma_wait3A_118 = tpu.memref_slice %arg4[%arg1, %dma_wait3A_116, %dma_wait3A_117] : memref<16x250x80xi32, #tpu.memory_space<hbm>> -> memref<1x250x80xi32, #tpu.memory_space<hbm>>
      %dma_wait3A_119 = tpu.memref_squeeze %dma_wait3A_118 : memref<1x250x80xi32, #tpu.memory_space<hbm>> -> memref<250x80xi32, #tpu.memory_space<hbm>>
      %dma_wait3A_120 = arith.constant 0 : i32
      %dma_wait3A_121 = arith.constant 0 : i32
      %dma_wait3A_122 = tpu.memref_slice %arg4[%arg1, %dma_wait3A_120, %dma_wait3A_121] : memref<16x250x80xi32, #tpu.memory_space<hbm>> -> memref<1x250x80xi32, #tpu.memory_space<hbm>>
      %dma_wait3A_123 = tpu.memref_squeeze %dma_wait3A_122 : memref<1x250x80xi32, #tpu.memory_space<hbm>> -> memref<250x80xi32, #tpu.memory_space<hbm>>
      tpu.wait_dma2 semaphore(%run_scoped3A : memref<!tpu.dma_semaphore, #tpu.memory_space<semaphore_mem>>) src(%dma_wait3A_123 : memref<250x80xi32, #tpu.memory_space<hbm>>) dst(%arg7 : memref<250x80xi32, #tpu.memory_space<vmem>>)
      tpu.yield
    }) : () -> ()
    %barrier3A = arith.constant 0 : index
    tpu.barrier barrier_id(%barrier3A)
    %dma_start3A = arith.constant 0 : i32
    %dma_start3A_9 = arith.constant 0 : i32
    %dma_start3A_10 = tpu.memref_slice %arg6[%dma_start3A, %dma_start3A_9] : memref<250x80xi32, #tpu.memory_space<vmem>> -> memref<1x80xi32, #tpu.memory_space<vmem>>
    %dma_start3A_11 = tpu.memref_squeeze %dma_start3A_10 : memref<1x80xi32, #tpu.memory_space<vmem>> -> memref<80xi32, #tpu.memory_space<vmem>>
    %dma_start3A_12 = arith.constant 0 : i32
    %dma_start3A_13 = arith.constant 0 : i32
    %dma_start3A_14 = tpu.memref_slice %arg2[%arg0, %dma_start3A_12, %dma_start3A_13] : memref<2x10240x64xf32, #tpu.memory_space<hbm>> -> memref<1x10240x64xf32, #tpu.memory_space<hbm>>
    %dma_start3A_15 = tpu.memref_squeeze %dma_start3A_14 : memref<1x10240x64xf32, #tpu.memory_space<hbm>> -> memref<10240x64xf32, #tpu.memory_space<hbm>>
    %dma_start3A_16 = arith.constant 0 : i32
    %dma_start3A_17 = arith.constant 0 : i32
    %dma_start3A_18 = tpu.memref_slice %dma_start3A_15[%dma_start3A_16, %dma_start3A_17] : memref<10240x64xf32, #tpu.memory_space<hbm>> -> memref<10240x64xf32, #tpu.memory_space<hbm>>
    tpu.enqueue_indirect_dma source(%dma_start3A_18 : memref<10240x64xf32, #tpu.memory_space<hbm>>) target(%arg10 : memref<80x64xf32, #tpu.memory_space<vmem>>) offsets(%dma_start3A_11 : memref<80xi32, #tpu.memory_space<vmem>>) semaphore(%arg15 : memref<!tpu.dma_semaphore, #tpu.memory_space<semaphore_mem>>)
    %dma_start3A_19 = arith.constant 1 : i32
    %dma_start3A_20 = arith.constant 0 : i32
    %dma_start3A_21 = tpu.memref_slice %arg6[%dma_start3A_19, %dma_start3A_20] : memref<250x80xi32, #tpu.memory_space<vmem>> -> memref<1x80xi32, #tpu.memory_space<vmem>>
    %dma_start3A_22 = tpu.memref_squeeze %dma_start3A_21 : memref<1x80xi32, #tpu.memory_space<vmem>> -> memref<80xi32, #tpu.memory_space<vmem>>
    %dma_start3A_23 = arith.constant 0 : i32
    %dma_start3A_24 = arith.constant 0 : i32
    %dma_start3A_25 = tpu.memref_slice %arg2[%arg0, %dma_start3A_23, %dma_start3A_24] : memref<2x10240x64xf32, #tpu.memory_space<hbm>> -> memref<1x10240x64xf32, #tpu.memory_space<hbm>>
    %dma_start3A_26 = tpu.memref_squeeze %dma_start3A_25 : memref<1x10240x64xf32, #tpu.memory_space<hbm>> -> memref<10240x64xf32, #tpu.memory_space<hbm>>
    %dma_start3A_27 = arith.constant 0 : i32
    %dma_start3A_28 = arith.constant 0 : i32
    %dma_start3A_29 = tpu.memref_slice %dma_start3A_26[%dma_start3A_27, %dma_start3A_28] : memref<10240x64xf32, #tpu.memory_space<hbm>> -> memref<10240x64xf32, #tpu.memory_space<hbm>>
    tpu.enqueue_indirect_dma source(%dma_start3A_29 : memref<10240x64xf32, #tpu.memory_space<hbm>>) target(%arg11 : memref<80x64xf32, #tpu.memory_space<vmem>>) offsets(%dma_start3A_22 : memref<80xi32, #tpu.memory_space<vmem>>) semaphore(%arg16 : memref<!tpu.dma_semaphore, #tpu.memory_space<semaphore_mem>>)
    %dma_start3A_30 = arith.constant 2 : i32
    %dma_start3A_31 = arith.constant 0 : i32
    %dma_start3A_32 = tpu.memref_slice %arg6[%dma_start3A_30, %dma_start3A_31] : memref<250x80xi32, #tpu.memory_space<vmem>> -> memref<1x80xi32, #tpu.memory_space<vmem>>
    %dma_start3A_33 = tpu.memref_squeeze %dma_start3A_32 : memref<1x80xi32, #tpu.memory_space<vmem>> -> memref<80xi32, #tpu.memory_space<vmem>>
    %dma_start3A_34 = arith.constant 0 : i32
    %dma_start3A_35 = arith.constant 0 : i32
    %dma_start3A_36 = tpu.memref_slice %arg2[%arg0, %dma_start3A_34, %dma_start3A_35] : memref<2x10240x64xf32, #tpu.memory_space<hbm>> -> memref<1x10240x64xf32, #tpu.memory_space<hbm>>
    %dma_start3A_37 = tpu.memref_squeeze %dma_start3A_36 : memref<1x10240x64xf32, #tpu.memory_space<hbm>> -> memref<10240x64xf32, #tpu.memory_space<hbm>>
    %dma_start3A_38 = arith.constant 0 : i32
    %dma_start3A_39 = arith.constant 0 : i32
    %dma_start3A_40 = tpu.memref_slice %dma_start3A_37[%dma_start3A_38, %dma_start3A_39] : memref<10240x64xf32, #tpu.memory_space<hbm>> -> memref<10240x64xf32, #tpu.memory_space<hbm>>
    tpu.enqueue_indirect_dma source(%dma_start3A_40 : memref<10240x64xf32, #tpu.memory_space<hbm>>) target(%arg12 : memref<80x64xf32, #tpu.memory_space<vmem>>) offsets(%dma_start3A_33 : memref<80xi32, #tpu.memory_space<vmem>>) semaphore(%arg17 : memref<!tpu.dma_semaphore, #tpu.memory_space<semaphore_mem>>)
    %dma_start3A_41 = arith.constant 3 : i32
    %dma_start3A_42 = arith.constant 0 : i32
    %dma_start3A_43 = tpu.memref_slice %arg6[%dma_start3A_41, %dma_start3A_42] : memref<250x80xi32, #tpu.memory_space<vmem>> -> memref<1x80xi32, #tpu.memory_space<vmem>>
    %dma_start3A_44 = tpu.memref_squeeze %dma_start3A_43 : memref<1x80xi32, #tpu.memory_space<vmem>> -> memref<80xi32, #tpu.memory_space<vmem>>
    %dma_start3A_45 = arith.constant 0 : i32
    %dma_start3A_46 = arith.constant 0 : i32
    %dma_start3A_47 = tpu.memref_slice %arg2[%arg0, %dma_start3A_45, %dma_start3A_46] : memref<2x10240x64xf32, #tpu.memory_space<hbm>> -> memref<1x10240x64xf32, #tpu.memory_space<hbm>>
    %dma_start3A_48 = tpu.memref_squeeze %dma_start3A_47 : memref<1x10240x64xf32, #tpu.memory_space<hbm>> -> memref<10240x64xf32, #tpu.memory_space<hbm>>
    %dma_start3A_49 = arith.constant 0 : i32
    %dma_start3A_50 = arith.constant 0 : i32
    %dma_start3A_51 = tpu.memref_slice %dma_start3A_48[%dma_start3A_49, %dma_start3A_50] : memref<10240x64xf32, #tpu.memory_space<hbm>> -> memref<10240x64xf32, #tpu.memory_space<hbm>>
    tpu.enqueue_indirect_dma source(%dma_start3A_51 : memref<10240x64xf32, #tpu.memory_space<hbm>>) target(%arg13 : memref<80x64xf32, #tpu.memory_space<vmem>>) offsets(%dma_start3A_44 : memref<80xi32, #tpu.memory_space<vmem>>) semaphore(%arg18 : memref<!tpu.dma_semaphore, #tpu.memory_space<semaphore_mem>>)
    %dma_start3A_52 = arith.constant 4 : i32
    %dma_start3A_53 = arith.constant 0 : i32
    %dma_start3A_54 = tpu.memref_slice %arg6[%dma_start3A_52, %dma_start3A_53] : memref<250x80xi32, #tpu.memory_space<vmem>> -> memref<1x80xi32, #tpu.memory_space<vmem>>
    %dma_start3A_55 = tpu.memref_squeeze %dma_start3A_54 : memref<1x80xi32, #tpu.memory_space<vmem>> -> memref<80xi32, #tpu.memory_space<vmem>>
    %dma_start3A_56 = arith.constant 0 : i32
    %dma_start3A_57 = arith.constant 0 : i32
    %dma_start3A_58 = tpu.memref_slice %arg2[%arg0, %dma_start3A_56, %dma_start3A_57] : memref<2x10240x64xf32, #tpu.memory_space<hbm>> -> memref<1x10240x64xf32, #tpu.memory_space<hbm>>
    %dma_start3A_59 = tpu.memref_squeeze %dma_start3A_58 : memref<1x10240x64xf32, #tpu.memory_space<hbm>> -> memref<10240x64xf32, #tpu.memory_space<hbm>>
    %dma_start3A_60 = arith.constant 0 : i32
    %dma_start3A_61 = arith.constant 0 : i32
    %dma_start3A_62 = tpu.memref_slice %dma_start3A_59[%dma_start3A_60, %dma_start3A_61] : memref<10240x64xf32, #tpu.memory_space<hbm>> -> memref<10240x64xf32, #tpu.memory_space<hbm>>
    tpu.enqueue_indirect_dma source(%dma_start3A_62 : memref<10240x64xf32, #tpu.memory_space<hbm>>) target(%arg14 : memref<80x64xf32, #tpu.memory_space<vmem>>) offsets(%dma_start3A_55 : memref<80xi32, #tpu.memory_space<vmem>>) semaphore(%arg19 : memref<!tpu.dma_semaphore, #tpu.memory_space<semaphore_mem>>)
    %scan3A_63 = arith.constant 0 : i32
    %scan3A_64 = arith.constant 50 : i32
    %scan3A_65 = arith.addi %scan3A_63, %scan3A_64 : i32
    %scan3A_66 = arith.constant 1 : i32
    scf.for %scan3A_108 = %scan3A_63 to %scan3A_65 step %scan3A_66  : i32 {
      %mul3A = arith.constant 5 : i32
      %mul3A_109 = arith.muli %scan3A_108, %mul3A : i32
      %add3A = arith.constant 0 : i32
      %add3A_110 = arith.addi %add3A, %mul3A_109 : i32
      %add3A_111 = arith.constant 0 : i32
      %add3A_112 = arith.addi %add3A_110, %add3A_111 : i32
      %dma_wait3A_113 = arith.constant 0 : i32
      %dma_wait3A_114 = tpu.memref_slice %arg6[%add3A_112, %dma_wait3A_113] : memref<250x80xi32, #tpu.memory_space<vmem>> -> memref<1x80xi32, #tpu.memory_space<vmem>>
      %dma_wait3A_115 = tpu.memref_squeeze %dma_wait3A_114 : memref<1x80xi32, #tpu.memory_space<vmem>> -> memref<80xi32, #tpu.memory_space<vmem>>
      %dma_wait3A_116 = arith.constant 0 : i32
      %dma_wait3A_117 = arith.constant 0 : i32
      %dma_wait3A_118 = tpu.memref_slice %arg2[%arg0, %dma_wait3A_116, %dma_wait3A_117] : memref<2x10240x64xf32, #tpu.memory_space<hbm>> -> memref<1x10240x64xf32, #tpu.memory_space<hbm>>
      %dma_wait3A_119 = tpu.memref_squeeze %dma_wait3A_118 : memref<1x10240x64xf32, #tpu.memory_space<hbm>> -> memref<10240x64xf32, #tpu.memory_space<hbm>>
      %dma_wait3A_120 = arith.constant 0 : i32
      %dma_wait3A_121 = arith.constant 0 : i32
      %dma_wait3A_122 = tpu.memref_slice %dma_wait3A_119[%dma_wait3A_120, %dma_wait3A_121] : memref<10240x64xf32, #tpu.memory_space<hbm>> -> memref<10240x64xf32, #tpu.memory_space<hbm>>
      tpu.wait_indirect_dma semaphore(%arg15 : memref<!tpu.dma_semaphore, #tpu.memory_space<semaphore_mem>>) src(%dma_wait3A_122 : memref<10240x64xf32, #tpu.memory_space<hbm>>) dst(%arg10 : memref<80x64xf32, #tpu.memory_space<vmem>>)
      %dma_start3A_123 = arith.constant 0 : i32
      %dma_start3A_124 = tpu.memref_slice %arg7[%add3A_112, %dma_start3A_123] : memref<250x80xi32, #tpu.memory_space<vmem>> -> memref<1x80xi32, #tpu.memory_space<vmem>>
      %dma_start3A_125 = tpu.memref_squeeze %dma_start3A_124 : memref<1x80xi32, #tpu.memory_space<vmem>> -> memref<80xi32, #tpu.memory_space<vmem>>
      %dma_start3A_126 = arith.constant 0 : i32
      %dma_start3A_127 = arith.constant 0 : i32
      %dma_start3A_128 = tpu.memref_slice %arg9[%dma_start3A_126, %dma_start3A_127] : memref<10240x64xf32, #tpu.memory_space<vmem_shared>> -> memref<10240x64xf32, #tpu.memory_space<vmem_shared>>
      tpu.enqueue_indirect_dma source(%arg10 : memref<80x64xf32, #tpu.memory_space<vmem>>) target(%dma_start3A_128 : memref<10240x64xf32, #tpu.memory_space<vmem_shared>>) offsets(%dma_start3A_125 : memref<80xi32, #tpu.memory_space<vmem>>) semaphore(%arg20 : memref<!tpu.dma_semaphore, #tpu.memory_space<semaphore_mem>>) {add = true}
      %sub3A = arith.constant 1 : i32
      %sub3A_129 = arith.subi %add3A_112, %sub3A : i32
      %add3A_130 = arith.constant 5 : i32
      %add3A_131 = arith.addi %sub3A_129, %add3A_130 : i32
      %gt3A = arith.constant 0 : i32
      %gt3A_132 = arith.cmpi sgt, %add3A_110, %gt3A : i32
      %convert_element_type3A = arith.extui %gt3A_132 : i1 to i32
      %cond3A = arith.constant 0 : i32
      %cond3A_133 = arith.cmpi ne, %convert_element_type3A, %cond3A : i32
      scf.if %cond3A_133 {
        %dma_wait3A_241 = arith.constant 0 : i32
        %dma_wait3A_242 = arith.constant 0 : i32
        %dma_wait3A_243 = tpu.memref_slice %arg7[%dma_wait3A_241, %dma_wait3A_242] : memref<250x80xi32, #tpu.memory_space<vmem>> -> memref<1x80xi32, #tpu.memory_space<vmem>>
        %dma_wait3A_244 = tpu.memref_squeeze %dma_wait3A_243 : memref<1x80xi32, #tpu.memory_space<vmem>> -> memref<80xi32, #tpu.memory_space<vmem>>
        %dma_wait3A_245 = arith.constant 0 : i32
        %dma_wait3A_246 = arith.constant 0 : i32
        %dma_wait3A_247 = tpu.memref_slice %arg9[%dma_wait3A_245, %dma_wait3A_246] : memref<10240x64xf32, #tpu.memory_space<vmem_shared>> -> memref<10240x64xf32, #tpu.memory_space<vmem_shared>>
        tpu.wait_indirect_dma semaphore(%arg24 : memref<!tpu.dma_semaphore, #tpu.memory_space<semaphore_mem>>) src(%arg14 : memref<80x64xf32, #tpu.memory_space<vmem>>) dst(%dma_wait3A_247 : memref<10240x64xf32, #tpu.memory_space<vmem_shared>>)
        %dma_start3A_248 = arith.constant 0 : i32
        %dma_start3A_249 = tpu.memref_slice %arg6[%add3A_131, %dma_start3A_248] : memref<250x80xi32, #tpu.memory_space<vmem>> -> memref<1x80xi32, #tpu.memory_space<vmem>>
        %dma_start3A_250 = tpu.memref_squeeze %dma_start3A_249 : memref<1x80xi32, #tpu.memory_space<vmem>> -> memref<80xi32, #tpu.memory_space<vmem>>
        %dma_start3A_251 = arith.constant 0 : i32
        %dma_start3A_252 = arith.constant 0 : i32
        %dma_start3A_253 = tpu.memref_slice %arg2[%arg0, %dma_start3A_251, %dma_start3A_252] : memref<2x10240x64xf32, #tpu.memory_space<hbm>> -> memref<1x10240x64xf32, #tpu.memory_space<hbm>>
        %dma_start3A_254 = tpu.memref_squeeze %dma_start3A_253 : memref<1x10240x64xf32, #tpu.memory_space<hbm>> -> memref<10240x64xf32, #tpu.memory_space<hbm>>
        %dma_start3A_255 = arith.constant 0 : i32
        %dma_start3A_256 = arith.constant 0 : i32
        %dma_start3A_257 = tpu.memref_slice %dma_start3A_254[%dma_start3A_255, %dma_start3A_256] : memref<10240x64xf32, #tpu.memory_space<hbm>> -> memref<10240x64xf32, #tpu.memory_space<hbm>>
        tpu.enqueue_indirect_dma source(%dma_start3A_257 : memref<10240x64xf32, #tpu.memory_space<hbm>>) target(%arg14 : memref<80x64xf32, #tpu.memory_space<vmem>>) offsets(%dma_start3A_250 : memref<80xi32, #tpu.memory_space<vmem>>) semaphore(%arg19 : memref<!tpu.dma_semaphore, #tpu.memory_space<semaphore_mem>>)
      } else {
      }
      %add3A_134 = arith.constant 1 : i32
      %add3A_135 = arith.addi %add3A_110, %add3A_134 : i32
      %dma_wait3A_136 = arith.constant 0 : i32
      %dma_wait3A_137 = tpu.memref_slice %arg6[%add3A_135, %dma_wait3A_136] : memref<250x80xi32, #tpu.memory_space<vmem>> -> memref<1x80xi32, #tpu.memory_space<vmem>>
      %dma_wait3A_138 = tpu.memref_squeeze %dma_wait3A_137 : memref<1x80xi32, #tpu.memory_space<vmem>> -> memref<80xi32, #tpu.memory_space<vmem>>
      %dma_wait3A_139 = arith.constant 0 : i32
      %dma_wait3A_140 = arith.constant 0 : i32
      %dma_wait3A_141 = tpu.memref_slice %arg2[%arg0, %dma_wait3A_139, %dma_wait3A_140] : memref<2x10240x64xf32, #tpu.memory_space<hbm>> -> memref<1x10240x64xf32, #tpu.memory_space<hbm>>
      %dma_wait3A_142 = tpu.memref_squeeze %dma_wait3A_141 : memref<1x10240x64xf32, #tpu.memory_space<hbm>> -> memref<10240x64xf32, #tpu.memory_space<hbm>>
      %dma_wait3A_143 = arith.constant 0 : i32
      %dma_wait3A_144 = arith.constant 0 : i32
      %dma_wait3A_145 = tpu.memref_slice %dma_wait3A_142[%dma_wait3A_143, %dma_wait3A_144] : memref<10240x64xf32, #tpu.memory_space<hbm>> -> memref<10240x64xf32, #tpu.memory_space<hbm>>
      tpu.wait_indirect_dma semaphore(%arg16 : memref<!tpu.dma_semaphore, #tpu.memory_space<semaphore_mem>>) src(%dma_wait3A_145 : memref<10240x64xf32, #tpu.memory_space<hbm>>) dst(%arg11 : memref<80x64xf32, #tpu.memory_space<vmem>>)
      %dma_start3A_146 = arith.constant 0 : i32
      %dma_start3A_147 = tpu.memref_slice %arg7[%add3A_135, %dma_start3A_146] : memref<250x80xi32, #tpu.memory_space<vmem>> -> memref<1x80xi32, #tpu.memory_space<vmem>>
      %dma_start3A_148 = tpu.memref_squeeze %dma_start3A_147 : memref<1x80xi32, #tpu.memory_space<vmem>> -> memref<80xi32, #tpu.memory_space<vmem>>
      %dma_start3A_149 = arith.constant 0 : i32
      %dma_start3A_150 = arith.constant 0 : i32
      %dma_start3A_151 = tpu.memref_slice %arg9[%dma_start3A_149, %dma_start3A_150] : memref<10240x64xf32, #tpu.memory_space<vmem_shared>> -> memref<10240x64xf32, #tpu.memory_space<vmem_shared>>
      tpu.enqueue_indirect_dma source(%arg11 : memref<80x64xf32, #tpu.memory_space<vmem>>) target(%dma_start3A_151 : memref<10240x64xf32, #tpu.memory_space<vmem_shared>>) offsets(%dma_start3A_148 : memref<80xi32, #tpu.memory_space<vmem>>) semaphore(%arg21 : memref<!tpu.dma_semaphore, #tpu.memory_space<semaphore_mem>>) {add = true}
      %sub3A_152 = arith.constant 1 : i32
      %sub3A_153 = arith.subi %add3A_135, %sub3A_152 : i32
      %add3A_154 = arith.constant 5 : i32
      %add3A_155 = arith.addi %sub3A_153, %add3A_154 : i32
      %lt3A = arith.constant 250 : i32
      %lt3A_156 = arith.cmpi slt, %add3A_155, %lt3A : i32
      %convert_element_type3A_157 = arith.extui %lt3A_156 : i1 to i32
      %cond3A_158 = arith.constant 0 : i32
      %cond3A_159 = arith.cmpi ne, %convert_element_type3A_157, %cond3A_158 : i32
      scf.if %cond3A_159 {
        %dma_wait3A_241 = arith.constant 0 : i32
        %dma_wait3A_242 = arith.constant 0 : i32
        %dma_wait3A_243 = tpu.memref_slice %arg7[%dma_wait3A_241, %dma_wait3A_242] : memref<250x80xi32, #tpu.memory_space<vmem>> -> memref<1x80xi32, #tpu.memory_space<vmem>>
        %dma_wait3A_244 = tpu.memref_squeeze %dma_wait3A_243 : memref<1x80xi32, #tpu.memory_space<vmem>> -> memref<80xi32, #tpu.memory_space<vmem>>
        %dma_wait3A_245 = arith.constant 0 : i32
        %dma_wait3A_246 = arith.constant 0 : i32
        %dma_wait3A_247 = tpu.memref_slice %arg9[%dma_wait3A_245, %dma_wait3A_246] : memref<10240x64xf32, #tpu.memory_space<vmem_shared>> -> memref<10240x64xf32, #tpu.memory_space<vmem_shared>>
        tpu.wait_indirect_dma semaphore(%arg20 : memref<!tpu.dma_semaphore, #tpu.memory_space<semaphore_mem>>) src(%arg10 : memref<80x64xf32, #tpu.memory_space<vmem>>) dst(%dma_wait3A_247 : memref<10240x64xf32, #tpu.memory_space<vmem_shared>>)
        %dma_start3A_248 = arith.constant 0 : i32
        %dma_start3A_249 = tpu.memref_slice %arg6[%add3A_155, %dma_start3A_248] : memref<250x80xi32, #tpu.memory_space<vmem>> -> memref<1x80xi32, #tpu.memory_space<vmem>>
        %dma_start3A_250 = tpu.memref_squeeze %dma_start3A_249 : memref<1x80xi32, #tpu.memory_space<vmem>> -> memref<80xi32, #tpu.memory_space<vmem>>
        %dma_start3A_251 = arith.constant 0 : i32
        %dma_start3A_252 = arith.constant 0 : i32
        %dma_start3A_253 = tpu.memref_slice %arg2[%arg0, %dma_start3A_251, %dma_start3A_252] : memref<2x10240x64xf32, #tpu.memory_space<hbm>> -> memref<1x10240x64xf32, #tpu.memory_space<hbm>>
        %dma_start3A_254 = tpu.memref_squeeze %dma_start3A_253 : memref<1x10240x64xf32, #tpu.memory_space<hbm>> -> memref<10240x64xf32, #tpu.memory_space<hbm>>
        %dma_start3A_255 = arith.constant 0 : i32
        %dma_start3A_256 = arith.constant 0 : i32
        %dma_start3A_257 = tpu.memref_slice %dma_start3A_254[%dma_start3A_255, %dma_start3A_256] : memref<10240x64xf32, #tpu.memory_space<hbm>> -> memref<10240x64xf32, #tpu.memory_space<hbm>>
        tpu.enqueue_indirect_dma source(%dma_start3A_257 : memref<10240x64xf32, #tpu.memory_space<hbm>>) target(%arg10 : memref<80x64xf32, #tpu.memory_space<vmem>>) offsets(%dma_start3A_250 : memref<80xi32, #tpu.memory_space<vmem>>) semaphore(%arg15 : memref<!tpu.dma_semaphore, #tpu.memory_space<semaphore_mem>>)
      } else {
      }
      %add3A_160 = arith.constant 2 : i32
      %add3A_161 = arith.addi %add3A_110, %add3A_160 : i32
      %dma_wait3A_162 = arith.constant 0 : i32
      %dma_wait3A_163 = tpu.memref_slice %arg6[%add3A_161, %dma_wait3A_162] : memref<250x80xi32, #tpu.memory_space<vmem>> -> memref<1x80xi32, #tpu.memory_space<vmem>>
      %dma_wait3A_164 = tpu.memref_squeeze %dma_wait3A_163 : memref<1x80xi32, #tpu.memory_space<vmem>> -> memref<80xi32, #tpu.memory_space<vmem>>
      %dma_wait3A_165 = arith.constant 0 : i32
      %dma_wait3A_166 = arith.constant 0 : i32
      %dma_wait3A_167 = tpu.memref_slice %arg2[%arg0, %dma_wait3A_165, %dma_wait3A_166] : memref<2x10240x64xf32, #tpu.memory_space<hbm>> -> memref<1x10240x64xf32, #tpu.memory_space<hbm>>
      %dma_wait3A_168 = tpu.memref_squeeze %dma_wait3A_167 : memref<1x10240x64xf32, #tpu.memory_space<hbm>> -> memref<10240x64xf32, #tpu.memory_space<hbm>>
      %dma_wait3A_169 = arith.constant 0 : i32
      %dma_wait3A_170 = arith.constant 0 : i32
      %dma_wait3A_171 = tpu.memref_slice %dma_wait3A_168[%dma_wait3A_169, %dma_wait3A_170] : memref<10240x64xf32, #tpu.memory_space<hbm>> -> memref<10240x64xf32, #tpu.memory_space<hbm>>
      tpu.wait_indirect_dma semaphore(%arg17 : memref<!tpu.dma_semaphore, #tpu.memory_space<semaphore_mem>>) src(%dma_wait3A_171 : memref<10240x64xf32, #tpu.memory_space<hbm>>) dst(%arg12 : memref<80x64xf32, #tpu.memory_space<vmem>>)
      %dma_start3A_172 = arith.constant 0 : i32
      %dma_start3A_173 = tpu.memref_slice %arg7[%add3A_161, %dma_start3A_172] : memref<250x80xi32, #tpu.memory_space<vmem>> -> memref<1x80xi32, #tpu.memory_space<vmem>>
      %dma_start3A_174 = tpu.memref_squeeze %dma_start3A_173 : memref<1x80xi32, #tpu.memory_space<vmem>> -> memref<80xi32, #tpu.memory_space<vmem>>
      %dma_start3A_175 = arith.constant 0 : i32
      %dma_start3A_176 = arith.constant 0 : i32
      %dma_start3A_177 = tpu.memref_slice %arg9[%dma_start3A_175, %dma_start3A_176] : memref<10240x64xf32, #tpu.memory_space<vmem_shared>> -> memref<10240x64xf32, #tpu.memory_space<vmem_shared>>
      tpu.enqueue_indirect_dma source(%arg12 : memref<80x64xf32, #tpu.memory_space<vmem>>) target(%dma_start3A_177 : memref<10240x64xf32, #tpu.memory_space<vmem_shared>>) offsets(%dma_start3A_174 : memref<80xi32, #tpu.memory_space<vmem>>) semaphore(%arg22 : memref<!tpu.dma_semaphore, #tpu.memory_space<semaphore_mem>>) {add = true}
      %sub3A_178 = arith.constant 1 : i32
      %sub3A_179 = arith.subi %add3A_161, %sub3A_178 : i32
      %add3A_180 = arith.constant 5 : i32
      %add3A_181 = arith.addi %sub3A_179, %add3A_180 : i32
      %lt3A_182 = arith.constant 250 : i32
      %lt3A_183 = arith.cmpi slt, %add3A_181, %lt3A_182 : i32
      %convert_element_type3A_184 = arith.extui %lt3A_183 : i1 to i32
      %cond3A_185 = arith.constant 0 : i32
      %cond3A_186 = arith.cmpi ne, %convert_element_type3A_184, %cond3A_185 : i32
      scf.if %cond3A_186 {
        %dma_wait3A_241 = arith.constant 0 : i32
        %dma_wait3A_242 = arith.constant 0 : i32
        %dma_wait3A_243 = tpu.memref_slice %arg7[%dma_wait3A_241, %dma_wait3A_242] : memref<250x80xi32, #tpu.memory_space<vmem>> -> memref<1x80xi32, #tpu.memory_space<vmem>>
        %dma_wait3A_244 = tpu.memref_squeeze %dma_wait3A_243 : memref<1x80xi32, #tpu.memory_space<vmem>> -> memref<80xi32, #tpu.memory_space<vmem>>
        %dma_wait3A_245 = arith.constant 0 : i32
        %dma_wait3A_246 = arith.constant 0 : i32
        %dma_wait3A_247 = tpu.memref_slice %arg9[%dma_wait3A_245, %dma_wait3A_246] : memref<10240x64xf32, #tpu.memory_space<vmem_shared>> -> memref<10240x64xf32, #tpu.memory_space<vmem_shared>>
        tpu.wait_indirect_dma semaphore(%arg21 : memref<!tpu.dma_semaphore, #tpu.memory_space<semaphore_mem>>) src(%arg11 : memref<80x64xf32, #tpu.memory_space<vmem>>) dst(%dma_wait3A_247 : memref<10240x64xf32, #tpu.memory_space<vmem_shared>>)
        %dma_start3A_248 = arith.constant 0 : i32
        %dma_start3A_249 = tpu.memref_slice %arg6[%add3A_181, %dma_start3A_248] : memref<250x80xi32, #tpu.memory_space<vmem>> -> memref<1x80xi32, #tpu.memory_space<vmem>>
        %dma_start3A_250 = tpu.memref_squeeze %dma_start3A_249 : memref<1x80xi32, #tpu.memory_space<vmem>> -> memref<80xi32, #tpu.memory_space<vmem>>
        %dma_start3A_251 = arith.constant 0 : i32
        %dma_start3A_252 = arith.constant 0 : i32
        %dma_start3A_253 = tpu.memref_slice %arg2[%arg0, %dma_start3A_251, %dma_start3A_252] : memref<2x10240x64xf32, #tpu.memory_space<hbm>> -> memref<1x10240x64xf32, #tpu.memory_space<hbm>>
        %dma_start3A_254 = tpu.memref_squeeze %dma_start3A_253 : memref<1x10240x64xf32, #tpu.memory_space<hbm>> -> memref<10240x64xf32, #tpu.memory_space<hbm>>
        %dma_start3A_255 = arith.constant 0 : i32
        %dma_start3A_256 = arith.constant 0 : i32
        %dma_start3A_257 = tpu.memref_slice %dma_start3A_254[%dma_start3A_255, %dma_start3A_256] : memref<10240x64xf32, #tpu.memory_space<hbm>> -> memref<10240x64xf32, #tpu.memory_space<hbm>>
        tpu.enqueue_indirect_dma source(%dma_start3A_257 : memref<10240x64xf32, #tpu.memory_space<hbm>>) target(%arg11 : memref<80x64xf32, #tpu.memory_space<vmem>>) offsets(%dma_start3A_250 : memref<80xi32, #tpu.memory_space<vmem>>) semaphore(%arg16 : memref<!tpu.dma_semaphore, #tpu.memory_space<semaphore_mem>>)
      } else {
      }
      %add3A_187 = arith.constant 3 : i32
      %add3A_188 = arith.addi %add3A_110, %add3A_187 : i32
      %dma_wait3A_189 = arith.constant 0 : i32
      %dma_wait3A_190 = tpu.memref_slice %arg6[%add3A_188, %dma_wait3A_189] : memref<250x80xi32, #tpu.memory_space<vmem>> -> memref<1x80xi32, #tpu.memory_space<vmem>>
      %dma_wait3A_191 = tpu.memref_squeeze %dma_wait3A_190 : memref<1x80xi32, #tpu.memory_space<vmem>> -> memref<80xi32, #tpu.memory_space<vmem>>
      %dma_wait3A_192 = arith.constant 0 : i32
      %dma_wait3A_193 = arith.constant 0 : i32
      %dma_wait3A_194 = tpu.memref_slice %arg2[%arg0, %dma_wait3A_192, %dma_wait3A_193] : memref<2x10240x64xf32, #tpu.memory_space<hbm>> -> memref<1x10240x64xf32, #tpu.memory_space<hbm>>
      %dma_wait3A_195 = tpu.memref_squeeze %dma_wait3A_194 : memref<1x10240x64xf32, #tpu.memory_space<hbm>> -> memref<10240x64xf32, #tpu.memory_space<hbm>>
      %dma_wait3A_196 = arith.constant 0 : i32
      %dma_wait3A_197 = arith.constant 0 : i32
      %dma_wait3A_198 = tpu.memref_slice %dma_wait3A_195[%dma_wait3A_196, %dma_wait3A_197] : memref<10240x64xf32, #tpu.memory_space<hbm>> -> memref<10240x64xf32, #tpu.memory_space<hbm>>
      tpu.wait_indirect_dma semaphore(%arg18 : memref<!tpu.dma_semaphore, #tpu.memory_space<semaphore_mem>>) src(%dma_wait3A_198 : memref<10240x64xf32, #tpu.memory_space<hbm>>) dst(%arg13 : memref<80x64xf32, #tpu.memory_space<vmem>>)
      %dma_start3A_199 = arith.constant 0 : i32
      %dma_start3A_200 = tpu.memref_slice %arg7[%add3A_188, %dma_start3A_199] : memref<250x80xi32, #tpu.memory_space<vmem>> -> memref<1x80xi32, #tpu.memory_space<vmem>>
      %dma_start3A_201 = tpu.memref_squeeze %dma_start3A_200 : memref<1x80xi32, #tpu.memory_space<vmem>> -> memref<80xi32, #tpu.memory_space<vmem>>
      %dma_start3A_202 = arith.constant 0 : i32
      %dma_start3A_203 = arith.constant 0 : i32
      %dma_start3A_204 = tpu.memref_slice %arg9[%dma_start3A_202, %dma_start3A_203] : memref<10240x64xf32, #tpu.memory_space<vmem_shared>> -> memref<10240x64xf32, #tpu.memory_space<vmem_shared>>
      tpu.enqueue_indirect_dma source(%arg13 : memref<80x64xf32, #tpu.memory_space<vmem>>) target(%dma_start3A_204 : memref<10240x64xf32, #tpu.memory_space<vmem_shared>>) offsets(%dma_start3A_201 : memref<80xi32, #tpu.memory_space<vmem>>) semaphore(%arg23 : memref<!tpu.dma_semaphore, #tpu.memory_space<semaphore_mem>>) {add = true}
      %sub3A_205 = arith.constant 1 : i32
      %sub3A_206 = arith.subi %add3A_188, %sub3A_205 : i32
      %add3A_207 = arith.constant 5 : i32
      %add3A_208 = arith.addi %sub3A_206, %add3A_207 : i32
      %lt3A_209 = arith.constant 250 : i32
      %lt3A_210 = arith.cmpi slt, %add3A_208, %lt3A_209 : i32
      %convert_element_type3A_211 = arith.extui %lt3A_210 : i1 to i32
      %cond3A_212 = arith.constant 0 : i32
      %cond3A_213 = arith.cmpi ne, %convert_element_type3A_211, %cond3A_212 : i32
      scf.if %cond3A_213 {
        %dma_wait3A_241 = arith.constant 0 : i32
        %dma_wait3A_242 = arith.constant 0 : i32
        %dma_wait3A_243 = tpu.memref_slice %arg7[%dma_wait3A_241, %dma_wait3A_242] : memref<250x80xi32, #tpu.memory_space<vmem>> -> memref<1x80xi32, #tpu.memory_space<vmem>>
        %dma_wait3A_244 = tpu.memref_squeeze %dma_wait3A_243 : memref<1x80xi32, #tpu.memory_space<vmem>> -> memref<80xi32, #tpu.memory_space<vmem>>
        %dma_wait3A_245 = arith.constant 0 : i32
        %dma_wait3A_246 = arith.constant 0 : i32
        %dma_wait3A_247 = tpu.memref_slice %arg9[%dma_wait3A_245, %dma_wait3A_246] : memref<10240x64xf32, #tpu.memory_space<vmem_shared>> -> memref<10240x64xf32, #tpu.memory_space<vmem_shared>>
        tpu.wait_indirect_dma semaphore(%arg22 : memref<!tpu.dma_semaphore, #tpu.memory_space<semaphore_mem>>) src(%arg12 : memref<80x64xf32, #tpu.memory_space<vmem>>) dst(%dma_wait3A_247 : memref<10240x64xf32, #tpu.memory_space<vmem_shared>>)
        %dma_start3A_248 = arith.constant 0 : i32
        %dma_start3A_249 = tpu.memref_slice %arg6[%add3A_208, %dma_start3A_248] : memref<250x80xi32, #tpu.memory_space<vmem>> -> memref<1x80xi32, #tpu.memory_space<vmem>>
        %dma_start3A_250 = tpu.memref_squeeze %dma_start3A_249 : memref<1x80xi32, #tpu.memory_space<vmem>> -> memref<80xi32, #tpu.memory_space<vmem>>
        %dma_start3A_251 = arith.constant 0 : i32
        %dma_start3A_252 = arith.constant 0 : i32
        %dma_start3A_253 = tpu.memref_slice %arg2[%arg0, %dma_start3A_251, %dma_start3A_252] : memref<2x10240x64xf32, #tpu.memory_space<hbm>> -> memref<1x10240x64xf32, #tpu.memory_space<hbm>>
        %dma_start3A_254 = tpu.memref_squeeze %dma_start3A_253 : memref<1x10240x64xf32, #tpu.memory_space<hbm>> -> memref<10240x64xf32, #tpu.memory_space<hbm>>
        %dma_start3A_255 = arith.constant 0 : i32
        %dma_start3A_256 = arith.constant 0 : i32
        %dma_start3A_257 = tpu.memref_slice %dma_start3A_254[%dma_start3A_255, %dma_start3A_256] : memref<10240x64xf32, #tpu.memory_space<hbm>> -> memref<10240x64xf32, #tpu.memory_space<hbm>>
        tpu.enqueue_indirect_dma source(%dma_start3A_257 : memref<10240x64xf32, #tpu.memory_space<hbm>>) target(%arg12 : memref<80x64xf32, #tpu.memory_space<vmem>>) offsets(%dma_start3A_250 : memref<80xi32, #tpu.memory_space<vmem>>) semaphore(%arg17 : memref<!tpu.dma_semaphore, #tpu.memory_space<semaphore_mem>>)
      } else {
      }
      %add3A_214 = arith.constant 4 : i32
      %add3A_215 = arith.addi %add3A_110, %add3A_214 : i32
      %dma_wait3A_216 = arith.constant 0 : i32
      %dma_wait3A_217 = tpu.memref_slice %arg6[%add3A_215, %dma_wait3A_216] : memref<250x80xi32, #tpu.memory_space<vmem>> -> memref<1x80xi32, #tpu.memory_space<vmem>>
      %dma_wait3A_218 = tpu.memref_squeeze %dma_wait3A_217 : memref<1x80xi32, #tpu.memory_space<vmem>> -> memref<80xi32, #tpu.memory_space<vmem>>
      %dma_wait3A_219 = arith.constant 0 : i32
      %dma_wait3A_220 = arith.constant 0 : i32
      %dma_wait3A_221 = tpu.memref_slice %arg2[%arg0, %dma_wait3A_219, %dma_wait3A_220] : memref<2x10240x64xf32, #tpu.memory_space<hbm>> -> memref<1x10240x64xf32, #tpu.memory_space<hbm>>
      %dma_wait3A_222 = tpu.memref_squeeze %dma_wait3A_221 : memref<1x10240x64xf32, #tpu.memory_space<hbm>> -> memref<10240x64xf32, #tpu.memory_space<hbm>>
      %dma_wait3A_223 = arith.constant 0 : i32
      %dma_wait3A_224 = arith.constant 0 : i32
      %dma_wait3A_225 = tpu.memref_slice %dma_wait3A_222[%dma_wait3A_223, %dma_wait3A_224] : memref<10240x64xf32, #tpu.memory_space<hbm>> -> memref<10240x64xf32, #tpu.memory_space<hbm>>
      tpu.wait_indirect_dma semaphore(%arg19 : memref<!tpu.dma_semaphore, #tpu.memory_space<semaphore_mem>>) src(%dma_wait3A_225 : memref<10240x64xf32, #tpu.memory_space<hbm>>) dst(%arg14 : memref<80x64xf32, #tpu.memory_space<vmem>>)
      %dma_start3A_226 = arith.constant 0 : i32
      %dma_start3A_227 = tpu.memref_slice %arg7[%add3A_215, %dma_start3A_226] : memref<250x80xi32, #tpu.memory_space<vmem>> -> memref<1x80xi32, #tpu.memory_space<vmem>>
      %dma_start3A_228 = tpu.memref_squeeze %dma_start3A_227 : memref<1x80xi32, #tpu.memory_space<vmem>> -> memref<80xi32, #tpu.memory_space<vmem>>
      %dma_start3A_229 = arith.constant 0 : i32
      %dma_start3A_230 = arith.constant 0 : i32
      %dma_start3A_231 = tpu.memref_slice %arg9[%dma_start3A_229, %dma_start3A_230] : memref<10240x64xf32, #tpu.memory_space<vmem_shared>> -> memref<10240x64xf32, #tpu.memory_space<vmem_shared>>
      tpu.enqueue_indirect_dma source(%arg14 : memref<80x64xf32, #tpu.memory_space<vmem>>) target(%dma_start3A_231 : memref<10240x64xf32, #tpu.memory_space<vmem_shared>>) offsets(%dma_start3A_228 : memref<80xi32, #tpu.memory_space<vmem>>) semaphore(%arg24 : memref<!tpu.dma_semaphore, #tpu.memory_space<semaphore_mem>>) {add = true}
      %sub3A_232 = arith.constant 1 : i32
      %sub3A_233 = arith.subi %add3A_215, %sub3A_232 : i32
      %add3A_234 = arith.constant 5 : i32
      %add3A_235 = arith.addi %sub3A_233, %add3A_234 : i32
      %lt3A_236 = arith.constant 250 : i32
      %lt3A_237 = arith.cmpi slt, %add3A_235, %lt3A_236 : i32
      %convert_element_type3A_238 = arith.extui %lt3A_237 : i1 to i32
      %cond3A_239 = arith.constant 0 : i32
      %cond3A_240 = arith.cmpi ne, %convert_element_type3A_238, %cond3A_239 : i32
      scf.if %cond3A_240 {
        %dma_wait3A_241 = arith.constant 0 : i32
        %dma_wait3A_242 = arith.constant 0 : i32
        %dma_wait3A_243 = tpu.memref_slice %arg7[%dma_wait3A_241, %dma_wait3A_242] : memref<250x80xi32, #tpu.memory_space<vmem>> -> memref<1x80xi32, #tpu.memory_space<vmem>>
        %dma_wait3A_244 = tpu.memref_squeeze %dma_wait3A_243 : memref<1x80xi32, #tpu.memory_space<vmem>> -> memref<80xi32, #tpu.memory_space<vmem>>
        %dma_wait3A_245 = arith.constant 0 : i32
        %dma_wait3A_246 = arith.constant 0 : i32
        %dma_wait3A_247 = tpu.memref_slice %arg9[%dma_wait3A_245, %dma_wait3A_246] : memref<10240x64xf32, #tpu.memory_space<vmem_shared>> -> memref<10240x64xf32, #tpu.memory_space<vmem_shared>>
        tpu.wait_indirect_dma semaphore(%arg23 : memref<!tpu.dma_semaphore, #tpu.memory_space<semaphore_mem>>) src(%arg13 : memref<80x64xf32, #tpu.memory_space<vmem>>) dst(%dma_wait3A_247 : memref<10240x64xf32, #tpu.memory_space<vmem_shared>>)
        %dma_start3A_248 = arith.constant 0 : i32
        %dma_start3A_249 = tpu.memref_slice %arg6[%add3A_235, %dma_start3A_248] : memref<250x80xi32, #tpu.memory_space<vmem>> -> memref<1x80xi32, #tpu.memory_space<vmem>>
        %dma_start3A_250 = tpu.memref_squeeze %dma_start3A_249 : memref<1x80xi32, #tpu.memory_space<vmem>> -> memref<80xi32, #tpu.memory_space<vmem>>
        %dma_start3A_251 = arith.constant 0 : i32
        %dma_start3A_252 = arith.constant 0 : i32
        %dma_start3A_253 = tpu.memref_slice %arg2[%arg0, %dma_start3A_251, %dma_start3A_252] : memref<2x10240x64xf32, #tpu.memory_space<hbm>> -> memref<1x10240x64xf32, #tpu.memory_space<hbm>>
        %dma_start3A_254 = tpu.memref_squeeze %dma_start3A_253 : memref<1x10240x64xf32, #tpu.memory_space<hbm>> -> memref<10240x64xf32, #tpu.memory_space<hbm>>
        %dma_start3A_255 = arith.constant 0 : i32
        %dma_start3A_256 = arith.constant 0 : i32
        %dma_start3A_257 = tpu.memref_slice %dma_start3A_254[%dma_start3A_255, %dma_start3A_256] : memref<10240x64xf32, #tpu.memory_space<hbm>> -> memref<10240x64xf32, #tpu.memory_space<hbm>>
        tpu.enqueue_indirect_dma source(%dma_start3A_257 : memref<10240x64xf32, #tpu.memory_space<hbm>>) target(%arg13 : memref<80x64xf32, #tpu.memory_space<vmem>>) offsets(%dma_start3A_250 : memref<80xi32, #tpu.memory_space<vmem>>) semaphore(%arg18 : memref<!tpu.dma_semaphore, #tpu.memory_space<semaphore_mem>>)
      } else {
      }
    }
    %scan3A_67 = arith.constant 50 : i32
    %dma_wait3A = arith.constant 0 : i32
    %dma_wait3A_68 = arith.constant 0 : i32
    %dma_wait3A_69 = tpu.memref_slice %arg7[%dma_wait3A, %dma_wait3A_68] : memref<250x80xi32, #tpu.memory_space<vmem>> -> memref<1x80xi32, #tpu.memory_space<vmem>>
    %dma_wait3A_70 = tpu.memref_squeeze %dma_wait3A_69 : memref<1x80xi32, #tpu.memory_space<vmem>> -> memref<80xi32, #tpu.memory_space<vmem>>
    %dma_wait3A_71 = arith.constant 0 : i32
    %dma_wait3A_72 = arith.constant 0 : i32
    %dma_wait3A_73 = tpu.memref_slice %arg9[%dma_wait3A_71, %dma_wait3A_72] : memref<10240x64xf32, #tpu.memory_space<vmem_shared>> -> memref<10240x64xf32, #tpu.memory_space<vmem_shared>>
    tpu.wait_indirect_dma semaphore(%arg20 : memref<!tpu.dma_semaphore, #tpu.memory_space<semaphore_mem>>) src(%arg10 : memref<80x64xf32, #tpu.memory_space<vmem>>) dst(%dma_wait3A_73 : memref<10240x64xf32, #tpu.memory_space<vmem_shared>>)
    %dma_wait3A_74 = arith.constant 0 : i32
    %dma_wait3A_75 = arith.constant 0 : i32
    %dma_wait3A_76 = tpu.memref_slice %arg7[%dma_wait3A_74, %dma_wait3A_75] : memref<250x80xi32, #tpu.memory_space<vmem>> -> memref<1x80xi32, #tpu.memory_space<vmem>>
    %dma_wait3A_77 = tpu.memref_squeeze %dma_wait3A_76 : memref<1x80xi32, #tpu.memory_space<vmem>> -> memref<80xi32, #tpu.memory_space<vmem>>
    %dma_wait3A_78 = arith.constant 0 : i32
    %dma_wait3A_79 = arith.constant 0 : i32
    %dma_wait3A_80 = tpu.memref_slice %arg9[%dma_wait3A_78, %dma_wait3A_79] : memref<10240x64xf32, #tpu.memory_space<vmem_shared>> -> memref<10240x64xf32, #tpu.memory_space<vmem_shared>>
    tpu.wait_indirect_dma semaphore(%arg21 : memref<!tpu.dma_semaphore, #tpu.memory_space<semaphore_mem>>) src(%arg11 : memref<80x64xf32, #tpu.memory_space<vmem>>) dst(%dma_wait3A_80 : memref<10240x64xf32, #tpu.memory_space<vmem_shared>>)
    %dma_wait3A_81 = arith.constant 0 : i32
    %dma_wait3A_82 = arith.constant 0 : i32
    %dma_wait3A_83 = tpu.memref_slice %arg7[%dma_wait3A_81, %dma_wait3A_82] : memref<250x80xi32, #tpu.memory_space<vmem>> -> memref<1x80xi32, #tpu.memory_space<vmem>>
    %dma_wait3A_84 = tpu.memref_squeeze %dma_wait3A_83 : memref<1x80xi32, #tpu.memory_space<vmem>> -> memref<80xi32, #tpu.memory_space<vmem>>
    %dma_wait3A_85 = arith.constant 0 : i32
    %dma_wait3A_86 = arith.constant 0 : i32
    %dma_wait3A_87 = tpu.memref_slice %arg9[%dma_wait3A_85, %dma_wait3A_86] : memref<10240x64xf32, #tpu.memory_space<vmem_shared>> -> memref<10240x64xf32, #tpu.memory_space<vmem_shared>>
    tpu.wait_indirect_dma semaphore(%arg22 : memref<!tpu.dma_semaphore, #tpu.memory_space<semaphore_mem>>) src(%arg12 : memref<80x64xf32, #tpu.memory_space<vmem>>) dst(%dma_wait3A_87 : memref<10240x64xf32, #tpu.memory_space<vmem_shared>>)
    %dma_wait3A_88 = arith.constant 0 : i32
    %dma_wait3A_89 = arith.constant 0 : i32
    %dma_wait3A_90 = tpu.memref_slice %arg7[%dma_wait3A_88, %dma_wait3A_89] : memref<250x80xi32, #tpu.memory_space<vmem>> -> memref<1x80xi32, #tpu.memory_space<vmem>>
    %dma_wait3A_91 = tpu.memref_squeeze %dma_wait3A_90 : memref<1x80xi32, #tpu.memory_space<vmem>> -> memref<80xi32, #tpu.memory_space<vmem>>
    %dma_wait3A_92 = arith.constant 0 : i32
    %dma_wait3A_93 = arith.constant 0 : i32
    %dma_wait3A_94 = tpu.memref_slice %arg9[%dma_wait3A_92, %dma_wait3A_93] : memref<10240x64xf32, #tpu.memory_space<vmem_shared>> -> memref<10240x64xf32, #tpu.memory_space<vmem_shared>>
    tpu.wait_indirect_dma semaphore(%arg23 : memref<!tpu.dma_semaphore, #tpu.memory_space<semaphore_mem>>) src(%arg13 : memref<80x64xf32, #tpu.memory_space<vmem>>) dst(%dma_wait3A_94 : memref<10240x64xf32, #tpu.memory_space<vmem_shared>>)
    %dma_wait3A_95 = arith.constant 0 : i32
    %dma_wait3A_96 = arith.constant 0 : i32
    %dma_wait3A_97 = tpu.memref_slice %arg7[%dma_wait3A_95, %dma_wait3A_96] : memref<250x80xi32, #tpu.memory_space<vmem>> -> memref<1x80xi32, #tpu.memory_space<vmem>>
    %dma_wait3A_98 = tpu.memref_squeeze %dma_wait3A_97 : memref<1x80xi32, #tpu.memory_space<vmem>> -> memref<80xi32, #tpu.memory_space<vmem>>
    %dma_wait3A_99 = arith.constant 0 : i32
    %dma_wait3A_100 = arith.constant 0 : i32
    %dma_wait3A_101 = tpu.memref_slice %arg9[%dma_wait3A_99, %dma_wait3A_100] : memref<10240x64xf32, #tpu.memory_space<vmem_shared>> -> memref<10240x64xf32, #tpu.memory_space<vmem_shared>>
    tpu.wait_indirect_dma semaphore(%arg24 : memref<!tpu.dma_semaphore, #tpu.memory_space<semaphore_mem>>) src(%arg14 : memref<80x64xf32, #tpu.memory_space<vmem>>) dst(%dma_wait3A_101 : memref<10240x64xf32, #tpu.memory_space<vmem_shared>>)
    %barrier3A_102 = arith.constant 0 : index
    tpu.barrier barrier_id(%barrier3A_102)
    %scan3A_103 = arith.constant 0 : i32
    %scan3A_104 = arith.constant 5 : i32
    %scan3A_105 = arith.addi %scan3A_103, %scan3A_104 : i32
    %scan3A_106 = arith.constant 1 : i32
    scf.for %scan3A_108 = %scan3A_103 to %scan3A_105 step %scan3A_106  : i32 {
      %mul3A = arith.constant 1 : i32
      %mul3A_109 = arith.muli %scan3A_108, %mul3A : i32
      %add3A = arith.constant 0 : i32
      %add3A_110 = arith.addi %add3A, %mul3A_109 : i32
      %mul3A_111 = arith.constant 640 : i32
      %mul3A_112 = arith.muli %arg1, %mul3A_111 : i32
      %mul3A_113 = arith.constant 128 : i32
      %mul3A_114 = arith.muli %add3A_110, %mul3A_113 : i32
      %add3A_115 = arith.addi %mul3A_112, %mul3A_114 : i32
      "tpu.region"() ({
        %run_scoped3A = tpu.sem_alloc : memref<!tpu.dma_semaphore, #tpu.memory_space<semaphore_mem>>
        %dma_start3A_116 = arith.constant 0 : i32
        %dma_start3A_117 = tpu.memref_slice %arg5[%arg0, %add3A_115, %dma_start3A_116] : memref<2x10240x64xf32, #tpu.memory_space<hbm>> -> memref<1x128x64xf32, #tpu.memory_space<hbm>>
        %dma_start3A_118 = tpu.memref_squeeze %dma_start3A_117 : memref<1x128x64xf32, #tpu.memory_space<hbm>> -> memref<128x64xf32, #tpu.memory_space<hbm>>
        %dma_start3A_119 = arith.constant 0 : i32
        %dma_start3A_120 = tpu.memref_slice %arg9[%add3A_115, %dma_start3A_119] : memref<10240x64xf32, #tpu.memory_space<vmem_shared>> -> memref<128x64xf32, #tpu.memory_space<vmem_shared>>
        tpu.enqueue_dma source(%dma_start3A_120 : memref<128x64xf32, #tpu.memory_space<vmem_shared>>) target(%dma_start3A_118 : memref<128x64xf32, #tpu.memory_space<hbm>>) target_semaphore(%run_scoped3A : memref<!tpu.dma_semaphore, #tpu.memory_space<semaphore_mem>>)
        %dma_wait3A_121 = arith.constant 0 : i32
        %dma_wait3A_122 = tpu.memref_slice %arg5[%arg0, %add3A_115, %dma_wait3A_121] : memref<2x10240x64xf32, #tpu.memory_space<hbm>> -> memref<1x128x64xf32, #tpu.memory_space<hbm>>
        %dma_wait3A_123 = tpu.memref_squeeze %dma_wait3A_122 : memref<1x128x64xf32, #tpu.memory_space<hbm>> -> memref<128x64xf32, #tpu.memory_space<hbm>>
        %dma_wait3A_124 = arith.constant 0 : i32
        %dma_wait3A_125 = tpu.memref_slice %arg9[%add3A_115, %dma_wait3A_124] : memref<10240x64xf32, #tpu.memory_space<vmem_shared>> -> memref<128x64xf32, #tpu.memory_space<vmem_shared>>
        tpu.wait_dma2 semaphore(%run_scoped3A : memref<!tpu.dma_semaphore, #tpu.memory_space<semaphore_mem>>) src(%dma_wait3A_125 : memref<128x64xf32, #tpu.memory_space<vmem_shared>>) dst(%dma_wait3A_123 : memref<128x64xf32, #tpu.memory_space<hbm>>)
        tpu.yield
      }) : () -> ()
    }
    %scan3A_107 = arith.constant 5 : i32
    return
  }
}

module attributes {stable_mosaic.version = 14 : i64} {
  func.func @_mm_scale_body(%arg0: i32, %arg1: memref<1024x128xf32, #tpu.memory_space<vmem>>, %arg2: memref<128x128xf32, #tpu.memory_space<vmem>>, %arg3: memref<8x128xf32, #tpu.memory_space<vmem>>, %arg4: memref<8x128xf32, #tpu.memory_space<vmem>>, %arg5: memref<2x1024x64xf32, #tpu.memory_space<vmem>>) attributes {dimension_semantics = [#tpu.dimension_semantics<arbitrary>], iteration_bounds = array<i64: 10>, scalar_prefetch = 0 : i64, scratch_operands = 0 : i64, tpu.core_type = #tpu.core_type<tc>, window_params = [{transform_indices = @transform_0, window_bounds = array<i64: 1024, 128>}, {pipeline_mode = #tpu.pipeline_mode<synchronous>, transform_indices = @transform_1, window_bounds = array<i64: 128, 128>}, {transform_indices = @transform_2, window_bounds = array<i64: 8, 128>}, {transform_indices = @transform_3, window_bounds = array<i64: 8, 128>}, {transform_indices = @transform_4, window_bounds = array<i64: 2, 1024, 64>}]} {
    %get3A = arith.constant 0 : index
    %get3A_0 = arith.constant 0 : index
    %get3A_1 = vector.load %arg1[%get3A, %get3A_0] : memref<1024x128xf32, #tpu.memory_space<vmem>>, vector<1024x128xf32>
    %get3A_2 = arith.constant 0 : index
    %get3A_3 = arith.constant 0 : index
    %get3A_4 = vector.load %arg2[%get3A_2, %get3A_3] : memref<128x128xf32, #tpu.memory_space<vmem>>, vector<128x128xf32>
    %dot_general3A = arith.constant dense<0.000000e+00> : vector<1024x128xf32>
    %dot_general3A_5 = tpu.matmul %get3A_1, %get3A_4, %dot_general3A {dimension_numbers = #tpu.dot_dimension_numbers<[1], [1], [0], [0], [0, 0, 1, 0], [], []>, transpose_lhs_hint = false} : vector<1024x128xf32>, vector<128x128xf32>, vector<1024x128xf32> -> vector<1024x128xf32>
    %get3A_6 = arith.constant 0 : index
    %get3A_7 = arith.constant 0 : index
    %get3A_8 = vector.load %arg3[%get3A_6, %get3A_7] : memref<8x128xf32, #tpu.memory_space<vmem>>, vector<8x128xf32>
    %add3A = arith.constant 1.000000e+00 : f32
    %add3A_9 = vector.broadcast %add3A : f32 to vector<8x128xf32>
    %add3A_10 = arith.addf %add3A_9, %get3A_8 : vector<8x128xf32>
    %get3A_11 = arith.constant 0 : index
    %get3A_12 = arith.constant 0 : index
    %get3A_13 = vector.load %arg4[%get3A_11, %get3A_12] : memref<8x128xf32, #tpu.memory_space<vmem>>, vector<8x128xf32>
    %add3A_14 = arith.addf %add3A_10, %get3A_13 : vector<8x128xf32>
    %rsqrt3A = math.rsqrt %add3A_14 : vector<8x128xf32>
    %broadcast_in_dim3A = vector.shape_cast %rsqrt3A : vector<8x128xf32> to vector<8x128x1xf32>
    %broadcast_in_dim3A_15 = vector.shape_cast %broadcast_in_dim3A : vector<8x128x1xf32> to vector<8x128x1xf32>
    %broadcast_in_dim3A_16 = vector.broadcast %broadcast_in_dim3A_15 : vector<8x128x1xf32> to vector<8x128x128xf32>
    %reshape3A = vector.shape_cast %broadcast_in_dim3A_16 : vector<8x128x128xf32> to vector<1024x128xf32>
    %mul3A = arith.mulf %dot_general3A_5, %reshape3A : vector<1024x128xf32>
    %slice3A = vector.extract_strided_slice %mul3A {offsets = [0, 0], sizes = [1024, 64], strides = [1, 1]} : vector<1024x128xf32> to vector<1024x64xf32>
    %slice3A_17 = vector.extract_strided_slice %mul3A {offsets = [0, 64], sizes = [1024, 64], strides = [1, 1]} : vector<1024x128xf32> to vector<1024x64xf32>
    %stack3A = vector.shape_cast %slice3A : vector<1024x64xf32> to vector<1x1024x64xf32>
    %stack3A_18 = vector.shape_cast %slice3A_17 : vector<1024x64xf32> to vector<1x1024x64xf32>
    %stack3A_19 = tpu.concatenate %stack3A, %stack3A_18 in 0 : vector<1x1024x64xf32>, vector<1x1024x64xf32> -> vector<2x1024x64xf32>
    %swap3A = arith.constant 0 : index
    %swap3A_20 = arith.constant 0 : index
    %swap3A_21 = arith.constant 0 : index
    %swap3A_22 = vector.load %arg5[%swap3A, %swap3A_20, %swap3A_21] : memref<2x1024x64xf32, #tpu.memory_space<vmem>>, vector<2x1024x64xf32>
    tpu.vector_store %arg5[%swap3A, %swap3A_20, %swap3A_21], %stack3A_19 {strides = array<i32>} : memref<2x1024x64xf32, #tpu.memory_space<vmem>>, vector<2x1024x64xf32>,
    return
  }
  func.func @transform_0(%arg0: i32) -> (i32, i32) {
    %c0_i32 = arith.constant 0 : i32
    %c0_i32_0 = arith.constant 0 : i32
    return %arg0, %c0_i32 : i32, i32
  }
  func.func @transform_1(%arg0: i32) -> (i32, i32) {
    %c0_i32 = arith.constant 0 : i32
    %c0_i32_0 = arith.constant 0 : i32
    %c0_i32_1 = arith.constant 0 : i32
    return %c0_i32, %c0_i32_0 : i32, i32
  }
  func.func @transform_2(%arg0: i32) -> (i32, i32) {
    %c0_i32 = arith.constant 0 : i32
    %c0_i32_0 = arith.constant 0 : i32
    return %arg0, %c0_i32 : i32, i32
  }
  func.func @transform_3(%arg0: i32) -> (i32, i32) {
    %c0_i32 = arith.constant 0 : i32
    %c0_i32_0 = arith.constant 0 : i32
    return %arg0, %c0_i32 : i32, i32
  }
  func.func @transform_4(%arg0: i32) -> (i32, i32, i32) {
    %c0_i32 = arith.constant 0 : i32
    %c0_i32_0 = arith.constant 0 : i32
    %c0_i32_1 = arith.constant 0 : i32
    return %c0_i32, %arg0, %c0_i32_0 : i32, i32, i32
  }
}

module attributes {stable_mosaic.version = 14 : i64} {
  func.func @_combine_mm_body(%arg0: i32, %arg1: memref<2x1024x64xf32, #tpu.memory_space<vmem>>, %arg2: memref<2x1024x64xf32, #tpu.memory_space<vmem>>, %arg3: memref<8x128xf32, #tpu.memory_space<vmem>>, %arg4: memref<8x128xf32, #tpu.memory_space<vmem>>, %arg5: memref<1x128xf32, #tpu.memory_space<vmem>>, %arg6: memref<128x128xf32, #tpu.memory_space<vmem>>, %arg7: memref<2x1024x64xf32, #tpu.memory_space<vmem>>) attributes {dimension_semantics = [#tpu.dimension_semantics<arbitrary>], iteration_bounds = array<i64: 10>, scalar_prefetch = 0 : i64, scratch_operands = 0 : i64, tpu.core_type = #tpu.core_type<tc>, window_params = [{transform_indices = @transform_0, window_bounds = array<i64: 2, 1024, 64>}, {transform_indices = @transform_1, window_bounds = array<i64: 2, 1024, 64>}, {transform_indices = @transform_2, window_bounds = array<i64: 8, 128>}, {transform_indices = @transform_3, window_bounds = array<i64: 8, 128>}, {pipeline_mode = #tpu.pipeline_mode<synchronous>, transform_indices = @transform_4, window_bounds = array<i64: 1, 128>}, {pipeline_mode = #tpu.pipeline_mode<synchronous>, transform_indices = @transform_5, window_bounds = array<i64: 128, 128>}, {transform_indices = @transform_6, window_bounds = array<i64: 2, 1024, 64>}]} {
    %get3A = arith.constant 0 : index
    %get3A_0 = arith.constant 0 : index
    %get3A_1 = vector.load %arg3[%get3A, %get3A_0] : memref<8x128xf32, #tpu.memory_space<vmem>>, vector<8x128xf32>
    %add3A = arith.constant 1.000000e+00 : f32
    %add3A_2 = vector.broadcast %add3A : f32 to vector<8x128xf32>
    %add3A_3 = arith.addf %add3A_2, %get3A_1 : vector<8x128xf32>
    %get3A_4 = arith.constant 0 : index
    %get3A_5 = arith.constant 0 : index
    %get3A_6 = vector.load %arg4[%get3A_4, %get3A_5] : memref<8x128xf32, #tpu.memory_space<vmem>>, vector<8x128xf32>
    %add3A_7 = arith.addf %add3A_3, %get3A_6 : vector<8x128xf32>
    %rsqrt3A = math.rsqrt %add3A_7 : vector<8x128xf32>
    %broadcast_in_dim3A = vector.shape_cast %rsqrt3A : vector<8x128xf32> to vector<8x128x1xf32>
    %broadcast_in_dim3A_8 = vector.shape_cast %broadcast_in_dim3A : vector<8x128x1xf32> to vector<8x128x1xf32>
    %broadcast_in_dim3A_9 = vector.broadcast %broadcast_in_dim3A_8 : vector<8x128x1xf32> to vector<8x128x128xf32>
    %reshape3A = vector.shape_cast %broadcast_in_dim3A_9 : vector<8x128x128xf32> to vector<1024x128xf32>
    %get3A_10 = arith.constant 0 : index
    %get3A_11 = arith.constant 0 : index
    %get3A_12 = arith.constant 0 : index
    %get3A_13 = vector.load %arg1[%get3A_10, %get3A_11, %get3A_12] : memref<2x1024x64xf32, #tpu.memory_space<vmem>>, vector<2x1024x64xf32>
    %get3A_14 = arith.constant 0 : index
    %get3A_15 = arith.constant 0 : index
    %get3A_16 = arith.constant 0 : index
    %get3A_17 = vector.load %arg2[%get3A_14, %get3A_15, %get3A_16] : memref<2x1024x64xf32, #tpu.memory_space<vmem>>, vector<2x1024x64xf32>
    %add3A_18 = arith.addf %get3A_13, %get3A_17 : vector<2x1024x64xf32>
    %slice3A = vector.extract_strided_slice %add3A_18 {offsets = [0, 0, 0], sizes = [1, 1024, 64], strides = [1, 1, 1]} : vector<2x1024x64xf32> to vector<1x1024x64xf32>
    %squeeze3A = vector.shape_cast %slice3A : vector<1x1024x64xf32> to vector<1024x64xf32>
    %slice3A_19 = vector.extract_strided_slice %add3A_18 {offsets = [1, 0, 0], sizes = [1, 1024, 64], strides = [1, 1, 1]} : vector<2x1024x64xf32> to vector<1x1024x64xf32>
    %squeeze3A_20 = vector.shape_cast %slice3A_19 : vector<1x1024x64xf32> to vector<1024x64xf32>
    %concatenate3A = tpu.concatenate %squeeze3A, %squeeze3A_20 in 1 : vector<1024x64xf32>, vector<1024x64xf32> -> vector<1024x128xf32>
    %mul3A = arith.mulf %concatenate3A, %reshape3A : vector<1024x128xf32>
    %get3A_21 = arith.constant 0 : index
    %get3A_22 = arith.constant 0 : index
    %get3A_23 = vector.load %arg5[%get3A_21, %get3A_22] : memref<1x128xf32, #tpu.memory_space<vmem>>, vector<1x128xf32>
    %add3A_24 = vector.broadcast %get3A_23 : vector<1x128xf32> to vector<1024x128xf32>
    %add3A_25 = arith.addf %mul3A, %add3A_24 : vector<1024x128xf32>
    %max3A = arith.constant 0.000000e+00 : f32
    %max3A_26 = vector.broadcast %max3A : f32 to vector<1024x128xf32>
    %max3A_27 = arith.maximumf %add3A_25, %max3A_26 : vector<1024x128xf32>
    %get3A_28 = arith.constant 0 : index
    %get3A_29 = arith.constant 0 : index
    %get3A_30 = vector.load %arg6[%get3A_28, %get3A_29] : memref<128x128xf32, #tpu.memory_space<vmem>>, vector<128x128xf32>
    %dot_general3A = arith.constant dense<0.000000e+00> : vector<1024x128xf32>
    %dot_general3A_31 = tpu.matmul %max3A_27, %get3A_30, %dot_general3A {dimension_numbers = #tpu.dot_dimension_numbers<[1], [1], [0], [0], [0, 0, 1, 0], [], []>, transpose_lhs_hint = false} : vector<1024x128xf32>, vector<128x128xf32>, vector<1024x128xf32> -> vector<1024x128xf32>
    %mul3A_32 = arith.mulf %dot_general3A_31, %reshape3A : vector<1024x128xf32>
    %slice3A_33 = vector.extract_strided_slice %mul3A_32 {offsets = [0, 0], sizes = [1024, 64], strides = [1, 1]} : vector<1024x128xf32> to vector<1024x64xf32>
    %slice3A_34 = vector.extract_strided_slice %mul3A_32 {offsets = [0, 64], sizes = [1024, 64], strides = [1, 1]} : vector<1024x128xf32> to vector<1024x64xf32>
    %stack3A = vector.shape_cast %slice3A_33 : vector<1024x64xf32> to vector<1x1024x64xf32>
    %stack3A_35 = vector.shape_cast %slice3A_34 : vector<1024x64xf32> to vector<1x1024x64xf32>
    %stack3A_36 = tpu.concatenate %stack3A, %stack3A_35 in 0 : vector<1x1024x64xf32>, vector<1x1024x64xf32> -> vector<2x1024x64xf32>
    %swap3A = arith.constant 0 : index
    %swap3A_37 = arith.constant 0 : index
    %swap3A_38 = arith.constant 0 : index
    %swap3A_39 = vector.load %arg7[%swap3A, %swap3A_37, %swap3A_38] : memref<2x1024x64xf32, #tpu.memory_space<vmem>>, vector<2x1024x64xf32>
    tpu.vector_store %arg7[%swap3A, %swap3A_37, %swap3A_38], %stack3A_36 {strides = array<i32>} : memref<2x1024x64xf32, #tpu.memory_space<vmem>>, vector<2x1024x64xf32>,
    return
  }
  func.func @transform_0(%arg0: i32) -> (i32, i32, i32) {
    %c0_i32 = arith.constant 0 : i32
    %c0_i32_0 = arith.constant 0 : i32
    %c0_i32_1 = arith.constant 0 : i32
    return %c0_i32, %arg0, %c0_i32_0 : i32, i32, i32
  }
  func.func @transform_1(%arg0: i32) -> (i32, i32, i32) {
    %c0_i32 = arith.constant 0 : i32
    %c0_i32_0 = arith.constant 0 : i32
    %c0_i32_1 = arith.constant 0 : i32
    return %c0_i32, %arg0, %c0_i32_0 : i32, i32, i32
  }
  func.func @transform_2(%arg0: i32) -> (i32, i32) {
    %c0_i32 = arith.constant 0 : i32
    %c0_i32_0 = arith.constant 0 : i32
    return %arg0, %c0_i32 : i32, i32
  }
  func.func @transform_3(%arg0: i32) -> (i32, i32) {
    %c0_i32 = arith.constant 0 : i32
    %c0_i32_0 = arith.constant 0 : i32
    return %arg0, %c0_i32 : i32, i32
  }
  func.func @transform_4(%arg0: i32) -> (i32, i32) {
    %c0_i32 = arith.constant 0 : i32
    %c0_i32_0 = arith.constant 0 : i32
    %c0_i32_1 = arith.constant 0 : i32
    return %c0_i32, %c0_i32_0 : i32, i32
  }
  func.func @transform_5(%arg0: i32) -> (i32, i32) {
    %c0_i32 = arith.constant 0 : i32
    %c0_i32_0 = arith.constant 0 : i32
    %c0_i32_1 = arith.constant 0 : i32
    return %c0_i32, %c0_i32_0 : i32, i32
  }
  func.func @transform_6(%arg0: i32) -> (i32, i32, i32) {
    %c0_i32 = arith.constant 0 : i32
    %c0_i32_0 = arith.constant 0 : i32
    %c0_i32_1 = arith.constant 0 : i32
    return %c0_i32, %arg0, %c0_i32_0 : i32, i32, i32
  }
}

module attributes {stable_mosaic.version = 14 : i64} {
  func.func @_final_body(%arg0: i32, %arg1: memref<2x1024x64xf32, #tpu.memory_space<vmem>>, %arg2: memref<2x1024x64xf32, #tpu.memory_space<vmem>>, %arg3: memref<8x128xf32, #tpu.memory_space<vmem>>, %arg4: memref<8x128xf32, #tpu.memory_space<vmem>>, %arg5: memref<1x128xf32, #tpu.memory_space<vmem>>, %arg6: memref<1x1x1024xi32, #tpu.memory_space<vmem>>, %arg7: memref<32x128xf32, #tpu.memory_space<vmem>>, %arg8: memref<1x32xf32, #tpu.memory_space<vmem>>, %arg9: memref<32x128xf32, #tpu.memory_space<vmem>>, %arg10: memref<1x32xf32, #tpu.memory_space<vmem>>, %arg11: memref<1024x128xf32, #tpu.memory_space<vmem>>, %arg12: memref<64x32xf32, #tpu.memory_space<vmem>>, %arg13: memref<64x32xf32, #tpu.memory_space<vmem>>, %arg14: memref<64x128xf32, #tpu.memory_space<vmem>>, %arg15: memref<64x128xf32, #tpu.memory_space<vmem>>) attributes {dimension_semantics = [#tpu.dimension_semantics<arbitrary>], iteration_bounds = array<i64: 10>, scalar_prefetch = 0 : i64, scratch_operands = 2 : i64, tpu.core_type = #tpu.core_type<tc>, window_params = [{transform_indices = @transform_0, window_bounds = array<i64: 2, 1024, 64>}, {transform_indices = @transform_1, window_bounds = array<i64: 2, 1024, 64>}, {transform_indices = @transform_2, window_bounds = array<i64: 8, 128>}, {transform_indices = @transform_3, window_bounds = array<i64: 8, 128>}, {pipeline_mode = #tpu.pipeline_mode<synchronous>, transform_indices = @transform_4, window_bounds = array<i64: 1, 128>}, {transform_indices = @transform_5, window_bounds = array<i64: 1, 1, 1024>}, {pipeline_mode = #tpu.pipeline_mode<synchronous>, transform_indices = @transform_6, window_bounds = array<i64: 32, 128>}, {pipeline_mode = #tpu.pipeline_mode<synchronous>, transform_indices = @transform_7, window_bounds = array<i64: 1, 32>}, {pipeline_mode = #tpu.pipeline_mode<synchronous>, transform_indices = @transform_8, window_bounds = array<i64: 32, 128>}, {pipeline_mode = #tpu.pipeline_mode<synchronous>, transform_indices = @transform_9, window_bounds = array<i64: 1, 32>}, {transform_indices = @transform_10, window_bounds = array<i64: 1024, 128>}, {pipeline_mode = #tpu.pipeline_mode<synchronous>, transform_indices = @transform_11, window_bounds = array<i64: 64, 32>}, {pipeline_mode = #tpu.pipeline_mode<synchronous>, transform_indices = @transform_12, window_bounds = array<i64: 64, 32>}]} {
    %get3A = arith.constant 0 : index
    %get3A_0 = arith.constant 0 : index
    %get3A_1 = arith.constant 0 : index
    %get3A_2 = vector.load %arg1[%get3A, %get3A_0, %get3A_1] : memref<2x1024x64xf32, #tpu.memory_space<vmem>>, vector<2x1024x64xf32>
    %get3A_3 = arith.constant 0 : index
    %get3A_4 = arith.constant 0 : index
    %get3A_5 = arith.constant 0 : index
    %get3A_6 = vector.load %arg2[%get3A_3, %get3A_4, %get3A_5] : memref<2x1024x64xf32, #tpu.memory_space<vmem>>, vector<2x1024x64xf32>
    %add3A = arith.addf %get3A_2, %get3A_6 : vector<2x1024x64xf32>
    %slice3A = vector.extract_strided_slice %add3A {offsets = [0, 0, 0], sizes = [1, 1024, 64], strides = [1, 1, 1]} : vector<2x1024x64xf32> to vector<1x1024x64xf32>
    %squeeze3A = vector.shape_cast %slice3A : vector<1x1024x64xf32> to vector<1024x64xf32>
    %slice3A_7 = vector.extract_strided_slice %add3A {offsets = [1, 0, 0], sizes = [1, 1024, 64], strides = [1, 1, 1]} : vector<2x1024x64xf32> to vector<1x1024x64xf32>
    %squeeze3A_8 = vector.shape_cast %slice3A_7 : vector<1x1024x64xf32> to vector<1024x64xf32>
    %concatenate3A = tpu.concatenate %squeeze3A, %squeeze3A_8 in 1 : vector<1024x64xf32>, vector<1024x64xf32> -> vector<1024x128xf32>
    %get3A_9 = arith.constant 0 : index
    %get3A_10 = arith.constant 0 : index
    %get3A_11 = vector.load %arg3[%get3A_9, %get3A_10] : memref<8x128xf32, #tpu.memory_space<vmem>>, vector<8x128xf32>
    %add3A_12 = arith.constant 1.000000e+00 : f32
    %add3A_13 = vector.broadcast %add3A_12 : f32 to vector<8x128xf32>
    %add3A_14 = arith.addf %add3A_13, %get3A_11 : vector<8x128xf32>
    %get3A_15 = arith.constant 0 : index
    %get3A_16 = arith.constant 0 : index
    %get3A_17 = vector.load %arg4[%get3A_15, %get3A_16] : memref<8x128xf32, #tpu.memory_space<vmem>>, vector<8x128xf32>
    %add3A_18 = arith.addf %add3A_14, %get3A_17 : vector<8x128xf32>
    %rsqrt3A = math.rsqrt %add3A_18 : vector<8x128xf32>
    %broadcast_in_dim3A = vector.shape_cast %rsqrt3A : vector<8x128xf32> to vector<8x128x1xf32>
    %broadcast_in_dim3A_19 = vector.shape_cast %broadcast_in_dim3A : vector<8x128x1xf32> to vector<8x128x1xf32>
    %broadcast_in_dim3A_20 = vector.broadcast %broadcast_in_dim3A_19 : vector<8x128x1xf32> to vector<8x128x128xf32>
    %reshape3A = vector.shape_cast %broadcast_in_dim3A_20 : vector<8x128x128xf32> to vector<1024x128xf32>
    %mul3A = arith.mulf %concatenate3A, %reshape3A : vector<1024x128xf32>
    %get3A_21 = arith.constant 0 : index
    %get3A_22 = arith.constant 0 : index
    %get3A_23 = vector.load %arg5[%get3A_21, %get3A_22] : memref<1x128xf32, #tpu.memory_space<vmem>>, vector<1x128xf32>
    %add3A_24 = vector.broadcast %get3A_23 : vector<1x128xf32> to vector<1024x128xf32>
    %add3A_25 = arith.addf %mul3A, %add3A_24 : vector<1024x128xf32>
    %swap3A = arith.constant 0 : index
    %swap3A_26 = arith.constant 0 : index
    %swap3A_27 = vector.load %arg11[%swap3A, %swap3A_26] : memref<1024x128xf32, #tpu.memory_space<vmem>>, vector<1024x128xf32>
    tpu.vector_store %arg11[%swap3A, %swap3A_26], %add3A_25 {strides = array<i32>} : memref<1024x128xf32, #tpu.memory_space<vmem>>, vector<1024x128xf32>,
    %max3A = arith.constant 0.000000e+00 : f32
    %max3A_28 = vector.broadcast %max3A : f32 to vector<1024x128xf32>
    %max3A_29 = arith.maximumf %add3A_25, %max3A_28 : vector<1024x128xf32>
    %get3A_30 = arith.constant 0 : index
    %get3A_31 = arith.constant 0 : index
    %get3A_32 = arith.constant 0 : index
    %get3A_33 = vector.load %arg6[%get3A_30, %get3A_31, %get3A_32] : memref<1x1x1024xi32, #tpu.memory_space<vmem>>, vector<1x1x1024xi32>
    %get3A_34 = vector.shape_cast %get3A_33 : vector<1x1x1024xi32> to vector<1x1024xi32>
    %iota3A = tpu.iota {dimensions = array<i32: 0>} : vector<64x1024xi32>
    %eq3A = vector.broadcast %get3A_34 : vector<1x1024xi32> to vector<64x1024xi32>
    %eq3A_35 = arith.cmpi eq, %eq3A, %iota3A : vector<64x1024xi32>
    %convert_element_type3A = arith.extui %eq3A_35 : vector<64x1024xi1> to vector<64x1024xi32>
    %convert_element_type3A_36 = arith.sitofp %convert_element_type3A : vector<64x1024xi32> to vector<64x1024xf32>
    %dot_general3A = arith.constant dense<0.000000e+00> : vector<64x128xf32>
    %dot_general3A_37 = tpu.matmul %convert_element_type3A_36, %max3A_29, %dot_general3A {dimension_numbers = #tpu.dot_dimension_numbers<[1], [0], [0], [1], [0, 0, 1, 1], [], []>, transpose_lhs_hint = false} : vector<64x1024xf32>, vector<1024x128xf32>, vector<64x128xf32> -> vector<64x128xf32>
    %broadcast_in_dim3A_38 = arith.constant 1.000000e+00 : f32
    %broadcast_in_dim3A_39 = vector.broadcast %broadcast_in_dim3A_38 : f32 to vector<1024x128xf32>
    %dot_general3A_40 = arith.constant dense<0.000000e+00> : vector<64x128xf32>
    %dot_general3A_41 = tpu.matmul %convert_element_type3A_36, %broadcast_in_dim3A_39, %dot_general3A_40 {dimension_numbers = #tpu.dot_dimension_numbers<[1], [0], [0], [1], [0, 0, 1, 1], [], []>, transpose_lhs_hint = false} : vector<64x1024xf32>, vector<1024x128xf32>, vector<64x128xf32> -> vector<64x128xf32>
    %eq3A_42 = arith.constant 0 : i32
    %eq3A_43 = arith.cmpi eq, %arg0, %eq3A_42 : i32
    %convert_element_type3A_44 = arith.extui %eq3A_43 : i1 to i32
    %cond3A = arith.constant 0 : i32
    %cond3A_45 = arith.cmpi ne, %convert_element_type3A_44, %cond3A : i32
    scf.if %cond3A_45 {
      %swap3A_55 = arith.constant 0 : index
      %swap3A_56 = arith.constant 0 : index
      %swap3A_57 = vector.load %arg14[%swap3A_55, %swap3A_56] : memref<64x128xf32, #tpu.memory_space<vmem>>, vector<64x128xf32>
      tpu.vector_store %arg14[%swap3A_55, %swap3A_56], %dot_general3A_37 {strides = array<i32>} : memref<64x128xf32, #tpu.memory_space<vmem>>, vector<64x128xf32>,
      %swap3A_58 = arith.constant 0 : index
      %swap3A_59 = arith.constant 0 : index
      %swap3A_60 = vector.load %arg15[%swap3A_58, %swap3A_59] : memref<64x128xf32, #tpu.memory_space<vmem>>, vector<64x128xf32>
      tpu.vector_store %arg15[%swap3A_58, %swap3A_59], %dot_general3A_41 {strides = array<i32>} : memref<64x128xf32, #tpu.memory_space<vmem>>, vector<64x128xf32>,
    } else {
    }
    %gt3A = arith.constant 0 : i32
    %gt3A_46 = arith.cmpi sgt, %arg0, %gt3A : i32
    %convert_element_type3A_47 = arith.extui %gt3A_46 : i1 to i32
    %cond3A_48 = arith.constant 0 : i32
    %cond3A_49 = arith.cmpi ne, %convert_element_type3A_47, %cond3A_48 : i32
    scf.if %cond3A_49 {
      %get3A_55 = arith.constant 0 : index
      %get3A_56 = arith.constant 0 : index
      %get3A_57 = vector.load %arg14[%get3A_55, %get3A_56] : memref<64x128xf32, #tpu.memory_space<vmem>>, vector<64x128xf32>
      %add3A_58 = arith.addf %get3A_57, %dot_general3A_37 : vector<64x128xf32>
      %swap3A_59 = arith.constant 0 : index
      %swap3A_60 = arith.constant 0 : index
      %swap3A_61 = vector.load %arg14[%swap3A_59, %swap3A_60] : memref<64x128xf32, #tpu.memory_space<vmem>>, vector<64x128xf32>
      tpu.vector_store %arg14[%swap3A_59, %swap3A_60], %add3A_58 {strides = array<i32>} : memref<64x128xf32, #tpu.memory_space<vmem>>, vector<64x128xf32>,
      %get3A_62 = arith.constant 0 : index
      %get3A_63 = arith.constant 0 : index
      %get3A_64 = vector.load %arg15[%get3A_62, %get3A_63] : memref<64x128xf32, #tpu.memory_space<vmem>>, vector<64x128xf32>
      %add3A_65 = arith.addf %get3A_64, %dot_general3A_41 : vector<64x128xf32>
      %swap3A_66 = arith.constant 0 : index
      %swap3A_67 = arith.constant 0 : index
      %swap3A_68 = vector.load %arg15[%swap3A_66, %swap3A_67] : memref<64x128xf32, #tpu.memory_space<vmem>>, vector<64x128xf32>
      tpu.vector_store %arg15[%swap3A_66, %swap3A_67], %add3A_65 {strides = array<i32>} : memref<64x128xf32, #tpu.memory_space<vmem>>, vector<64x128xf32>,
    } else {
    }
    %eq3A_50 = arith.constant 9 : i32
    %eq3A_51 = arith.cmpi eq, %arg0, %eq3A_50 : i32
    %convert_element_type3A_52 = arith.extui %eq3A_51 : i1 to i32
    %cond3A_53 = arith.constant 0 : i32
    %cond3A_54 = arith.cmpi ne, %convert_element_type3A_52, %cond3A_53 : i32
    scf.if %cond3A_54 {
      %get3A_55 = arith.constant 0 : index
      %get3A_56 = arith.constant 0 : index
      %get3A_57 = vector.load %arg14[%get3A_55, %get3A_56] : memref<64x128xf32, #tpu.memory_space<vmem>>, vector<64x128xf32>
      %get3A_58 = arith.constant 0 : index
      %get3A_59 = arith.constant 0 : index
      %get3A_60 = vector.load %arg15[%get3A_58, %get3A_59] : memref<64x128xf32, #tpu.memory_space<vmem>>, vector<64x128xf32>
      %max3A_61 = arith.constant 1.000000e+00 : f32
      %max3A_62 = vector.broadcast %max3A_61 : f32 to vector<64x128xf32>
      %max3A_63 = arith.maximumf %get3A_60, %max3A_62 : vector<64x128xf32>
      %div3A = arith.divf %get3A_57, %max3A_63 : vector<64x128xf32>
      %get3A_64 = arith.constant 0 : index
      %get3A_65 = arith.constant 0 : index
      %get3A_66 = vector.load %arg7[%get3A_64, %get3A_65] : memref<32x128xf32, #tpu.memory_space<vmem>>, vector<32x128xf32>
      %dot_general3A_67 = arith.constant dense<0.000000e+00> : vector<64x32xf32>
      %dot_general3A_68 = tpu.matmul %div3A, %get3A_66, %dot_general3A_67 {dimension_numbers = #tpu.dot_dimension_numbers<[1], [1], [0], [0], [0, 0, 1, 0], [], []>, transpose_lhs_hint = false} : vector<64x128xf32>, vector<32x128xf32>, vector<64x32xf32> -> vector<64x32xf32>
      %get3A_69 = arith.constant 0 : index
      %get3A_70 = arith.constant 0 : index
      %get3A_71 = vector.load %arg8[%get3A_69, %get3A_70] : memref<1x32xf32, #tpu.memory_space<vmem>>, vector<1x32xf32>
      %add3A_72 = vector.broadcast %get3A_71 : vector<1x32xf32> to vector<64x32xf32>
      %add3A_73 = arith.addf %dot_general3A_68, %add3A_72 : vector<64x32xf32>
      %swap3A_74 = arith.constant 0 : index
      %swap3A_75 = arith.constant 0 : index
      %swap3A_76 = vector.load %arg12[%swap3A_74, %swap3A_75] : memref<64x32xf32, #tpu.memory_space<vmem>>, vector<64x32xf32>
      tpu.vector_store %arg12[%swap3A_74, %swap3A_75], %add3A_73 {strides = array<i32>} : memref<64x32xf32, #tpu.memory_space<vmem>>, vector<64x32xf32>,
      %get3A_77 = arith.constant 0 : index
      %get3A_78 = arith.constant 0 : index
      %get3A_79 = vector.load %arg9[%get3A_77, %get3A_78] : memref<32x128xf32, #tpu.memory_space<vmem>>, vector<32x128xf32>
      %dot_general3A_80 = arith.constant dense<0.000000e+00> : vector<64x32xf32>
      %dot_general3A_81 = tpu.matmul %div3A, %get3A_79, %dot_general3A_80 {dimension_numbers = #tpu.dot_dimension_numbers<[1], [1], [0], [0], [0, 0, 1, 0], [], []>, transpose_lhs_hint = false} : vector<64x128xf32>, vector<32x128xf32>, vector<64x32xf32> -> vector<64x32xf32>
      %get3A_82 = arith.constant 0 : index
      %get3A_83 = arith.constant 0 : index
      %get3A_84 = vector.load %arg10[%get3A_82, %get3A_83] : memref<1x32xf32, #tpu.memory_space<vmem>>, vector<1x32xf32>
      %add3A_85 = vector.broadcast %get3A_84 : vector<1x32xf32> to vector<64x32xf32>
      %add3A_86 = arith.addf %dot_general3A_81, %add3A_85 : vector<64x32xf32>
      %swap3A_87 = arith.constant 0 : index
      %swap3A_88 = arith.constant 0 : index
      %swap3A_89 = vector.load %arg13[%swap3A_87, %swap3A_88] : memref<64x32xf32, #tpu.memory_space<vmem>>, vector<64x32xf32>
      tpu.vector_store %arg13[%swap3A_87, %swap3A_88], %add3A_86 {strides = array<i32>} : memref<64x32xf32, #tpu.memory_space<vmem>>, vector<64x32xf32>,
    } else {
    }
    return
  }
  func.func @transform_0(%arg0: i32) -> (i32, i32, i32) {
    %c0_i32 = arith.constant 0 : i32
    %c0_i32_0 = arith.constant 0 : i32
    %c0_i32_1 = arith.constant 0 : i32
    return %c0_i32, %arg0, %c0_i32_0 : i32, i32, i32
  }
  func.func @transform_1(%arg0: i32) -> (i32, i32, i32) {
    %c0_i32 = arith.constant 0 : i32
    %c0_i32_0 = arith.constant 0 : i32
    %c0_i32_1 = arith.constant 0 : i32
    return %c0_i32, %arg0, %c0_i32_0 : i32, i32, i32
  }
  func.func @transform_2(%arg0: i32) -> (i32, i32) {
    %c0_i32 = arith.constant 0 : i32
    %c0_i32_0 = arith.constant 0 : i32
    return %arg0, %c0_i32 : i32, i32
  }
  func.func @transform_3(%arg0: i32) -> (i32, i32) {
    %c0_i32 = arith.constant 0 : i32
    %c0_i32_0 = arith.constant 0 : i32
    return %arg0, %c0_i32 : i32, i32
  }
  func.func @transform_4(%arg0: i32) -> (i32, i32) {
    %c0_i32 = arith.constant 0 : i32
    %c0_i32_0 = arith.constant 0 : i32
    %c0_i32_1 = arith.constant 0 : i32
    return %c0_i32, %c0_i32_0 : i32, i32
  }
  func.func @transform_5(%arg0: i32) -> (i32, i32, i32) {
    %c0_i32 = arith.constant 0 : i32
    %c0_i32_0 = arith.constant 0 : i32
    %c0_i32_1 = arith.constant 0 : i32
    return %arg0, %c0_i32, %c0_i32_0 : i32, i32, i32
  }
  func.func @transform_6(%arg0: i32) -> (i32, i32) {
    %c0_i32 = arith.constant 0 : i32
    %c0_i32_0 = arith.constant 0 : i32
    %c0_i32_1 = arith.constant 0 : i32
    return %c0_i32, %c0_i32_0 : i32, i32
  }
  func.func @transform_7(%arg0: i32) -> (i32, i32) {
    %c0_i32 = arith.constant 0 : i32
    %c0_i32_0 = arith.constant 0 : i32
    %c0_i32_1 = arith.constant 0 : i32
    return %c0_i32, %c0_i32_0 : i32, i32
  }
  func.func @transform_8(%arg0: i32) -> (i32, i32) {
    %c0_i32 = arith.constant 0 : i32
    %c0_i32_0 = arith.constant 0 : i32
    %c0_i32_1 = arith.constant 0 : i32
    return %c0_i32, %c0_i32_0 : i32, i32
  }
  func.func @transform_9(%arg0: i32) -> (i32, i32) {
    %c0_i32 = arith.constant 0 : i32
    %c0_i32_0 = arith.constant 0 : i32
    %c0_i32_1 = arith.constant 0 : i32
    return %c0_i32, %c0_i32_0 : i32, i32
  }
  func.func @transform_10(%arg0: i32) -> (i32, i32) {
    %c0_i32 = arith.constant 0 : i32
    %c0_i32_0 = arith.constant 0 : i32
    return %arg0, %c0_i32 : i32, i32
  }
  func.func @transform_11(%arg0: i32) -> (i32, i32) {
    %c0_i32 = arith.constant 0 : i32
    %c0_i32_0 = arith.constant 0 : i32
    %c0_i32_1 = arith.constant 0 : i32
    return %c0_i32, %c0_i32_0 : i32, i32
  }
  func.func @transform_12(%arg0: i32) -> (i32, i32) {
    %c0_i32 = arith.constant 0 : i32
    %c0_i32_0 = arith.constant 0 : i32
    %c0_i32_1 = arith.constant 0 : i32
    return %c0_i32, %c0_i32_0 : i32, i32
  }
}

</mosaic_0001>

<sc_bundles>
// kernel: kernel.11.cloned.1.call-start
scs
__scs_entry_jumppad:
0x0: {  	(pc) =	sbr.rel $0x88, $3  }
0x1: {  	(tag) =	ssettag $0x0;
	lr =	simm.s32 $0x1  }
0x2: {  	[smem:$0x3F96] =	sst lr;
	_ =	strace $0xD0000000  }
0x3: {  	_ = 	snop  }
0x4: {  	_ = 	snop  }
0x5: {  	_ = 	snop  }
0x6: {  	_ = 	snop  }
0x7: {  	_ = 	snop  }
__scs_overlays_trampoline_lowered:
0x8: {  	[smem:$0x3FA5] =	sst s0  }
0x9: {  	[smem:$0x3FA6] =	sst s1  }
0xa: {  	[smem:$0x3FA7] =	sst s2  }
0xb: {  	[smem:$0x3FA8] =	sst s3  }
0xc: {  	[smem:$0x3FA9] =	sst s4  }
0xd: {  	[smem:$0x3FAA] =	sst s5  }
0xe: {  	[smem:$0x3FAB] =	sst s6  }
0xf: {  	[smem:$0x3FAC] =	sst s7  }
0x10: {  	[smem:$0x3FAD] =	sst s8  }
0x11: {  	[smem:$0x3FAE] =	sst s9;
	s0 =	simm.s32 @!p0 $0x0  }
0x12: {  	s1 =	sld [smem:$0x3F94];
	s0 =	simm.s32 @p0 $0x1  }
0x13: {  	[smem:$0x3FAF] =	sst s0;
	s0 =	simm.s32 @!p1 $0x0  }
0x14: {  	s2 =	sld [smem:$0x3F93];
	s0 =	simm.s32 @p1 $0x1  }
0x15: {  	[smem:$0x3FB0] =	sst s0;
	s0 =	simm.s32 @!p2 $0x0  }
0x16: {  	s3 =	sld [smem:$0x3FDB];
	s0 =	simm.s32 @p2 $0x1  }
0x17: {  	s4 =	simm.s32 $0x1BF5;
	[smem:$0x3FB2] =	sst s0  }
0x18: {  	s0 =	sld [smem:$0x3F95];
	_ =	swait.ge [sflag:s4], $0x0  }
0x19: {  	s7 =	sld [smem:$0x3F96]  }
0x1a: {  	s8 =	sadd.s32 $0xFFFFE003, lr  }
0x1b: {  	s9 =	sadd.s32 $0xFFFFFEF7, lr;
	s5 =	simm.s32 $0xFFFFFFFF;
	p2 =	slt.u32 s8, $0xFFFFF086  }
0x1c: {  	p1 =	slt.u32 s9, $0xF7A;
	s5 =	simm.s32 @!p2 $0x0  }
0x1d: {  	s5 =	simm.s32 @p1 $0x1;
	p0 =	seq.s32 s7, s2  }
0x1e: {  	s7 =	smul.u32 @!p0 $0xF7A, s2;
	p2 =	seq.s32 @!p0 s5, $0x0  }
0x1f: {  	s9 =	smul.u32 $0xF7A, s1;
	s8 =	simm.s32 @!p0 $0x1BF5;
	p2 =	por !p2, p0  }
0x20: {  	[sflag:s8] =	ssyncset.s32 @!p0 $0xFFFFF086;
	s6 =	sadd.s32 @!p0 s3, s7;
	s7 =	simm.s32 @!p0 $0x108  }
0x21: {  	s3 =	sadd.s32 s3, s9;
	s6 =	sadd.s32 @!p0 $0x88, s6;
	s7 =	simm.s32 @p2 $0x1082  }
0x22: {  	[simem:s7], [sflag:s8] =	dma.local @!p0 [hbm:s6], $0xF7A  }
0x23: {  	s9 =	sor.u32 $0xD0000000, s2;
	s6 =	simm.s32 $0x108;
	_ =	swait.ge @!p0 [sflag:s8], $0x0  }
0x24: {  	s3 =	sadd.s32 $0x88, s3;
	s6 =	simm.s32 @!p1 $0x1082;
	[sflag:s4] =	ssyncset.s32 $0xFFFFF086  }
0x25: {  	[simem:s6], [sflag:s4] =	dma.local [hbm:s3], $0xF7A  }
0x26: {  	[smem:$0x3F96] =	sst s1;
	(tag) =	ssettag s2;
	_ =	strace s9  }
0x27: {  	s1 =	sld [smem:$0x3FA6]  }
0x28: {  	s2 =	sld [smem:$0x3FA7]  }
0x29: {  	s4 =	sld [smem:$0x3FA9]  }
0x2a: {  	p0 =	seq.s32 s5, $0x0;
	s5 =	sld [smem:$0x3FAA]  }
0x2b: {  	s6 =	sld [smem:$0x3FAB]  }
0x2c: {  	s7 =	sld [smem:$0x3FAC]  }
0x2d: {  	s3 =	simm.s32 $0x108;
	s8 =	sld [smem:$0x3FAD]  }
0x2e: {  	s3 =	simm.s32 @!p0 $0x1082;
	s9 =	sld [smem:$0x3FAE]  }
0x2f: {  	lr =	sadd.s32 s0, s3;
	s0 =	sld [smem:$0x3FA5]  }
0x30: {  	s3 =	sld [smem:$0x3FA8]  }
0x31: {  	[smem:$0x3FB1] =	sst s10  }
0x32: {  	s10 =	sld [smem:$0x3FAF];
	_ =	sdelay $0x3  }
0x33: {  	p0 =	seq.s32 s10, $0x1;
	s10 =	sld [smem:$0x3FB1];
	_ =	sdelay $0x3  }
0x34: {  	[smem:$0x3FB1] =	sst s10  }
0x35: {  	s10 =	sld [smem:$0x3FB0];
	_ =	sdelay $0x3  }
0x36: {  	p1 =	seq.s32 s10, $0x1;
	s10 =	sld [smem:$0x3FB1];
	_ =	sdelay $0x3  }
0x37: {  	[smem:$0x3FB1] =	sst s10  }
0x38: {  	s10 =	sld [smem:$0x3FB2]  }
0x39: {  	_ = 	snop;
	(pc) =	sbr.ind lr, $3  }
0x3a: {  	_ = 	snop  }
0x3b: {  	_ = 	snop  }
0x3c: {  	p2 =	seq.s32 s10, $0x1;
	s10 =	sld [smem:$0x3FB1]  }
0x3d: {  	_ =	shalt  }
0x3e: {  	_ =	shalt  }
0x3f: {  	_ =	shalt  }
0x40: {  	_ =	shalt  }
0x41: {  	_ =	shalt  }
0x42: {  	_ =	shalt  }
0x43: {  	_ =	shalt  }
0x44: {  	_ =	shalt  }
0x45: {  	_ =	shalt  }
0x46: {  	_ =	shalt  }
0x47: {  	_ =	shalt  }
0x48: {  	_ =	shalt  }
0x49: {  	_ =	shalt  }
0x4a: {  	_ =	shalt  }
0x4b: {  	_ =	shalt  }
0x4c: {  	_ =	shalt  }
0x4d: {  	_ =	shalt  }
0x4e: {  	_ =	shalt  }
0x4f: {  	_ =	shalt  }
0x50: {  	_ =	shalt  }
0x51: {  	_ =	shalt  }
0x52: {  	_ =	shalt  }
0x53: {  	_ =	shalt  }
0x54: {  	_ =	shalt  }
0x55: {  	_ =	shalt  }
0x56: {  	_ =	shalt  }
0x57: {  	_ =	shalt  }
0x58: {  	_ =	shalt  }
0x59: {  	_ =	shalt  }
0x5a: {  	_ =	shalt  }
0x5b: {  	_ =	shalt  }
0x5c: {  	_ =	shalt  }
0x5d: {  	_ =	shalt  }
0x5e: {  	_ =	shalt  }
0x5f: {  	_ =	shalt  }
0x60: {  	_ =	shalt  }
0x61: {  	_ =	shalt  }
0x62: {  	_ =	shalt  }
0x63: {  	_ =	shalt  }
0x64: {  	_ =	shalt  }
0x65: {  	_ =	shalt  }
0x66: {  	_ =	shalt  }
0x67: {  	_ =	shalt  }
0x68: {  	_ =	shalt  }
0x69: {  	_ =	shalt  }
0x6a: {  	_ =	shalt  }
0x6b: {  	_ =	shalt  }
0x6c: {  	_ =	shalt  }
0x6d: {  	_ =	shalt  }
0x6e: {  	_ =	shalt  }
0x6f: {  	_ =	shalt  }
0x70: {  	_ =	shalt  }
0x71: {  	_ =	shalt  }
0x72: {  	_ =	shalt  }
0x73: {  	_ =	shalt  }
0x74: {  	_ =	shalt  }
0x75: {  	_ =	shalt  }
0x76: {  	_ =	shalt  }
0x77: {  	_ =	shalt  }
0x78: {  	_ =	shalt  }
0x79: {  	_ =	shalt  }
0x7a: {  	_ =	shalt  }
0x7b: {  	_ =	shalt  }
0x7c: {  	_ =	shalt  }
0x7d: {  	_ =	shalt  }
0x7e: {  	_ =	shalt  }
0x7f: {  	_ =	shalt  }
0x80: {  	_ =	shalt  }
0x81: {  	_ =	shalt  }
0x82: {  	_ =	shalt  }
0x83: {  	_ =	shalt  }
0x84: {  	_ =	shalt  }
0x85: {  	_ =	shalt  }
0x86: {  	_ =	shalt  }
0x87: {  	_ =	shalt  }
.Lfunc_end0:
.L_simem_size_0:
called_computation.1_lowered:
.L_overlay_start_0:
0x88: {  	s2 =	sld [smem:$0x3FD9]  }
0x89: {  	s3 =	sld [smem:$0x3FFE];
	_ =	sdelay $0x1  }
0x8a: {  	s1 =	srdreg.scid  }
0x8b: {  	s0 =	sand.u32 $0x1, s1  }
0x8c: {  	s14 =	sshll.u32 s0, $0xA;
	s2 =	sadd.s32 s3, s2  }
0x8d: {  	s2 =	sadd.s32 s2, s14  }
0x8e: {  	[smem:$0x3FBD] =	sst s2  }
0x8f: {  	_ = 	snop  }
0x90: {  	s2 =	sld [smem:$0x3FD0];
	_ =	sdelay $0x2  }
0x91: {  	s15 =	simm.s32 $0xA;
	s4 =	simm.s32 $0x10  }
0x92: {  	[smem:s4], [sflag:s15] =	dma.local [hbm:s2], $0x1  }
0x93: {  	_ =	swait.eq [sflag:s15], $0x1  }
0x94: {  	[sflag:s15] =	ssyncset.done $0x0  }
0x95: {  	[sflag:s15] =	ssyncadd.s32 $0xFFFFFFFF  }
0x96: {  	s16 =	sld [smem:$0x12];
	(tm) =	ssettm $0x1  }
0x97: {  	s17 =	sld [smem:$0x3FFB];
	_ =	sdelay $0x3  }
0x98: {  	_ =	strace s17  }
0x99: {  	s3 =	sld [smem:$0x3FFC];
	_ =	sdelay $0x3  }
0x9a: {  	_ =	strace s3  }
0x9b: {  	s3 =	sld [smem:$0x3FFD];
	_ =	sdelay $0x3  }
0x9c: {  	_ =	strace s3  }
0x9d: {  	_ =	strace $0x8FFFFFFF  }
0x9e: {  	s18 =	sld [smem:$0x3FDB];
	_ =	sdelay $0x1  }
0x9f: {  	s19 =	simm.s32 $_scs_section_size  }
0xa0: {  	s5 =	simm.s32 $_size__tile_overlayer_lowered;
	s6 =	simm.s32 $_tile_overlayer_lowered  }
0xa1: {  	s22 =	simm.s32 $0x1BFF;
	s21 =	sshll.u32 s6, $0x1;
	s3 =	sadd.s32 s19, s18  }
0xa2: {  	s7 =	simm.s32 $0x0;
	s20 =	sshll.u32 s5, $0x1;
	s5 =	sadd.s32 s21, s3  }
0xa3: {  	[timem:s7], [sflag:s22] =	dma.local [hbm:s5], s20  }
0xa4: {  	_ =	swait.ge [sflag:s22], s20  }
0xa5: {  	s4 =	ssub.s32 $0x0, s20;
	[sflag:s22] =	ssyncset.done $0x0  }
0xa6: {  	[sflag:s22] =	ssyncadd.s32 s4;
	_ =	sdelay $0x1  }
0xa7: {  	s23 =	simm.s32 $0x1B8B  }
0xa8: {  	_ =	swait.ge [sflag:s23], $0x1  }
0xa9: {  	[sflag:s23] =	ssyncset.done $0x0  }
0xaa: {  	s25 =	simm.s32 $0x1B8E;
	s24 =	sld [smem:$0x3FFE];
	[sflag:s23] =	ssyncadd.s32 $0xFFFFFFFF  }
0xab: {  	s26 =	simm.s32 $execute0_lowered;
	[smem:$0x3FD2] =	sst s25  }
0xac: {  	s5 =	sshll.u32 s26, $0x1;
	_ =	strace $0x80000049;
	[dreg:$0x1] =	wrdreg $0xFFFFFFFF  }
0xad: {  	s28 =	simm.s32 $_size_execute0_lowered;
	s3 =	sadd.s32 s3, s5;
	[dreg:$0x0] =	wrdreg $0x0  }
0xae: {  	s5 =	sshll.u32 s28, $0x1;
	[dreg:$0x2] =	wrdreg s3  }
0xaf: {  	[dreg:$0x3] =	wrdreg s5  }
0xb0: {  	[dreg:$0x4] =	wrdreg $0xC0  }
0xb1: {  	_ =	task [dreg:s7], $0x5FFFF  }
0xb2: {  	[dreg:$0x1] =	wrdreg $0xFFFFFFFF  }
0xb3: {  	[dreg:$0x0] =	wrdreg $0x60  }
0xb4: {  	[dreg:$0x2] =	wrdreg s24  }
0xb5: {  	[dreg:$0x3] =	wrdreg s16  }
0xb6: {  	[dreg:$0x4] =	wrdreg $0xBC400  }
0xb7: {  	[dreg:$0x5] =	wrdreg $0x9  }
0xb8: {  	_ =	task.clear_ibuf [dreg:s7], $0x6FFFF;
	_ =	strace $0x90000049  }
0xb9: {  	s29 =	simm.s32 $0x9;
	_ =	strace $0x8000004B  }
0xba: {  	_ =	swait.ge [sflag:s29], $0x1  }
0xbb: {  	[sflag:s29] =	ssyncadd.s32 $0xFFFFFFFF  }
0xbc: {  	_ =	strace $0x9000004B  }
0xbd: {  	_ =	sfence  }
0xbe: {  	s30 =	sld [smem:$0x0];
	_ =	sdelay $0x2  }
0xbf: {  	s31 =	sshll.u32 s1, $0xD;
	s1 =	sshrl.u32 s1, $0x2  }
0xc0: {  	s3 =	sand.u32 $0x4000, s31;
	s1 =	sadd.s32 s1, s30  }
0xc1: {  	s0 =	sor.u32 s3, s0;
	s1 =	sshll.u32 s1, $0x11  }
0xc2: {  	s0 =	sor.u32 s1, s0  }
0xc3: {  	s0 =	sadd.s32 $0x8F2B, s0  }
0xc4: {  	[sflag:s0] =	ssyncadd.remote.s32 $0x1  }
0xc5: {  	_ =	sfence.sel $0xFFFF  }
0xc6: {  	[dreg:$0x0] =	wrdreg $0xFFFFFFFF;
	(pc) =	sbr.abs _section_cstart, $3  }
0xc7: {  	[dreg:$0x1] =	wrdreg $0xFFFFFFFF  }
0xc8: {  	_ =	task.clear_ibuf [dreg:s7], $0x2FFFF;
	_ =	strace $0x9FFFFFFF  }
0xc9: {  	(tm) =	ssettm $0x7FFFFFFF  }
tec
execute0_lowered:
.L_overlay_start_1:
0x0: {  	(tag) =	ssettag $0x1  }
0x1: {  	s0 =	rddreg [dreg:$0x0]  }
0x2: {  	s1 =	srdreg.scid;
	s5 =	rddreg [dreg:$0x1]  }
0x3: {  	s2 =	rddreg [dreg:$0x2];
	s10 =	stileid.u32  }
0x4: {  	s3 =	simm.s32 $0x0;
	s28 =	simm.s32 $0x15C40;
	s7 =	smul.u32 $0x9C4, s10  }
0x5: {  	s29 =	simm.s32 $0x17040;
	s31 =	simm.s32 $0x18440;
	s25 =	smul.u32 $0x28000, s10  }
0x6: {  	s30 =	simm.s32 $0x1;
	s1 =	sand.u32 $0x1, s1;
	s10 =	smul.u32 $0xA000, s10  }
0x7: {  	[smem:$0x7FF] =	sst s3;
	s6 =	smul.u32 $0xA0000, s1;
	s1 =	ssub.s32 $0x2, s1  }
0x8: {  	_ =	strace $0x8000004A;
	s9 =	sadd.s32 s7, s0;
	s11 =	sshrl.u32 s1, $0x1  }
0x9: {  	s5 =	sadd.s32 s5, s7;
	s13 =	sadd.s32 $0x2000, s10;
	s16 =	sadd.s32 s10, s2  }
0xa: {  	s17 =	sadd.s32 $0x4000, s10;
	s20 =	sadd.s32 $0x6000, s10;
	s4 =	sshrl.u32 s6, $0x3  }
0xb: {  	s1 =	ssub.s32 s1, s11;
	s26 =	sadd.s32 s6, s10;
	[dreg:$0x5] =	wrdreg s5  }
0xc: {  	s7 =	sadd.s32 $0x2200, s9;
	s15 =	sadd.s32 s6, s13;
	s19 =	sadd.s32 s6, s17  }
0xd: {  	s10 =	sadd.s32 $0x8000, s10;
	s22 =	sadd.s32 s6, s20;
	s24 =	sadd.s32 s20, s2  }
0xe: {  	s8 =	sadd.s32 s4, s0;
	s0 =	sadd.s32 $0x84000, s0;
	s4 =	sshrl.u32 s25, $0x2  }
0xf: {  	[dreg:$0x6] =	wrdreg s7;
	s9 =	sshrl.u32 s26, $0x3;
	s1 =	smax.u32 s1, $0x1  }
0x10: {  	s6 =	sadd.s32 s6, s10;
	s25 =	sadd.s32 s10, s2;
	s26 =	sshrl.u32 s16, $0x3  }
0x11: {  	s24 =	sshrl.u32 s24, $0x3;
	s10 =	simm.s32 $0x4;
	s4 =	sadd.s32 s4, s2  }
0x12: {  	s7 =	sadd.s32 $0x5C000, s8;
	s5 =	sadd.s32 s0, s9;
	[dreg:$0x8] =	wrdreg s1  }
0x13: {  	s1 =	sadd.s32 s13, s2;
	s9 =	sadd.s32 s17, s2;
	[dreg:$0x11] =	wrdreg s26  }
0x14: {  	s6 =	sshrl.u32 s6, $0x3;
	s25 =	sshrl.u32 s25, $0x3;
	[dreg:$0x7] =	wrdreg s5  }
0x15: {  	s26 =	simm.s32 $0x50;
	s11 =	sadd.s32 $0x2000, s4;
	[dreg:$0x4] =	wrdreg s4  }
0x16: {  	s8 =	simm.s32 $0x3;
	s12 =	sadd.s32 $0x4000, s4;
	[dreg:$0x9] =	wrdreg s11  }
0x17: {  	s13 =	simm.s32 $0x9;
	s14 =	sadd.s32 $0x6000, s4;
	[dreg:$0xa] =	wrdreg s12  }
0x18: {  	s4 =	sadd.s32 $0x8000, s4;
	s5 =	sshrl.u32 s15, $0x3;
	[dreg:$0xb] =	wrdreg s14  }
0x19: {  	[dreg:$0xc] =	wrdreg s4;
	s18 =	sadd.s32 s0, s5;
	s5 =	sshrl.u32 s19, $0x3  }
0x1a: {  	s19 =	simm.s32 $0xB;
	s11 =	simm.s32 $0x8;
	s12 =	simm.s32 $0x5  }
0x1b: {  	s14 =	simm.s32 $0xA;
	[dreg:$0xd] =	wrdreg s18;
	s21 =	sadd.s32 s0, s5  }
.Ltmp0:
0x1c: {  	s5 =	sshrl.u32 s22, $0x3;
	s18 =	simm.s32 $0x9C40;
	(pc) =	sbr.rel .LBB2_1-.Ltmp0, $4  }
0x1d: {  	s22 =	sshrl.u32 s1, $0x3;
	[dreg:$0xe] =	wrdreg s21;
	s23 =	sadd.s32 s0, s5  }
0x1e: {  	s1 =	simm.s32 $0x19840;
	s0 =	sadd.s32 s0, s6;
	[dreg:$0xf] =	wrdreg s23  }
0x1f: {  	s5 =	simm.s32 $0x2;
	s6 =	simm.s32 $0x6;
	[dreg:$0x10] =	wrdreg s0  }
0x20: {  	v0 =	vimm.f32 $0.0e+00;
	s23 =	sshrl.u32 s9, $0x3;
	s0 =	simm.s32 $0x1AC40;
	s9 =	simm.s32 $0x7  }
.LBB2_6:
0x21: {  	_ =	swait.ge [sflag:s12], $0x1400  }
0x22: {  	[sflag:s12] =	ssyncset.done $0x0  }
0x23: {  	[sflag:s12] =	ssyncadd.s32 $0xFFFFEC00  }
0x24: {  	[spmem:s2] =	stream.indirect.scatter.add.f32 [tilespmem:s0], [sflag:$0xA], $0x40, s20, s26, $0xb8;
	[tilespmem:$0x1C040] =	vst v63  }
0x25: {  	_ =	swait.ge [sflag:s6], $0x1400  }
0x26: {  	[sflag:s6] =	ssyncset.done $0x0  }
0x27: {  	[sflag:s6] =	ssyncadd.s32 $0xFFFFEC00  }
0x28: {  	_ =	swait.ge [sflag:s9], $0x1400  }
0x29: {  	[sflag:s9] =	ssyncset.done $0x0  }
0x2a: {  	[sflag:s9] =	ssyncadd.s32 $0xFFFFEC00  }
0x2b: {  	_ =	swait.ge [sflag:s11], $0x1400  }
0x2c: {  	[sflag:s11] =	ssyncset.done $0x0  }
0x2d: {  	[sflag:s11] =	ssyncadd.s32 $0xFFFFEC00  }
0x2e: {  	_ =	swait.ge [sflag:s13], $0x1400  }
0x2f: {  	[sflag:s13] =	ssyncset.done $0x0  }
0x30: {  	[sflag:s13] =	ssyncadd.s32 $0xFFFFEC00  }
0x31: {  	_ =	swait.ge [sflag:s14], $0x1400  }
0x32: {  	[sflag:s14] =	ssyncset.done $0x0  }
0x33: {  	[sflag:s14] =	ssyncadd.s32 $0xFFFFEC00  }
0x34: {  	s4 =	stileid.u32;
	[bflag:$0x0] =	sbarrier.arrive $0xFFFF  }
0x35: {  	s4 =	sshll.u32 s4, $0x6;
	s15 =	rddreg [dreg:$0x7]  }
0x36: {  	s4 =	sor.u32 $0x1C0B, s4;
	s16 =	rddreg [dreg:$0x11]  }
0x37: {  	[hbm:s15], [sflag:s4] =	dma.local [spmem:s16], $0x400  }
0x38: {  	_ =	swait.ge [sflag:s19], $0x400  }
0x39: {  	[sflag:s19] =	ssyncset.done $0x0  }
0x3a: {  	s21 =	rddreg [dreg:$0xd];
	[sflag:s19] =	ssyncadd.s32 $0xFFFFFC00  }
0x3b: {  	[hbm:s21], [sflag:s4] =	dma.local [spmem:s22], $0x400  }
0x3c: {  	_ =	swait.ge [sflag:s19], $0x400  }
0x3d: {  	[sflag:s19] =	ssyncset.done $0x0  }
0x3e: {  	s16 =	rddreg [dreg:$0xe];
	[sflag:s19] =	ssyncadd.s32 $0xFFFFFC00  }
0x3f: {  	[hbm:s16], [sflag:s4] =	dma.local [spmem:s23], $0x400  }
0x40: {  	_ =	swait.ge [sflag:s19], $0x400  }
0x41: {  	[sflag:s19] =	ssyncset.done $0x0  }
0x42: {  	s17 =	rddreg [dreg:$0xf];
	[sflag:s19] =	ssyncadd.s32 $0xFFFFFC00  }
0x43: {  	[hbm:s17], [sflag:s4] =	dma.local [spmem:s24], $0x400  }
0x44: {  	_ =	swait.ge [sflag:s19], $0x400  }
0x45: {  	[sflag:s19] =	ssyncset.done $0x0  }
0x46: {  	s20 =	rddreg [dreg:$0x10];
	[sflag:s19] =	ssyncadd.s32 $0xFFFFFC00  }
0x47: {  	[hbm:s20], [sflag:s4] =	dma.local [spmem:s25], $0x400  }
0x48: {  	_ =	swait.ge [sflag:s19], $0x400  }
0x49: {  	s3 =	sadd.s32 $0x1, s3;
	s21 =	rddreg [dreg:$0x8]  }
0x4a: {  	p0 =	sne.s32 s3, s21  }
.Ltmp1:
0x4b: {  	_ = 	snop;
	(pc) =	sbr.rel @!p0 .LBB2_7-.Ltmp1, $3  }
0x4c: {  	_ =	sdelay $0x1  }
0x4d: {  	[sflag:s19] =	ssyncset.done $0x0  }
0x4e: {  	[sflag:s19] =	ssyncadd.s32 $0xFFFFFC00  }
.LBB2_1:
0x4f: {  	s16 =	simm.s32 $0x100;
	s15 =	simm.s32 $0x0  }
.LBB2_2:
0x50: {  	p0 =	sne.s32 s16, $0x7F00;
	[tilespmem:s15+$0x9C70] =	vst v0;
	s20 =	smov.u32 s16;
	s16 =	sadd.s32 $0x100, s16  }
.Ltmp2:
0x51: {  	[tilespmem:s15+$0x9C60] =	vst v0;
	(pc) =	sbr.rel @p0 .LBB2_2-.Ltmp2, $3  }
0x52: {  	[tilespmem:s15+$0x9C40] =	vst v0  }
0x53: {  	[tilespmem:s15+$0x9C50] =	vst v0;
	_ =	sdelay $0x1  }
0x54: {  	s15 =	sshra.s32 s20, $0x2  }
0x55: {  	[tilespmem:s15+$0x9C70] =	vst v0  }
0x56: {  	[tilespmem:s15+$0x9C60] =	vst v0  }
0x57: {  	[tilespmem:s15+$0x9C40] =	vst v0  }
0x58: {  	[tilespmem:s15+$0x9C50] =	vst v0;
	s4 =	rddreg [dreg:$0x4]  }
0x59: {  	[spmem:s4] =	stream.linear.scatter [tilespmem:s18], [sflag:$0xB], $0x2000, $0x38;
	[tilespmem:$0x1C040] =	vst v63  }
0x5a: {  	_ =	swait.ge [sflag:s19], $0x2000  }
0x5b: {  	[sflag:s19] =	ssyncset.done $0x0  }
0x5c: {  	s21 =	rddreg [dreg:$0x9];
	[sflag:s19] =	ssyncadd.s32 $0xFFFFE000  }
0x5d: {  	[spmem:s21] =	stream.linear.scatter [tilespmem:s18], [sflag:$0xB], $0x2000, $0x38;
	[tilespmem:$0x1C040] =	vst v63  }
0x5e: {  	_ =	swait.ge [sflag:s19], $0x2000  }
0x5f: {  	[sflag:s19] =	ssyncset.done $0x0  }
0x60: {  	s15 =	rddreg [dreg:$0xa];
	[sflag:s19] =	ssyncadd.s32 $0xFFFFE000  }
0x61: {  	[spmem:s15] =	stream.linear.scatter [tilespmem:s18], [sflag:$0xB], $0x2000, $0x38;
	[tilespmem:$0x1C040] =	vst v63  }
0x62: {  	_ =	swait.ge [sflag:s19], $0x2000  }
0x63: {  	[sflag:s19] =	ssyncset.done $0x0  }
0x64: {  	s16 =	rddreg [dreg:$0xb];
	[sflag:s19] =	ssyncadd.s32 $0xFFFFE000  }
0x65: {  	[spmem:s16] =	stream.linear.scatter [tilespmem:s18], [sflag:$0xB], $0x2000, $0x38;
	[tilespmem:$0x1C040] =	vst v63  }
0x66: {  	_ =	swait.ge [sflag:s19], $0x2000  }
0x67: {  	[sflag:s19] =	ssyncset.done $0x0  }
0x68: {  	s17 =	rddreg [dreg:$0xc];
	[sflag:s19] =	ssyncadd.s32 $0xFFFFE000  }
0x69: {  	[spmem:s17] =	stream.linear.scatter [tilespmem:s18], [sflag:$0xB], $0x2000, $0x38;
	[tilespmem:$0x1C040] =	vst v63  }
0x6a: {  	_ =	swait.ge [sflag:s19], $0x2000  }
0x6b: {  	[sflag:s19] =	ssyncset.done $0x0  }
0x6c: {  	s15 =	simm.s32 $0x0;
	s20 =	rddreg [dreg:$0x5];
	[sflag:s19] =	ssyncadd.s32 $0xFFFFE000  }
0x6d: {  	[tilespmem:s15], [sflag:$0xB] =	stream.linear.gather [hbm4b:s20+s15], $0x4E20, $0x38;
	[tilespmem:$0x1C040] =	vst v63  }
0x6e: {  	_ =	swait.ge [sflag:s19], $0x4E20  }
0x6f: {  	[sflag:s19] =	ssyncset.done $0x0  }
0x70: {  	s16 =	simm.s32 $0x4E20;
	s21 =	rddreg [dreg:$0x6];
	[sflag:s19] =	ssyncadd.s32 $0xFFFFB1E0  }
0x71: {  	[tilespmem:s16], [sflag:$0xB] =	stream.linear.gather [hbm4b:s21+s15], $0x4E20, $0x38;
	[tilespmem:$0x1C040] =	vst v63  }
0x72: {  	_ =	swait.ge [sflag:s19], $0x4E20  }
0x73: {  	[sflag:s19] =	ssyncset.done $0x0  }
0x74: {  	[sflag:s19] =	ssyncadd.s32 $0xFFFFB1E0  }
0x75: {  	[bflag:$0x0] =	sbarrier.arrive $0xFFFF  }
0x76: {  	[tilespmem:s28], [sflag:$0x1] =	stream.indirect.gather [hbm4b:s7+s26], $0x40, s15, s26, $0xb8;
	[tilespmem:$0x1C040] =	vst v63  }
0x77: {  	_ = 	snop  }
0x78: {  	[tilespmem:s29], [sflag:$0x2] =	stream.indirect.gather [hbm4b:s7+s26], $0x40, s26, s26, $0xb8;
	[tilespmem:$0x1C040] =	vst v63  }
0x79: {  	s17 =	simm.s32 $0xA0  }
0x7a: {  	[tilespmem:s31], [sflag:$0x3] =	stream.indirect.gather [hbm4b:s7+s26], $0x40, s17, s26, $0xb8;
	[tilespmem:$0x1C040] =	vst v63  }
0x7b: {  	s20 =	simm.s32 $0xF0  }
0x7c: {  	[tilespmem:s1], [sflag:$0x4] =	stream.indirect.gather [hbm4b:s7+s26], $0x40, s20, s26, $0xb8;
	[tilespmem:$0x1C040] =	vst v63  }
0x7d: {  	s21 =	simm.s32 $0x140  }
0x7e: {  	[tilespmem:s0], [sflag:$0x5] =	stream.indirect.gather [hbm4b:s7+s26], $0x40, s21, s26, $0xb8;
	[tilespmem:$0x1C040] =	vst v63  }
0x7f: {  	_ =	swait.ge [sflag:s30], $0x1400  }
0x80: {  	[sflag:s30] =	ssyncset.done $0x0  }
0x81: {  	[sflag:s30] =	ssyncadd.s32 $0xFFFFEC00  }
0x82: {  	[spmem:s2] =	stream.indirect.scatter.add.f32 [tilespmem:s28], [sflag:$0x6], $0x40, s16, s26, $0xb8;
	[tilespmem:$0x1C040] =	vst v63  }
0x83: {  	_ =	swait.ge [sflag:s5], $0x1400  }
0x84: {  	[sflag:s5] =	ssyncset.done $0x0  }
0x85: {  	s16 =	simm.s32 $0x4E70;
	[sflag:s5] =	ssyncadd.s32 $0xFFFFEC00  }
0x86: {  	[spmem:s2] =	stream.indirect.scatter.add.f32 [tilespmem:s29], [sflag:$0x7], $0x40, s16, s26, $0xb8;
	[tilespmem:$0x1C040] =	vst v63  }
0x87: {  	_ =	swait.ge [sflag:s6], $0x1400  }
0x88: {  	[sflag:s6] =	ssyncset.done $0x0  }
0x89: {  	s17 =	simm.s32 $0x190;
	[sflag:s6] =	ssyncadd.s32 $0xFFFFEC00  }
0x8a: {  	[tilespmem:s28], [sflag:$0x1] =	stream.indirect.gather [hbm4b:s7+s26], $0x40, s17, s26, $0xb8;
	[tilespmem:$0x1C040] =	vst v63  }
0x8b: {  	_ =	swait.ge [sflag:s8], $0x1400  }
0x8c: {  	[sflag:s8] =	ssyncset.done $0x0  }
0x8d: {  	s20 =	simm.s32 $0x4EC0;
	[sflag:s8] =	ssyncadd.s32 $0xFFFFEC00  }
0x8e: {  	[spmem:s2] =	stream.indirect.scatter.add.f32 [tilespmem:s31], [sflag:$0x8], $0x40, s20, s26, $0xb8;
	[tilespmem:$0x1C040] =	vst v63  }
0x8f: {  	_ =	swait.ge [sflag:s9], $0x1400  }
0x90: {  	[sflag:s9] =	ssyncset.done $0x0  }
0x91: {  	s21 =	simm.s32 $0x1E0;
	[sflag:s9] =	ssyncadd.s32 $0xFFFFEC00  }
0x92: {  	[tilespmem:s29], [sflag:$0x2] =	stream.indirect.gather [hbm4b:s7+s26], $0x40, s21, s26, $0xb8;
	[tilespmem:$0x1C040] =	vst v63  }
0x93: {  	_ =	swait.ge [sflag:s10], $0x1400  }
0x94: {  	[sflag:s10] =	ssyncset.done $0x0  }
0x95: {  	s16 =	simm.s32 $0x4F10;
	[sflag:s10] =	ssyncadd.s32 $0xFFFFEC00  }
0x96: {  	[spmem:s2] =	stream.indirect.scatter.add.f32 [tilespmem:s1], [sflag:$0x9], $0x40, s16, s26, $0xb8;
	[tilespmem:$0x1C040] =	vst v63  }
0x97: {  	_ =	swait.ge [sflag:s11], $0x1400  }
0x98: {  	[sflag:s11] =	ssyncset.done $0x0  }
0x99: {  	s17 =	simm.s32 $0x230;
	[sflag:s11] =	ssyncadd.s32 $0xFFFFEC00  }
0x9a: {  	[tilespmem:s31], [sflag:$0x3] =	stream.indirect.gather [hbm4b:s7+s26], $0x40, s17, s26, $0xb8;
	[tilespmem:$0x1C040] =	vst v63  }
0x9b: {  	_ =	swait.ge [sflag:s12], $0x1400  }
0x9c: {  	[sflag:s12] =	ssyncset.done $0x0  }
0x9d: {  	s20 =	simm.s32 $0x4F60;
	[sflag:s12] =	ssyncadd.s32 $0xFFFFEC00  }
0x9e: {  	[spmem:s2] =	stream.indirect.scatter.add.f32 [tilespmem:s0], [sflag:$0xA], $0x40, s20, s26, $0xb8;
	[tilespmem:$0x1C040] =	vst v63  }
0x9f: {  	_ =	swait.ge [sflag:s13], $0x1400  }
0xa0: {  	[sflag:s13] =	ssyncset.done $0x0  }
0xa1: {  	s21 =	simm.s32 $0x280;
	[sflag:s13] =	ssyncadd.s32 $0xFFFFEC00  }
0xa2: {  	[tilespmem:s1], [sflag:$0x4] =	stream.indirect.gather [hbm4b:s7+s26], $0x40, s21, s26, $0xb8;
	[tilespmem:$0x1C040] =	vst v63  }
.LBB2_4:
0xa3: {  	_ =	swait.ge [sflag:s30], $0x1400  }
0xa4: {  	s16 =	sshra.s32 s15, $0x2;
	[sflag:s30] =	ssyncset.done $0x0  }
0xa5: {  	s20 =	sadd.s32 $0x4FB0, s16;
	[sflag:s30] =	ssyncadd.s32 $0xFFFFEC00  }
0xa6: {  	[spmem:s2] =	stream.indirect.scatter.add.f32 [tilespmem:s28], [sflag:$0x6], $0x40, s20, s26, $0xb8;
	[tilespmem:$0x1C040] =	vst v63  }
0xa7: {  	_ =	swait.ge [sflag:s14], $0x1400  }
0xa8: {  	[sflag:s14] =	ssyncset.done $0x0  }
0xa9: {  	s4 =	sadd.s32 $0x2D0, s16;
	[sflag:s14] =	ssyncadd.s32 $0xFFFFEC00  }
0xaa: {  	[tilespmem:s0], [sflag:$0x5] =	stream.indirect.gather [hbm4b:s7+s26], $0x40, s4, s26, $0xb8;
	[tilespmem:$0x1C040] =	vst v63  }
0xab: {  	_ =	swait.ge [sflag:s5], $0x1400  }
0xac: {  	p0 =	seq.s32 s15, $0x12C00;
	[sflag:s5] =	ssyncset.done $0x0  }
0xad: {  	s17 =	sadd.s32 $0x5000, s16;
	s20 =	simm.s32 @p0 $0x3;
	[sflag:s5] =	ssyncadd.s32 $0xFFFFEC00  }
0xae: {  	[spmem:s2] =	stream.indirect.scatter.add.f32 [tilespmem:s29], [sflag:$0x7], $0x40, s17, s26, $0xb8;
	[tilespmem:$0x1C040] =	vst v63  }
0xaf: {  	_ =	swait.ge @p0 [sflag:s20], $0x1400  }
0xb0: {  	[sflag:s20] =	ssyncset.done @p0 $0x0  }
0xb1: {  	[sflag:s20] =	ssyncadd.s32 @p0 $0xFFFFEC00;
	s20 =	sshra.s32 @p0 s15, $0x2  }
0xb2: {  	s4 =	simm.s32 @p0 $0x18440;
	s17 =	simm.s32 @p0 $0x50;
	s20 =	sadd.s32 @p0 $0x5050, s20  }
0xb3: {  	[spmem:s2] =	stream.indirect.scatter.add.f32 @p0 [tilespmem:s4], [sflag:$0x8], $0x40, s20, s17, $0xb8;
	[tilespmem:$0x1C040] =	vst v63  }
0xb4: {  	s4 =	simm.s32 @!p0 $0x6  }
0xb5: {  	_ =	swait.ge @!p0 [sflag:s4], $0x1400  }
0xb6: {  	[sflag:s4] =	ssyncset.done @!p0 $0x0  }
0xb7: {  	[sflag:s4] =	ssyncadd.s32 @!p0 $0xFFFFEC00;
	s4 =	sshra.s32 @!p0 s15, $0x2  }
0xb8: {  	s21 =	simm.s32 @!p0 $0x15C40;
	s20 =	simm.s32 @!p0 $0x50;
	s17 =	sadd.s32 @!p0 $0x320, s4  }
0xb9: {  	[tilespmem:s21], [sflag:$0x1] =	stream.indirect.gather @!p0 [hbm4b:s7+s20], $0x40, s17, s20, $0xb8;
	[tilespmem:$0x1C040] =	vst v63  }
0xba: {  	s17 =	simm.s32 @!p0 $0x3  }
0xbb: {  	_ =	swait.ge @!p0 [sflag:s17], $0x1400  }
0xbc: {  	[sflag:s17] =	ssyncset.done @!p0 $0x0  }
0xbd: {  	s21 =	simm.s32 @!p0 $0x18440;
	[sflag:s17] =	ssyncadd.s32 @!p0 $0xFFFFEC00;
	s17 =	sadd.s32 @!p0 $0x5050, s4  }
0xbe: {  	[spmem:s2] =	stream.indirect.scatter.add.f32 @!p0 [tilespmem:s21], [sflag:$0x8], $0x40, s17, s20, $0xb8;
	[tilespmem:$0x1C040] =	vst v63  }
0xbf: {  	s17 =	simm.s32 @!p0 $0x7  }
0xc0: {  	_ =	swait.ge @!p0 [sflag:s17], $0x1400  }
0xc1: {  	[sflag:s17] =	ssyncset.done @!p0 $0x0  }
0xc2: {  	s4 =	sadd.s32 @!p0 $0x370, s4;
	[sflag:s17] =	ssyncadd.s32 @!p0 $0xFFFFEC00;
	s17 =	simm.s32 @!p0 $0x17040  }
0xc3: {  	[tilespmem:s17], [sflag:$0x2] =	stream.indirect.gather @!p0 [hbm4b:s7+s20], $0x40, s4, s20, $0xb8;
	[tilespmem:$0x1C040] =	vst v63  }
.Ltmp3:
0xc4: {  	_ = 	snop;
	(pc) =	sbr.rel @p0 .LBB2_6-.Ltmp3, $4  }
0xc5: {  	_ =	swait.ge [sflag:s10], $0x1400  }
0xc6: {  	[sflag:s10] =	ssyncset.done $0x0  }
0xc7: {  	s21 =	sadd.s32 $0x50A0, s16;
	s20 =	sadd.s32 $0x50F0, s16;
	[sflag:s10] =	ssyncadd.s32 $0xFFFFEC00  }
0xc8: {  	[spmem:s2] =	stream.indirect.scatter.add.f32 [tilespmem:s1], [sflag:$0x9], $0x40, s21, s26, $0xb8;
	[tilespmem:$0x1C040] =	vst v63  }
0xc9: {  	_ =	swait.ge [sflag:s11], $0x1400  }
0xca: {  	[sflag:s11] =	ssyncset.done $0x0  }
0xcb: {  	s4 =	sadd.s32 $0x3C0, s16;
	[sflag:s11] =	ssyncadd.s32 $0xFFFFEC00  }
0xcc: {  	[tilespmem:s31], [sflag:$0x3] =	stream.indirect.gather [hbm4b:s7+s26], $0x40, s4, s26, $0xb8;
	[tilespmem:$0x1C040] =	vst v63  }
0xcd: {  	_ =	swait.ge [sflag:s12], $0x1400  }
0xce: {  	[sflag:s12] =	ssyncset.done $0x0  }
0xcf: {  	[sflag:s12] =	ssyncadd.s32 $0xFFFFEC00  }
0xd0: {  	[spmem:s2] =	stream.indirect.scatter.add.f32 [tilespmem:s0], [sflag:$0xA], $0x40, s20, s26, $0xb8;
	[tilespmem:$0x1C040] =	vst v63  }
.Ltmp4:
0xd1: {  	_ = 	snop;
	(pc) =	sbr.rel .LBB2_4-.Ltmp4, $4  }
0xd2: {  	_ =	swait.ge [sflag:s13], $0x1400  }
0xd3: {  	[sflag:s13] =	ssyncset.done $0x0  }
0xd4: {  	s21 =	sadd.s32 $0x410, s16;
	s15 =	sadd.s32 $0x640, s15;
	[sflag:s13] =	ssyncadd.s32 $0xFFFFEC00  }
0xd5: {  	[tilespmem:s1], [sflag:$0x4] =	stream.indirect.gather [hbm4b:s7+s26], $0x40, s21, s26, $0xb8;
	[tilespmem:$0x1C040] =	vst v63  }
.LBB2_7:
0xd6: {  	_ =	sfence.sel $0x180000  }
0xd7: {  	[bflag:$0x0] =	sbarrier.arrive $0xFFFF  }
0xd8: {  	_ =	strace $0x9000004A  }
0xd9: {  	s0 =	stileid.u32;
	[bflag:$0x2] =	sbarrier.arrive $0xFFFF  }
0xda: {  	p0 =	sne.s32 s0, $0x0;
	s0 =	rddreg [dreg:$0x3]  }
0xdb: {  	s0 =	sadd.s32 @!p0 $0x100000, s0  }
0xdc: {  	[sflag:s0] =	ssyncadd.tile.s32 @!p0 $0x1;
	_ =	shalt  }
.Lfunc_end2:
_tile_overlayer_lowered:
.L_overlay_start_2:
0xdd: {  	(tag) =	ssettag $0x2  }
0xde: {  	s0 =	rddreg [dreg:$0x0];
	s2 =	stileid.u32  }
0xdf: {  	s1 =	rddreg [dreg:$0x1];
	p0 =	sne.s32 s2, $0x0  }
0xe0: {  	s3 =	rddreg [dreg:$0x2];
	[bflag:$0x3] =	sbarrier.arrive $0xFFFF;
	s2 =	simm.s32 @!p0 $0x1C0B  }
0xe1: {  	[timem:s3], [sflag:s2] =	dma.local @!p0 [hbm:s0], s1  }
0xe2: {  	s0 =	simm.s32 @!p0 $0xB  }
0xe3: {  	_ =	swait.ge @!p0 [sflag:s0], s1  }
0xe4: {  	s1 =	ssub.s32 @!p0 $0x0, s1;
	[sflag:s0] =	ssyncset.done @!p0 $0x0  }
0xe5: {  	[sflag:s0] =	ssyncadd.s32 @!p0 s1  }
0xe6: {  	[bflag:$0x3] =	sbarrier.arrive $0xFFFF  }
0xe7: {  	_ =	shalt  }

// kernel: kernel.14.cloned.1.call-start
scs
__scs_entry_jumppad:
0x0: {  	(pc) =	sbr.rel $0x88, $3  }
0x1: {  	(tag) =	ssettag $0x0;
	lr =	simm.s32 $0x1  }
0x2: {  	[smem:$0x3F96] =	sst lr;
	_ =	strace $0xD0000000  }
0x3: {  	_ = 	snop  }
0x4: {  	_ = 	snop  }
0x5: {  	_ = 	snop  }
0x6: {  	_ = 	snop  }
0x7: {  	_ = 	snop  }
__scs_overlays_trampoline_lowered:
0x8: {  	[smem:$0x3FA5] =	sst s0  }
0x9: {  	[smem:$0x3FA6] =	sst s1  }
0xa: {  	[smem:$0x3FA7] =	sst s2  }
0xb: {  	[smem:$0x3FA8] =	sst s3  }
0xc: {  	[smem:$0x3FA9] =	sst s4  }
0xd: {  	[smem:$0x3FAA] =	sst s5  }
0xe: {  	[smem:$0x3FAB] =	sst s6  }
0xf: {  	[smem:$0x3FAC] =	sst s7  }
0x10: {  	[smem:$0x3FAD] =	sst s8  }
0x11: {  	[smem:$0x3FAE] =	sst s9;
	s0 =	simm.s32 @!p0 $0x0  }
0x12: {  	s1 =	sld [smem:$0x3F94];
	s0 =	simm.s32 @p0 $0x1  }
0x13: {  	[smem:$0x3FAF] =	sst s0;
	s0 =	simm.s32 @!p1 $0x0  }
0x14: {  	s2 =	sld [smem:$0x3F93];
	s0 =	simm.s32 @p1 $0x1  }
0x15: {  	[smem:$0x3FB0] =	sst s0;
	s0 =	simm.s32 @!p2 $0x0  }
0x16: {  	s3 =	sld [smem:$0x3FDB];
	s0 =	simm.s32 @p2 $0x1  }
0x17: {  	s4 =	simm.s32 $0x1BF5;
	[smem:$0x3FB2] =	sst s0  }
0x18: {  	s0 =	sld [smem:$0x3F95];
	_ =	swait.ge [sflag:s4], $0x0  }
0x19: {  	s7 =	sld [smem:$0x3F96]  }
0x1a: {  	s8 =	sadd.s32 $0xFFFFE003, lr  }
0x1b: {  	s9 =	sadd.s32 $0xFFFFFEF7, lr;
	s5 =	simm.s32 $0xFFFFFFFF;
	p2 =	slt.u32 s8, $0xFFFFF086  }
0x1c: {  	p1 =	slt.u32 s9, $0xF7A;
	s5 =	simm.s32 @!p2 $0x0  }
0x1d: {  	s5 =	simm.s32 @p1 $0x1;
	p0 =	seq.s32 s7, s2  }
0x1e: {  	s7 =	smul.u32 @!p0 $0xF7A, s2;
	p2 =	seq.s32 @!p0 s5, $0x0  }
0x1f: {  	s9 =	smul.u32 $0xF7A, s1;
	s8 =	simm.s32 @!p0 $0x1BF5;
	p2 =	por !p2, p0  }
0x20: {  	[sflag:s8] =	ssyncset.s32 @!p0 $0xFFFFF086;
	s6 =	sadd.s32 @!p0 s3, s7;
	s7 =	simm.s32 @!p0 $0x108  }
0x21: {  	s3 =	sadd.s32 s3, s9;
	s6 =	sadd.s32 @!p0 $0x88, s6;
	s7 =	simm.s32 @p2 $0x1082  }
0x22: {  	[simem:s7], [sflag:s8] =	dma.local @!p0 [hbm:s6], $0xF7A  }
0x23: {  	s9 =	sor.u32 $0xD0000000, s2;
	s6 =	simm.s32 $0x108;
	_ =	swait.ge @!p0 [sflag:s8], $0x0  }
0x24: {  	s3 =	sadd.s32 $0x88, s3;
	s6 =	simm.s32 @!p1 $0x1082;
	[sflag:s4] =	ssyncset.s32 $0xFFFFF086  }
0x25: {  	[simem:s6], [sflag:s4] =	dma.local [hbm:s3], $0xF7A  }
0x26: {  	[smem:$0x3F96] =	sst s1;
	(tag) =	ssettag s2;
	_ =	strace s9  }
0x27: {  	s1 =	sld [smem:$0x3FA6]  }
0x28: {  	s2 =	sld [smem:$0x3FA7]  }
0x29: {  	s4 =	sld [smem:$0x3FA9]  }
0x2a: {  	p0 =	seq.s32 s5, $0x0;
	s5 =	sld [smem:$0x3FAA]  }
0x2b: {  	s6 =	sld [smem:$0x3FAB]  }
0x2c: {  	s7 =	sld [smem:$0x3FAC]  }
0x2d: {  	s3 =	simm.s32 $0x108;
	s8 =	sld [smem:$0x3FAD]  }
0x2e: {  	s3 =	simm.s32 @!p0 $0x1082;
	s9 =	sld [smem:$0x3FAE]  }
0x2f: {  	lr =	sadd.s32 s0, s3;
	s0 =	sld [smem:$0x3FA5]  }
0x30: {  	s3 =	sld [smem:$0x3FA8]  }
0x31: {  	[smem:$0x3FB1] =	sst s10  }
0x32: {  	s10 =	sld [smem:$0x3FAF];
	_ =	sdelay $0x3  }
0x33: {  	p0 =	seq.s32 s10, $0x1;
	s10 =	sld [smem:$0x3FB1];
	_ =	sdelay $0x3  }
0x34: {  	[smem:$0x3FB1] =	sst s10  }
0x35: {  	s10 =	sld [smem:$0x3FB0];
	_ =	sdelay $0x3  }
0x36: {  	p1 =	seq.s32 s10, $0x1;
	s10 =	sld [smem:$0x3FB1];
	_ =	sdelay $0x3  }
0x37: {  	[smem:$0x3FB1] =	sst s10  }
0x38: {  	s10 =	sld [smem:$0x3FB2]  }
0x39: {  	_ = 	snop;
	(pc) =	sbr.ind lr, $3  }
0x3a: {  	_ = 	snop  }
0x3b: {  	_ = 	snop  }
0x3c: {  	p2 =	seq.s32 s10, $0x1;
	s10 =	sld [smem:$0x3FB1]  }
0x3d: {  	_ =	shalt  }
0x3e: {  	_ =	shalt  }
0x3f: {  	_ =	shalt  }
0x40: {  	_ =	shalt  }
0x41: {  	_ =	shalt  }
0x42: {  	_ =	shalt  }
0x43: {  	_ =	shalt  }
0x44: {  	_ =	shalt  }
0x45: {  	_ =	shalt  }
0x46: {  	_ =	shalt  }
0x47: {  	_ =	shalt  }
0x48: {  	_ =	shalt  }
0x49: {  	_ =	shalt  }
0x4a: {  	_ =	shalt  }
0x4b: {  	_ =	shalt  }
0x4c: {  	_ =	shalt  }
0x4d: {  	_ =	shalt  }
0x4e: {  	_ =	shalt  }
0x4f: {  	_ =	shalt  }
0x50: {  	_ =	shalt  }
0x51: {  	_ =	shalt  }
0x52: {  	_ =	shalt  }
0x53: {  	_ =	shalt  }
0x54: {  	_ =	shalt  }
0x55: {  	_ =	shalt  }
0x56: {  	_ =	shalt  }
0x57: {  	_ =	shalt  }
0x58: {  	_ =	shalt  }
0x59: {  	_ =	shalt  }
0x5a: {  	_ =	shalt  }
0x5b: {  	_ =	shalt  }
0x5c: {  	_ =	shalt  }
0x5d: {  	_ =	shalt  }
0x5e: {  	_ =	shalt  }
0x5f: {  	_ =	shalt  }
0x60: {  	_ =	shalt  }
0x61: {  	_ =	shalt  }
0x62: {  	_ =	shalt  }
0x63: {  	_ =	shalt  }
0x64: {  	_ =	shalt  }
0x65: {  	_ =	shalt  }
0x66: {  	_ =	shalt  }
0x67: {  	_ =	shalt  }
0x68: {  	_ =	shalt  }
0x69: {  	_ =	shalt  }
0x6a: {  	_ =	shalt  }
0x6b: {  	_ =	shalt  }
0x6c: {  	_ =	shalt  }
0x6d: {  	_ =	shalt  }
0x6e: {  	_ =	shalt  }
0x6f: {  	_ =	shalt  }
0x70: {  	_ =	shalt  }
0x71: {  	_ =	shalt  }
0x72: {  	_ =	shalt  }
0x73: {  	_ =	shalt  }
0x74: {  	_ =	shalt  }
0x75: {  	_ =	shalt  }
0x76: {  	_ =	shalt  }
0x77: {  	_ =	shalt  }
0x78: {  	_ =	shalt  }
0x79: {  	_ =	shalt  }
0x7a: {  	_ =	shalt  }
0x7b: {  	_ =	shalt  }
0x7c: {  	_ =	shalt  }
0x7d: {  	_ =	shalt  }
0x7e: {  	_ =	shalt  }
0x7f: {  	_ =	shalt  }
0x80: {  	_ =	shalt  }
0x81: {  	_ =	shalt  }
0x82: {  	_ =	shalt  }
0x83: {  	_ =	shalt  }
0x84: {  	_ =	shalt  }
0x85: {  	_ =	shalt  }
0x86: {  	_ =	shalt  }
0x87: {  	_ =	shalt  }
.Lfunc_end0:
.L_simem_size_0:
called_computation.2_lowered:
.L_overlay_start_0:
0x88: {  	s2 =	sld [smem:$0x3FD9]  }
0x89: {  	s3 =	sld [smem:$0x3FFE];
	_ =	sdelay $0x1  }
0x8a: {  	s1 =	srdreg.scid  }
0x8b: {  	s0 =	sand.u32 $0x1, s1  }
0x8c: {  	s14 =	sshll.u32 s0, $0xA;
	s2 =	sadd.s32 s3, s2  }
0x8d: {  	s2 =	sadd.s32 s2, s14  }
0x8e: {  	[smem:$0x3FBD] =	sst s2  }
0x8f: {  	_ = 	snop  }
0x90: {  	s2 =	sld [smem:$0x3FD0];
	_ =	sdelay $0x2  }
0x91: {  	s15 =	simm.s32 $0xA;
	s4 =	simm.s32 $0x10  }
0x92: {  	[smem:s4], [sflag:s15] =	dma.local [hbm:s2], $0x1  }
0x93: {  	_ =	swait.eq [sflag:s15], $0x1  }
0x94: {  	[sflag:s15] =	ssyncset.done $0x0  }
0x95: {  	[sflag:s15] =	ssyncadd.s32 $0xFFFFFFFF  }
0x96: {  	s16 =	sld [smem:$0x12];
	(tm) =	ssettm $0x1  }
0x97: {  	s17 =	sld [smem:$0x3FFB];
	_ =	sdelay $0x3  }
0x98: {  	_ =	strace s17  }
0x99: {  	s3 =	sld [smem:$0x3FFC];
	_ =	sdelay $0x3  }
0x9a: {  	_ =	strace s3  }
0x9b: {  	s3 =	sld [smem:$0x3FFD];
	_ =	sdelay $0x3  }
0x9c: {  	_ =	strace s3  }
0x9d: {  	_ =	strace $0x8FFFFFFF  }
0x9e: {  	s18 =	sld [smem:$0x3FDB];
	_ =	sdelay $0x1  }
0x9f: {  	s19 =	simm.s32 $_scs_section_size  }
0xa0: {  	s5 =	simm.s32 $_size__tile_overlayer_lowered;
	s6 =	simm.s32 $_tile_overlayer_lowered  }
0xa1: {  	s22 =	simm.s32 $0x1BFF;
	s21 =	sshll.u32 s6, $0x1;
	s3 =	sadd.s32 s19, s18  }
0xa2: {  	s7 =	simm.s32 $0x0;
	s20 =	sshll.u32 s5, $0x1;
	s5 =	sadd.s32 s21, s3  }
0xa3: {  	[timem:s7], [sflag:s22] =	dma.local [hbm:s5], s20  }
0xa4: {  	_ =	swait.ge [sflag:s22], s20  }
0xa5: {  	s4 =	ssub.s32 $0x0, s20;
	[sflag:s22] =	ssyncset.done $0x0  }
0xa6: {  	[sflag:s22] =	ssyncadd.s32 s4;
	_ =	sdelay $0x1  }
0xa7: {  	s23 =	simm.s32 $0x1B8B  }
0xa8: {  	_ =	swait.ge [sflag:s23], $0x1  }
0xa9: {  	[sflag:s23] =	ssyncset.done $0x0  }
0xaa: {  	s25 =	simm.s32 $0x1B8E;
	s24 =	sld [smem:$0x3FFE];
	[sflag:s23] =	ssyncadd.s32 $0xFFFFFFFF  }
0xab: {  	s26 =	simm.s32 $execute0_lowered;
	[smem:$0x3FD2] =	sst s25  }
0xac: {  	s5 =	sshll.u32 s26, $0x1;
	_ =	strace $0x8000004C;
	[dreg:$0x1] =	wrdreg $0xFFFFFFFF  }
0xad: {  	s28 =	simm.s32 $_size_execute0_lowered;
	s3 =	sadd.s32 s3, s5;
	[dreg:$0x0] =	wrdreg $0x0  }
0xae: {  	s5 =	sshll.u32 s28, $0x1;
	[dreg:$0x2] =	wrdreg s3  }
0xaf: {  	[dreg:$0x3] =	wrdreg s5  }
0xb0: {  	[dreg:$0x4] =	wrdreg $0xC0  }
0xb1: {  	_ =	task [dreg:s7], $0x5FFFF  }
0xb2: {  	[dreg:$0x1] =	wrdreg $0xFFFFFFFF  }
0xb3: {  	[dreg:$0x0] =	wrdreg $0x60  }
0xb4: {  	[dreg:$0x2] =	wrdreg s24  }
0xb5: {  	[dreg:$0x3] =	wrdreg s16  }
0xb6: {  	[dreg:$0x4] =	wrdreg $0xBC400  }
0xb7: {  	[dreg:$0x5] =	wrdreg $0x9  }
0xb8: {  	_ =	task.clear_ibuf [dreg:s7], $0x6FFFF;
	_ =	strace $0x9000004C  }
0xb9: {  	s29 =	simm.s32 $0x9;
	_ =	strace $0x8000004E  }
0xba: {  	_ =	swait.ge [sflag:s29], $0x1  }
0xbb: {  	[sflag:s29] =	ssyncadd.s32 $0xFFFFFFFF  }
0xbc: {  	_ =	strace $0x9000004E  }
0xbd: {  	_ =	sfence  }
0xbe: {  	s30 =	sld [smem:$0x0];
	_ =	sdelay $0x2  }
0xbf: {  	s31 =	sshll.u32 s1, $0xD;
	s1 =	sshrl.u32 s1, $0x2  }
0xc0: {  	s3 =	sand.u32 $0x4000, s31;
	s1 =	sadd.s32 s1, s30  }
0xc1: {  	s0 =	sor.u32 s3, s0;
	s1 =	sshll.u32 s1, $0x11  }
0xc2: {  	s0 =	sor.u32 s1, s0  }
0xc3: {  	s0 =	sadd.s32 $0x8F2B, s0  }
0xc4: {  	[sflag:s0] =	ssyncadd.remote.s32 $0x1  }
0xc5: {  	_ =	sfence.sel $0xFFFF  }
0xc6: {  	[dreg:$0x0] =	wrdreg $0xFFFFFFFF;
	(pc) =	sbr.abs _section_cstart, $3  }
0xc7: {  	[dreg:$0x1] =	wrdreg $0xFFFFFFFF  }
0xc8: {  	_ =	task.clear_ibuf [dreg:s7], $0x2FFFF;
	_ =	strace $0x9FFFFFFF  }
0xc9: {  	(tm) =	ssettm $0x7FFFFFFF  }
tec
execute0_lowered:
.L_overlay_start_1:
0x0: {  	(tag) =	ssettag $0x1  }
0x1: {  	s0 =	rddreg [dreg:$0x0]  }
0x2: {  	s1 =	srdreg.scid;
	s5 =	rddreg [dreg:$0x1]  }
0x3: {  	s2 =	rddreg [dreg:$0x2];
	s10 =	stileid.u32  }
0x4: {  	s3 =	simm.s32 $0x0;
	s28 =	simm.s32 $0x15C40;
	s7 =	smul.u32 $0x9C4, s10  }
0x5: {  	s29 =	simm.s32 $0x17040;
	s31 =	simm.s32 $0x18440;
	s25 =	smul.u32 $0x28000, s10  }
0x6: {  	s30 =	simm.s32 $0x1;
	s1 =	sand.u32 $0x1, s1;
	s10 =	smul.u32 $0xA000, s10  }
0x7: {  	[smem:$0x7FF] =	sst s3;
	s6 =	smul.u32 $0xA0000, s1;
	s1 =	ssub.s32 $0x2, s1  }
0x8: {  	_ =	strace $0x8000004D;
	s9 =	sadd.s32 s7, s0;
	s11 =	sshrl.u32 s1, $0x1  }
0x9: {  	s5 =	sadd.s32 s5, s7;
	s13 =	sadd.s32 $0x2000, s10;
	s16 =	sadd.s32 s10, s2  }
0xa: {  	s17 =	sadd.s32 $0x4000, s10;
	s20 =	sadd.s32 $0x6000, s10;
	s4 =	sshrl.u32 s6, $0x3  }
0xb: {  	s1 =	ssub.s32 s1, s11;
	s26 =	sadd.s32 s6, s10;
	[dreg:$0x5] =	wrdreg s5  }
0xc: {  	s7 =	sadd.s32 $0x2200, s9;
	s15 =	sadd.s32 s6, s13;
	s19 =	sadd.s32 s6, s17  }
0xd: {  	s10 =	sadd.s32 $0x8000, s10;
	s22 =	sadd.s32 s6, s20;
	s24 =	sadd.s32 s20, s2  }
0xe: {  	s8 =	sadd.s32 s4, s0;
	s0 =	sadd.s32 $0x34000, s0;
	s4 =	sshrl.u32 s25, $0x2  }
0xf: {  	[dreg:$0x6] =	wrdreg s7;
	s9 =	sshrl.u32 s26, $0x3;
	s1 =	smax.u32 s1, $0x1  }
0x10: {  	s6 =	sadd.s32 s6, s10;
	s25 =	sadd.s32 s10, s2;
	s26 =	sshrl.u32 s16, $0x3  }
0x11: {  	s24 =	sshrl.u32 s24, $0x3;
	s10 =	simm.s32 $0x4;
	s4 =	sadd.s32 s4, s2  }
0x12: {  	s7 =	sadd.s32 $0xC000, s8;
	s5 =	sadd.s32 s0, s9;
	[dreg:$0x8] =	wrdreg s1  }
0x13: {  	s1 =	sadd.s32 s13, s2;
	s9 =	sadd.s32 s17, s2;
	[dreg:$0x11] =	wrdreg s26  }
0x14: {  	s6 =	sshrl.u32 s6, $0x3;
	s25 =	sshrl.u32 s25, $0x3;
	[dreg:$0x7] =	wrdreg s5  }
0x15: {  	s26 =	simm.s32 $0x50;
	s11 =	sadd.s32 $0x2000, s4;
	[dreg:$0x4] =	wrdreg s4  }
0x16: {  	s8 =	simm.s32 $0x3;
	s12 =	sadd.s32 $0x4000, s4;
	[dreg:$0x9] =	wrdreg s11  }
0x17: {  	s13 =	simm.s32 $0x9;
	s14 =	sadd.s32 $0x6000, s4;
	[dreg:$0xa] =	wrdreg s12  }
0x18: {  	s4 =	sadd.s32 $0x8000, s4;
	s5 =	sshrl.u32 s15, $0x3;
	[dreg:$0xb] =	wrdreg s14  }
0x19: {  	[dreg:$0xc] =	wrdreg s4;
	s18 =	sadd.s32 s0, s5;
	s5 =	sshrl.u32 s19, $0x3  }
0x1a: {  	s19 =	simm.s32 $0xB;
	s11 =	simm.s32 $0x8;
	s12 =	simm.s32 $0x5  }
0x1b: {  	s14 =	simm.s32 $0xA;
	[dreg:$0xd] =	wrdreg s18;
	s21 =	sadd.s32 s0, s5  }
.Ltmp0:
0x1c: {  	s5 =	sshrl.u32 s22, $0x3;
	s18 =	simm.s32 $0x9C40;
	(pc) =	sbr.rel .LBB2_1-.Ltmp0, $4  }
0x1d: {  	s22 =	sshrl.u32 s1, $0x3;
	[dreg:$0xe] =	wrdreg s21;
	s23 =	sadd.s32 s0, s5  }
0x1e: {  	s1 =	simm.s32 $0x19840;
	s0 =	sadd.s32 s0, s6;
	[dreg:$0xf] =	wrdreg s23  }
0x1f: {  	s5 =	simm.s32 $0x2;
	s6 =	simm.s32 $0x6;
	[dreg:$0x10] =	wrdreg s0  }
0x20: {  	v0 =	vimm.f32 $0.0e+00;
	s23 =	sshrl.u32 s9, $0x3;
	s0 =	simm.s32 $0x1AC40;
	s9 =	simm.s32 $0x7  }
.LBB2_6:
0x21: {  	_ =	swait.ge [sflag:s12], $0x1400  }
0x22: {  	[sflag:s12] =	ssyncset.done $0x0  }
0x23: {  	[sflag:s12] =	ssyncadd.s32 $0xFFFFEC00  }
0x24: {  	[spmem:s2] =	stream.indirect.scatter.add.f32 [tilespmem:s0], [sflag:$0xA], $0x40, s20, s26, $0xb8;
	[tilespmem:$0x1C040] =	vst v63  }
0x25: {  	_ =	swait.ge [sflag:s6], $0x1400  }
0x26: {  	[sflag:s6] =	ssyncset.done $0x0  }
0x27: {  	[sflag:s6] =	ssyncadd.s32 $0xFFFFEC00  }
0x28: {  	_ =	swait.ge [sflag:s9], $0x1400  }
0x29: {  	[sflag:s9] =	ssyncset.done $0x0  }
0x2a: {  	[sflag:s9] =	ssyncadd.s32 $0xFFFFEC00  }
0x2b: {  	_ =	swait.ge [sflag:s11], $0x1400  }
0x2c: {  	[sflag:s11] =	ssyncset.done $0x0  }
0x2d: {  	[sflag:s11] =	ssyncadd.s32 $0xFFFFEC00  }
0x2e: {  	_ =	swait.ge [sflag:s13], $0x1400  }
0x2f: {  	[sflag:s13] =	ssyncset.done $0x0  }
0x30: {  	[sflag:s13] =	ssyncadd.s32 $0xFFFFEC00  }
0x31: {  	_ =	swait.ge [sflag:s14], $0x1400  }
0x32: {  	[sflag:s14] =	ssyncset.done $0x0  }
0x33: {  	[sflag:s14] =	ssyncadd.s32 $0xFFFFEC00  }
0x34: {  	s4 =	stileid.u32;
	[bflag:$0x0] =	sbarrier.arrive $0xFFFF  }
0x35: {  	s4 =	sshll.u32 s4, $0x6;
	s15 =	rddreg [dreg:$0x7]  }
0x36: {  	s4 =	sor.u32 $0x1C0B, s4;
	s16 =	rddreg [dreg:$0x11]  }
0x37: {  	[hbm:s15], [sflag:s4] =	dma.local [spmem:s16], $0x400  }
0x38: {  	_ =	swait.ge [sflag:s19], $0x400  }
0x39: {  	[sflag:s19] =	ssyncset.done $0x0  }
0x3a: {  	s21 =	rddreg [dreg:$0xd];
	[sflag:s19] =	ssyncadd.s32 $0xFFFFFC00  }
0x3b: {  	[hbm:s21], [sflag:s4] =	dma.local [spmem:s22], $0x400  }
0x3c: {  	_ =	swait.ge [sflag:s19], $0x400  }
0x3d: {  	[sflag:s19] =	ssyncset.done $0x0  }
0x3e: {  	s16 =	rddreg [dreg:$0xe];
	[sflag:s19] =	ssyncadd.s32 $0xFFFFFC00  }
0x3f: {  	[hbm:s16], [sflag:s4] =	dma.local [spmem:s23], $0x400  }
0x40: {  	_ =	swait.ge [sflag:s19], $0x400  }
0x41: {  	[sflag:s19] =	ssyncset.done $0x0  }
0x42: {  	s17 =	rddreg [dreg:$0xf];
	[sflag:s19] =	ssyncadd.s32 $0xFFFFFC00  }
0x43: {  	[hbm:s17], [sflag:s4] =	dma.local [spmem:s24], $0x400  }
0x44: {  	_ =	swait.ge [sflag:s19], $0x400  }
0x45: {  	[sflag:s19] =	ssyncset.done $0x0  }
0x46: {  	s20 =	rddreg [dreg:$0x10];
	[sflag:s19] =	ssyncadd.s32 $0xFFFFFC00  }
0x47: {  	[hbm:s20], [sflag:s4] =	dma.local [spmem:s25], $0x400  }
0x48: {  	_ =	swait.ge [sflag:s19], $0x400  }
0x49: {  	s3 =	sadd.s32 $0x1, s3;
	s21 =	rddreg [dreg:$0x8]  }
0x4a: {  	p0 =	sne.s32 s3, s21  }
.Ltmp1:
0x4b: {  	_ = 	snop;
	(pc) =	sbr.rel @!p0 .LBB2_7-.Ltmp1, $3  }
0x4c: {  	_ =	sdelay $0x1  }
0x4d: {  	[sflag:s19] =	ssyncset.done $0x0  }
0x4e: {  	[sflag:s19] =	ssyncadd.s32 $0xFFFFFC00  }
.LBB2_1:
0x4f: {  	s16 =	simm.s32 $0x100;
	s15 =	simm.s32 $0x0  }
.LBB2_2:
0x50: {  	p0 =	sne.s32 s16, $0x7F00;
	[tilespmem:s15+$0x9C70] =	vst v0;
	s20 =	smov.u32 s16;
	s16 =	sadd.s32 $0x100, s16  }
.Ltmp2:
0x51: {  	[tilespmem:s15+$0x9C60] =	vst v0;
	(pc) =	sbr.rel @p0 .LBB2_2-.Ltmp2, $3  }
0x52: {  	[tilespmem:s15+$0x9C40] =	vst v0  }
0x53: {  	[tilespmem:s15+$0x9C50] =	vst v0;
	_ =	sdelay $0x1  }
0x54: {  	s15 =	sshra.s32 s20, $0x2  }
0x55: {  	[tilespmem:s15+$0x9C70] =	vst v0  }
0x56: {  	[tilespmem:s15+$0x9C60] =	vst v0  }
0x57: {  	[tilespmem:s15+$0x9C40] =	vst v0  }
0x58: {  	[tilespmem:s15+$0x9C50] =	vst v0;
	s4 =	rddreg [dreg:$0x4]  }
0x59: {  	[spmem:s4] =	stream.linear.scatter [tilespmem:s18], [sflag:$0xB], $0x2000, $0x38;
	[tilespmem:$0x1C040] =	vst v63  }
0x5a: {  	_ =	swait.ge [sflag:s19], $0x2000  }
0x5b: {  	[sflag:s19] =	ssyncset.done $0x0  }
0x5c: {  	s21 =	rddreg [dreg:$0x9];
	[sflag:s19] =	ssyncadd.s32 $0xFFFFE000  }
0x5d: {  	[spmem:s21] =	stream.linear.scatter [tilespmem:s18], [sflag:$0xB], $0x2000, $0x38;
	[tilespmem:$0x1C040] =	vst v63  }
0x5e: {  	_ =	swait.ge [sflag:s19], $0x2000  }
0x5f: {  	[sflag:s19] =	ssyncset.done $0x0  }
0x60: {  	s15 =	rddreg [dreg:$0xa];
	[sflag:s19] =	ssyncadd.s32 $0xFFFFE000  }
0x61: {  	[spmem:s15] =	stream.linear.scatter [tilespmem:s18], [sflag:$0xB], $0x2000, $0x38;
	[tilespmem:$0x1C040] =	vst v63  }
0x62: {  	_ =	swait.ge [sflag:s19], $0x2000  }
0x63: {  	[sflag:s19] =	ssyncset.done $0x0  }
0x64: {  	s16 =	rddreg [dreg:$0xb];
	[sflag:s19] =	ssyncadd.s32 $0xFFFFE000  }
0x65: {  	[spmem:s16] =	stream.linear.scatter [tilespmem:s18], [sflag:$0xB], $0x2000, $0x38;
	[tilespmem:$0x1C040] =	vst v63  }
0x66: {  	_ =	swait.ge [sflag:s19], $0x2000  }
0x67: {  	[sflag:s19] =	ssyncset.done $0x0  }
0x68: {  	s17 =	rddreg [dreg:$0xc];
	[sflag:s19] =	ssyncadd.s32 $0xFFFFE000  }
0x69: {  	[spmem:s17] =	stream.linear.scatter [tilespmem:s18], [sflag:$0xB], $0x2000, $0x38;
	[tilespmem:$0x1C040] =	vst v63  }
0x6a: {  	_ =	swait.ge [sflag:s19], $0x2000  }
0x6b: {  	[sflag:s19] =	ssyncset.done $0x0  }
0x6c: {  	s15 =	simm.s32 $0x0;
	s20 =	rddreg [dreg:$0x5];
	[sflag:s19] =	ssyncadd.s32 $0xFFFFE000  }
0x6d: {  	[tilespmem:s15], [sflag:$0xB] =	stream.linear.gather [hbm4b:s20+s15], $0x4E20, $0x38;
	[tilespmem:$0x1C040] =	vst v63  }
0x6e: {  	_ =	swait.ge [sflag:s19], $0x4E20  }
0x6f: {  	[sflag:s19] =	ssyncset.done $0x0  }
0x70: {  	s16 =	simm.s32 $0x4E20;
	s21 =	rddreg [dreg:$0x6];
	[sflag:s19] =	ssyncadd.s32 $0xFFFFB1E0  }
0x71: {  	[tilespmem:s16], [sflag:$0xB] =	stream.linear.gather [hbm4b:s21+s15], $0x4E20, $0x38;
	[tilespmem:$0x1C040] =	vst v63  }
0x72: {  	_ =	swait.ge [sflag:s19], $0x4E20  }
0x73: {  	[sflag:s19] =	ssyncset.done $0x0  }
0x74: {  	[sflag:s19] =	ssyncadd.s32 $0xFFFFB1E0  }
0x75: {  	[bflag:$0x0] =	sbarrier.arrive $0xFFFF  }
0x76: {  	[tilespmem:s28], [sflag:$0x1] =	stream.indirect.gather [hbm4b:s7+s26], $0x40, s15, s26, $0xb8;
	[tilespmem:$0x1C040] =	vst v63  }
0x77: {  	_ = 	snop  }
0x78: {  	[tilespmem:s29], [sflag:$0x2] =	stream.indirect.gather [hbm4b:s7+s26], $0x40, s26, s26, $0xb8;
	[tilespmem:$0x1C040] =	vst v63  }
0x79: {  	s17 =	simm.s32 $0xA0  }
0x7a: {  	[tilespmem:s31], [sflag:$0x3] =	stream.indirect.gather [hbm4b:s7+s26], $0x40, s17, s26, $0xb8;
	[tilespmem:$0x1C040] =	vst v63  }
0x7b: {  	s20 =	simm.s32 $0xF0  }
0x7c: {  	[tilespmem:s1], [sflag:$0x4] =	stream.indirect.gather [hbm4b:s7+s26], $0x40, s20, s26, $0xb8;
	[tilespmem:$0x1C040] =	vst v63  }
0x7d: {  	s21 =	simm.s32 $0x140  }
0x7e: {  	[tilespmem:s0], [sflag:$0x5] =	stream.indirect.gather [hbm4b:s7+s26], $0x40, s21, s26, $0xb8;
	[tilespmem:$0x1C040] =	vst v63  }
0x7f: {  	_ =	swait.ge [sflag:s30], $0x1400  }
0x80: {  	[sflag:s30] =	ssyncset.done $0x0  }
0x81: {  	[sflag:s30] =	ssyncadd.s32 $0xFFFFEC00  }
0x82: {  	[spmem:s2] =	stream.indirect.scatter.add.f32 [tilespmem:s28], [sflag:$0x6], $0x40, s16, s26, $0xb8;
	[tilespmem:$0x1C040] =	vst v63  }
0x83: {  	_ =	swait.ge [sflag:s5], $0x1400  }
0x84: {  	[sflag:s5] =	ssyncset.done $0x0  }
0x85: {  	s16 =	simm.s32 $0x4E70;
	[sflag:s5] =	ssyncadd.s32 $0xFFFFEC00  }
0x86: {  	[spmem:s2] =	stream.indirect.scatter.add.f32 [tilespmem:s29], [sflag:$0x7], $0x40, s16, s26, $0xb8;
	[tilespmem:$0x1C040] =	vst v63  }
0x87: {  	_ =	swait.ge [sflag:s6], $0x1400  }
0x88: {  	[sflag:s6] =	ssyncset.done $0x0  }
0x89: {  	s17 =	simm.s32 $0x190;
	[sflag:s6] =	ssyncadd.s32 $0xFFFFEC00  }
0x8a: {  	[tilespmem:s28], [sflag:$0x1] =	stream.indirect.gather [hbm4b:s7+s26], $0x40, s17, s26, $0xb8;
	[tilespmem:$0x1C040] =	vst v63  }
0x8b: {  	_ =	swait.ge [sflag:s8], $0x1400  }
0x8c: {  	[sflag:s8] =	ssyncset.done $0x0  }
0x8d: {  	s20 =	simm.s32 $0x4EC0;
	[sflag:s8] =	ssyncadd.s32 $0xFFFFEC00  }
0x8e: {  	[spmem:s2] =	stream.indirect.scatter.add.f32 [tilespmem:s31], [sflag:$0x8], $0x40, s20, s26, $0xb8;
	[tilespmem:$0x1C040] =	vst v63  }
0x8f: {  	_ =	swait.ge [sflag:s9], $0x1400  }
0x90: {  	[sflag:s9] =	ssyncset.done $0x0  }
0x91: {  	s21 =	simm.s32 $0x1E0;
	[sflag:s9] =	ssyncadd.s32 $0xFFFFEC00  }
0x92: {  	[tilespmem:s29], [sflag:$0x2] =	stream.indirect.gather [hbm4b:s7+s26], $0x40, s21, s26, $0xb8;
	[tilespmem:$0x1C040] =	vst v63  }
0x93: {  	_ =	swait.ge [sflag:s10], $0x1400  }
0x94: {  	[sflag:s10] =	ssyncset.done $0x0  }
0x95: {  	s16 =	simm.s32 $0x4F10;
	[sflag:s10] =	ssyncadd.s32 $0xFFFFEC00  }
0x96: {  	[spmem:s2] =	stream.indirect.scatter.add.f32 [tilespmem:s1], [sflag:$0x9], $0x40, s16, s26, $0xb8;
	[tilespmem:$0x1C040] =	vst v63  }
0x97: {  	_ =	swait.ge [sflag:s11], $0x1400  }
0x98: {  	[sflag:s11] =	ssyncset.done $0x0  }
0x99: {  	s17 =	simm.s32 $0x230;
	[sflag:s11] =	ssyncadd.s32 $0xFFFFEC00  }
0x9a: {  	[tilespmem:s31], [sflag:$0x3] =	stream.indirect.gather [hbm4b:s7+s26], $0x40, s17, s26, $0xb8;
	[tilespmem:$0x1C040] =	vst v63  }
0x9b: {  	_ =	swait.ge [sflag:s12], $0x1400  }
0x9c: {  	[sflag:s12] =	ssyncset.done $0x0  }
0x9d: {  	s20 =	simm.s32 $0x4F60;
	[sflag:s12] =	ssyncadd.s32 $0xFFFFEC00  }
0x9e: {  	[spmem:s2] =	stream.indirect.scatter.add.f32 [tilespmem:s0], [sflag:$0xA], $0x40, s20, s26, $0xb8;
	[tilespmem:$0x1C040] =	vst v63  }
0x9f: {  	_ =	swait.ge [sflag:s13], $0x1400  }
0xa0: {  	[sflag:s13] =	ssyncset.done $0x0  }
0xa1: {  	s21 =	simm.s32 $0x280;
	[sflag:s13] =	ssyncadd.s32 $0xFFFFEC00  }
0xa2: {  	[tilespmem:s1], [sflag:$0x4] =	stream.indirect.gather [hbm4b:s7+s26], $0x40, s21, s26, $0xb8;
	[tilespmem:$0x1C040] =	vst v63  }
.LBB2_4:
0xa3: {  	_ =	swait.ge [sflag:s30], $0x1400  }
0xa4: {  	s16 =	sshra.s32 s15, $0x2;
	[sflag:s30] =	ssyncset.done $0x0  }
0xa5: {  	s20 =	sadd.s32 $0x4FB0, s16;
	[sflag:s30] =	ssyncadd.s32 $0xFFFFEC00  }
0xa6: {  	[spmem:s2] =	stream.indirect.scatter.add.f32 [tilespmem:s28], [sflag:$0x6], $0x40, s20, s26, $0xb8;
	[tilespmem:$0x1C040] =	vst v63  }
0xa7: {  	_ =	swait.ge [sflag:s14], $0x1400  }
0xa8: {  	[sflag:s14] =	ssyncset.done $0x0  }
0xa9: {  	s4 =	sadd.s32 $0x2D0, s16;
	[sflag:s14] =	ssyncadd.s32 $0xFFFFEC00  }
0xaa: {  	[tilespmem:s0], [sflag:$0x5] =	stream.indirect.gather [hbm4b:s7+s26], $0x40, s4, s26, $0xb8;
	[tilespmem:$0x1C040] =	vst v63  }
0xab: {  	_ =	swait.ge [sflag:s5], $0x1400  }
0xac: {  	p0 =	seq.s32 s15, $0x12C00;
	[sflag:s5] =	ssyncset.done $0x0  }
0xad: {  	s17 =	sadd.s32 $0x5000, s16;
	s20 =	simm.s32 @p0 $0x3;
	[sflag:s5] =	ssyncadd.s32 $0xFFFFEC00  }
0xae: {  	[spmem:s2] =	stream.indirect.scatter.add.f32 [tilespmem:s29], [sflag:$0x7], $0x40, s17, s26, $0xb8;
	[tilespmem:$0x1C040] =	vst v63  }
0xaf: {  	_ =	swait.ge @p0 [sflag:s20], $0x1400  }
0xb0: {  	[sflag:s20] =	ssyncset.done @p0 $0x0  }
0xb1: {  	[sflag:s20] =	ssyncadd.s32 @p0 $0xFFFFEC00;
	s20 =	sshra.s32 @p0 s15, $0x2  }
0xb2: {  	s4 =	simm.s32 @p0 $0x18440;
	s17 =	simm.s32 @p0 $0x50;
	s20 =	sadd.s32 @p0 $0x5050, s20  }
0xb3: {  	[spmem:s2] =	stream.indirect.scatter.add.f32 @p0 [tilespmem:s4], [sflag:$0x8], $0x40, s20, s17, $0xb8;
	[tilespmem:$0x1C040] =	vst v63  }
0xb4: {  	s4 =	simm.s32 @!p0 $0x6  }
0xb5: {  	_ =	swait.ge @!p0 [sflag:s4], $0x1400  }
0xb6: {  	[sflag:s4] =	ssyncset.done @!p0 $0x0  }
0xb7: {  	[sflag:s4] =	ssyncadd.s32 @!p0 $0xFFFFEC00;
	s4 =	sshra.s32 @!p0 s15, $0x2  }
0xb8: {  	s21 =	simm.s32 @!p0 $0x15C40;
	s20 =	simm.s32 @!p0 $0x50;
	s17 =	sadd.s32 @!p0 $0x320, s4  }
0xb9: {  	[tilespmem:s21], [sflag:$0x1] =	stream.indirect.gather @!p0 [hbm4b:s7+s20], $0x40, s17, s20, $0xb8;
	[tilespmem:$0x1C040] =	vst v63  }
0xba: {  	s17 =	simm.s32 @!p0 $0x3  }
0xbb: {  	_ =	swait.ge @!p0 [sflag:s17], $0x1400  }
0xbc: {  	[sflag:s17] =	ssyncset.done @!p0 $0x0  }
0xbd: {  	s21 =	simm.s32 @!p0 $0x18440;
	[sflag:s17] =	ssyncadd.s32 @!p0 $0xFFFFEC00;
	s17 =	sadd.s32 @!p0 $0x5050, s4  }
0xbe: {  	[spmem:s2] =	stream.indirect.scatter.add.f32 @!p0 [tilespmem:s21], [sflag:$0x8], $0x40, s17, s20, $0xb8;
	[tilespmem:$0x1C040] =	vst v63  }
0xbf: {  	s17 =	simm.s32 @!p0 $0x7  }
0xc0: {  	_ =	swait.ge @!p0 [sflag:s17], $0x1400  }
0xc1: {  	[sflag:s17] =	ssyncset.done @!p0 $0x0  }
0xc2: {  	s4 =	sadd.s32 @!p0 $0x370, s4;
	[sflag:s17] =	ssyncadd.s32 @!p0 $0xFFFFEC00;
	s17 =	simm.s32 @!p0 $0x17040  }
0xc3: {  	[tilespmem:s17], [sflag:$0x2] =	stream.indirect.gather @!p0 [hbm4b:s7+s20], $0x40, s4, s20, $0xb8;
	[tilespmem:$0x1C040] =	vst v63  }
.Ltmp3:
0xc4: {  	_ = 	snop;
	(pc) =	sbr.rel @p0 .LBB2_6-.Ltmp3, $4  }
0xc5: {  	_ =	swait.ge [sflag:s10], $0x1400  }
0xc6: {  	[sflag:s10] =	ssyncset.done $0x0  }
0xc7: {  	s21 =	sadd.s32 $0x50A0, s16;
	s20 =	sadd.s32 $0x50F0, s16;
	[sflag:s10] =	ssyncadd.s32 $0xFFFFEC00  }
0xc8: {  	[spmem:s2] =	stream.indirect.scatter.add.f32 [tilespmem:s1], [sflag:$0x9], $0x40, s21, s26, $0xb8;
	[tilespmem:$0x1C040] =	vst v63  }
0xc9: {  	_ =	swait.ge [sflag:s11], $0x1400  }
0xca: {  	[sflag:s11] =	ssyncset.done $0x0  }
0xcb: {  	s4 =	sadd.s32 $0x3C0, s16;
	[sflag:s11] =	ssyncadd.s32 $0xFFFFEC00  }
0xcc: {  	[tilespmem:s31], [sflag:$0x3] =	stream.indirect.gather [hbm4b:s7+s26], $0x40, s4, s26, $0xb8;
	[tilespmem:$0x1C040] =	vst v63  }
0xcd: {  	_ =	swait.ge [sflag:s12], $0x1400  }
0xce: {  	[sflag:s12] =	ssyncset.done $0x0  }
0xcf: {  	[sflag:s12] =	ssyncadd.s32 $0xFFFFEC00  }
0xd0: {  	[spmem:s2] =	stream.indirect.scatter.add.f32 [tilespmem:s0], [sflag:$0xA], $0x40, s20, s26, $0xb8;
	[tilespmem:$0x1C040] =	vst v63  }
.Ltmp4:
0xd1: {  	_ = 	snop;
	(pc) =	sbr.rel .LBB2_4-.Ltmp4, $4  }
0xd2: {  	_ =	swait.ge [sflag:s13], $0x1400  }
0xd3: {  	[sflag:s13] =	ssyncset.done $0x0  }
0xd4: {  	s21 =	sadd.s32 $0x410, s16;
	s15 =	sadd.s32 $0x640, s15;
	[sflag:s13] =	ssyncadd.s32 $0xFFFFEC00  }
0xd5: {  	[tilespmem:s1], [sflag:$0x4] =	stream.indirect.gather [hbm4b:s7+s26], $0x40, s21, s26, $0xb8;
	[tilespmem:$0x1C040] =	vst v63  }
.LBB2_7:
0xd6: {  	_ =	sfence.sel $0x180000  }
0xd7: {  	[bflag:$0x0] =	sbarrier.arrive $0xFFFF  }
0xd8: {  	_ =	strace $0x9000004D  }
0xd9: {  	s0 =	stileid.u32;
	[bflag:$0x2] =	sbarrier.arrive $0xFFFF  }
0xda: {  	p0 =	sne.s32 s0, $0x0;
	s0 =	rddreg [dreg:$0x3]  }
0xdb: {  	s0 =	sadd.s32 @!p0 $0x100000, s0  }
0xdc: {  	[sflag:s0] =	ssyncadd.tile.s32 @!p0 $0x1;
	_ =	shalt  }
.Lfunc_end2:
_tile_overlayer_lowered:
.L_overlay_start_2:
0xdd: {  	(tag) =	ssettag $0x2  }
0xde: {  	s0 =	rddreg [dreg:$0x0];
	s2 =	stileid.u32  }
0xdf: {  	s1 =	rddreg [dreg:$0x1];
	p0 =	sne.s32 s2, $0x0  }
0xe0: {  	s3 =	rddreg [dreg:$0x2];
	[bflag:$0x3] =	sbarrier.arrive $0xFFFF;
	s2 =	simm.s32 @!p0 $0x1C0B  }
0xe1: {  	[timem:s3], [sflag:s2] =	dma.local @!p0 [hbm:s0], s1  }
0xe2: {  	s0 =	simm.s32 @!p0 $0xB  }
0xe3: {  	_ =	swait.ge @!p0 [sflag:s0], s1  }
0xe4: {  	s1 =	ssub.s32 @!p0 $0x0, s1;
	[sflag:s0] =	ssyncset.done @!p0 $0x0  }
0xe5: {  	[sflag:s0] =	ssyncadd.s32 @!p0 s1  }
0xe6: {  	[bflag:$0x3] =	sbarrier.arrive $0xFFFF  }
0xe7: {  	_ =	shalt  }

// kernel: kernel.8.cloned.1.call-start
scs
__scs_entry_jumppad:
0x0: {  	(pc) =	sbr.rel $0x88, $3  }
0x1: {  	(tag) =	ssettag $0x0;
	lr =	simm.s32 $0x1  }
0x2: {  	[smem:$0x3F96] =	sst lr;
	_ =	strace $0xD0000000  }
0x3: {  	_ = 	snop  }
0x4: {  	_ = 	snop  }
0x5: {  	_ = 	snop  }
0x6: {  	_ = 	snop  }
0x7: {  	_ = 	snop  }
__scs_overlays_trampoline_lowered:
0x8: {  	[smem:$0x3FA5] =	sst s0  }
0x9: {  	[smem:$0x3FA6] =	sst s1  }
0xa: {  	[smem:$0x3FA7] =	sst s2  }
0xb: {  	[smem:$0x3FA8] =	sst s3  }
0xc: {  	[smem:$0x3FA9] =	sst s4  }
0xd: {  	[smem:$0x3FAA] =	sst s5  }
0xe: {  	[smem:$0x3FAB] =	sst s6  }
0xf: {  	[smem:$0x3FAC] =	sst s7  }
0x10: {  	[smem:$0x3FAD] =	sst s8  }
0x11: {  	[smem:$0x3FAE] =	sst s9;
	s0 =	simm.s32 @!p0 $0x0  }
0x12: {  	s1 =	sld [smem:$0x3F94];
	s0 =	simm.s32 @p0 $0x1  }
0x13: {  	[smem:$0x3FAF] =	sst s0;
	s0 =	simm.s32 @!p1 $0x0  }
0x14: {  	s2 =	sld [smem:$0x3F93];
	s0 =	simm.s32 @p1 $0x1  }
0x15: {  	[smem:$0x3FB0] =	sst s0;
	s0 =	simm.s32 @!p2 $0x0  }
0x16: {  	s3 =	sld [smem:$0x3FDB];
	s0 =	simm.s32 @p2 $0x1  }
0x17: {  	s4 =	simm.s32 $0x1BF5;
	[smem:$0x3FB2] =	sst s0  }
0x18: {  	s0 =	sld [smem:$0x3F95];
	_ =	swait.ge [sflag:s4], $0x0  }
0x19: {  	s7 =	sld [smem:$0x3F96]  }
0x1a: {  	s8 =	sadd.s32 $0xFFFFE003, lr  }
0x1b: {  	s9 =	sadd.s32 $0xFFFFFEF7, lr;
	s5 =	simm.s32 $0xFFFFFFFF;
	p2 =	slt.u32 s8, $0xFFFFF086  }
0x1c: {  	p1 =	slt.u32 s9, $0xF7A;
	s5 =	simm.s32 @!p2 $0x0  }
0x1d: {  	s5 =	simm.s32 @p1 $0x1;
	p0 =	seq.s32 s7, s2  }
0x1e: {  	s7 =	smul.u32 @!p0 $0xF7A, s2;
	p2 =	seq.s32 @!p0 s5, $0x0  }
0x1f: {  	s9 =	smul.u32 $0xF7A, s1;
	s8 =	simm.s32 @!p0 $0x1BF5;
	p2 =	por !p2, p0  }
0x20: {  	[sflag:s8] =	ssyncset.s32 @!p0 $0xFFFFF086;
	s6 =	sadd.s32 @!p0 s3, s7;
	s7 =	simm.s32 @!p0 $0x108  }
0x21: {  	s3 =	sadd.s32 s3, s9;
	s6 =	sadd.s32 @!p0 $0x88, s6;
	s7 =	simm.s32 @p2 $0x1082  }
0x22: {  	[simem:s7], [sflag:s8] =	dma.local @!p0 [hbm:s6], $0xF7A  }
0x23: {  	s9 =	sor.u32 $0xD0000000, s2;
	s6 =	simm.s32 $0x108;
	_ =	swait.ge @!p0 [sflag:s8], $0x0  }
0x24: {  	s3 =	sadd.s32 $0x88, s3;
	s6 =	simm.s32 @!p1 $0x1082;
	[sflag:s4] =	ssyncset.s32 $0xFFFFF086  }
0x25: {  	[simem:s6], [sflag:s4] =	dma.local [hbm:s3], $0xF7A  }
0x26: {  	[smem:$0x3F96] =	sst s1;
	(tag) =	ssettag s2;
	_ =	strace s9  }
0x27: {  	s1 =	sld [smem:$0x3FA6]  }
0x28: {  	s2 =	sld [smem:$0x3FA7]  }
0x29: {  	s4 =	sld [smem:$0x3FA9]  }
0x2a: {  	p0 =	seq.s32 s5, $0x0;
	s5 =	sld [smem:$0x3FAA]  }
0x2b: {  	s6 =	sld [smem:$0x3FAB]  }
0x2c: {  	s7 =	sld [smem:$0x3FAC]  }
0x2d: {  	s3 =	simm.s32 $0x108;
	s8 =	sld [smem:$0x3FAD]  }
0x2e: {  	s3 =	simm.s32 @!p0 $0x1082;
	s9 =	sld [smem:$0x3FAE]  }
0x2f: {  	lr =	sadd.s32 s0, s3;
	s0 =	sld [smem:$0x3FA5]  }
0x30: {  	s3 =	sld [smem:$0x3FA8]  }
0x31: {  	[smem:$0x3FB1] =	sst s10  }
0x32: {  	s10 =	sld [smem:$0x3FAF];
	_ =	sdelay $0x3  }
0x33: {  	p0 =	seq.s32 s10, $0x1;
	s10 =	sld [smem:$0x3FB1];
	_ =	sdelay $0x3  }
0x34: {  	[smem:$0x3FB1] =	sst s10  }
0x35: {  	s10 =	sld [smem:$0x3FB0];
	_ =	sdelay $0x3  }
0x36: {  	p1 =	seq.s32 s10, $0x1;
	s10 =	sld [smem:$0x3FB1];
	_ =	sdelay $0x3  }
0x37: {  	[smem:$0x3FB1] =	sst s10  }
0x38: {  	s10 =	sld [smem:$0x3FB2]  }
0x39: {  	_ = 	snop;
	(pc) =	sbr.ind lr, $3  }
0x3a: {  	_ = 	snop  }
0x3b: {  	_ = 	snop  }
0x3c: {  	p2 =	seq.s32 s10, $0x1;
	s10 =	sld [smem:$0x3FB1]  }
0x3d: {  	_ =	shalt  }
0x3e: {  	_ =	shalt  }
0x3f: {  	_ =	shalt  }
0x40: {  	_ =	shalt  }
0x41: {  	_ =	shalt  }
0x42: {  	_ =	shalt  }
0x43: {  	_ =	shalt  }
0x44: {  	_ =	shalt  }
0x45: {  	_ =	shalt  }
0x46: {  	_ =	shalt  }
0x47: {  	_ =	shalt  }
0x48: {  	_ =	shalt  }
0x49: {  	_ =	shalt  }
0x4a: {  	_ =	shalt  }
0x4b: {  	_ =	shalt  }
0x4c: {  	_ =	shalt  }
0x4d: {  	_ =	shalt  }
0x4e: {  	_ =	shalt  }
0x4f: {  	_ =	shalt  }
0x50: {  	_ =	shalt  }
0x51: {  	_ =	shalt  }
0x52: {  	_ =	shalt  }
0x53: {  	_ =	shalt  }
0x54: {  	_ =	shalt  }
0x55: {  	_ =	shalt  }
0x56: {  	_ =	shalt  }
0x57: {  	_ =	shalt  }
0x58: {  	_ =	shalt  }
0x59: {  	_ =	shalt  }
0x5a: {  	_ =	shalt  }
0x5b: {  	_ =	shalt  }
0x5c: {  	_ =	shalt  }
0x5d: {  	_ =	shalt  }
0x5e: {  	_ =	shalt  }
0x5f: {  	_ =	shalt  }
0x60: {  	_ =	shalt  }
0x61: {  	_ =	shalt  }
0x62: {  	_ =	shalt  }
0x63: {  	_ =	shalt  }
0x64: {  	_ =	shalt  }
0x65: {  	_ =	shalt  }
0x66: {  	_ =	shalt  }
0x67: {  	_ =	shalt  }
0x68: {  	_ =	shalt  }
0x69: {  	_ =	shalt  }
0x6a: {  	_ =	shalt  }
0x6b: {  	_ =	shalt  }
0x6c: {  	_ =	shalt  }
0x6d: {  	_ =	shalt  }
0x6e: {  	_ =	shalt  }
0x6f: {  	_ =	shalt  }
0x70: {  	_ =	shalt  }
0x71: {  	_ =	shalt  }
0x72: {  	_ =	shalt  }
0x73: {  	_ =	shalt  }
0x74: {  	_ =	shalt  }
0x75: {  	_ =	shalt  }
0x76: {  	_ =	shalt  }
0x77: {  	_ =	shalt  }
0x78: {  	_ =	shalt  }
0x79: {  	_ =	shalt  }
0x7a: {  	_ =	shalt  }
0x7b: {  	_ =	shalt  }
0x7c: {  	_ =	shalt  }
0x7d: {  	_ =	shalt  }
0x7e: {  	_ =	shalt  }
0x7f: {  	_ =	shalt  }
0x80: {  	_ =	shalt  }
0x81: {  	_ =	shalt  }
0x82: {  	_ =	shalt  }
0x83: {  	_ =	shalt  }
0x84: {  	_ =	shalt  }
0x85: {  	_ =	shalt  }
0x86: {  	_ =	shalt  }
0x87: {  	_ =	shalt  }
.Lfunc_end0:
.L_simem_size_0:
called_computation_lowered:
.L_overlay_start_0:
0x88: {  	s2 =	sld [smem:$0x3FD9]  }
0x89: {  	s3 =	sld [smem:$0x3FFE];
	_ =	sdelay $0x1  }
0x8a: {  	s1 =	srdreg.scid  }
0x8b: {  	s0 =	sand.u32 $0x1, s1  }
0x8c: {  	s16 =	sshll.u32 s0, $0xA;
	s2 =	sadd.s32 s3, s2  }
0x8d: {  	s2 =	sadd.s32 s2, s16  }
0x8e: {  	[smem:$0x3FBD] =	sst s2  }
0x8f: {  	_ = 	snop  }
0x90: {  	(tm) =	ssettm $0x1  }
0x91: {  	s17 =	sld [smem:$0x3FFB];
	_ =	sdelay $0x3  }
0x92: {  	_ =	strace s17  }
0x93: {  	s2 =	sld [smem:$0x3FFC];
	_ =	sdelay $0x3  }
0x94: {  	_ =	strace s2  }
0x95: {  	s2 =	sld [smem:$0x3FFD];
	_ =	sdelay $0x3  }
0x96: {  	_ =	strace s2  }
0x97: {  	_ =	strace $0x8FFFFFFF  }
0x98: {  	s18 =	sld [smem:$0x3FDB];
	_ =	sdelay $0x1  }
0x99: {  	s19 =	simm.s32 $_scs_section_size  }
0x9a: {  	s4 =	simm.s32 $_size__tile_overlayer_lowered;
	s5 =	simm.s32 $_tile_overlayer_lowered  }
0x9b: {  	s22 =	simm.s32 $0x1BFF;
	s21 =	sshll.u32 s5, $0x1;
	s2 =	sadd.s32 s19, s18  }
0x9c: {  	s6 =	simm.s32 $0x0;
	s20 =	sshll.u32 s4, $0x1;
	s4 =	sadd.s32 s21, s2  }
0x9d: {  	[timem:s6], [sflag:s22] =	dma.local [hbm:s4], s20  }
0x9e: {  	_ =	swait.ge [sflag:s22], s20  }
0x9f: {  	s3 =	ssub.s32 $0x0, s20;
	[sflag:s22] =	ssyncset.done $0x0  }
0xa0: {  	[sflag:s22] =	ssyncadd.s32 s3;
	_ =	sdelay $0x1  }
0xa1: {  	s23 =	simm.s32 $0x1B8B  }
0xa2: {  	_ =	swait.ge [sflag:s23], $0x1  }
0xa3: {  	[sflag:s23] =	ssyncset.done $0x0  }
0xa4: {  	s25 =	simm.s32 $0x1B8E;
	s24 =	sld [smem:$0x3FFE];
	[sflag:s23] =	ssyncadd.s32 $0xFFFFFFFF  }
0xa5: {  	s26 =	simm.s32 $execute0_lowered;
	[smem:$0x3FD2] =	sst s25  }
0xa6: {  	s4 =	sshll.u32 s26, $0x1;
	_ =	strace $0x80000046;
	[dreg:$0x1] =	wrdreg $0xFFFFFFFF  }
0xa7: {  	s28 =	simm.s32 $_size_execute0_lowered;
	s2 =	sadd.s32 s2, s4;
	[dreg:$0x0] =	wrdreg $0x0  }
0xa8: {  	s4 =	sshll.u32 s28, $0x1;
	[dreg:$0x2] =	wrdreg s2  }
0xa9: {  	[dreg:$0x3] =	wrdreg s4  }
0xaa: {  	[dreg:$0x4] =	wrdreg $0xC0  }
0xab: {  	_ =	task [dreg:s6], $0x5FFFF  }
0xac: {  	[dreg:$0x1] =	wrdreg $0xFFFFFFFF  }
0xad: {  	[dreg:$0x0] =	wrdreg $0x60  }
0xae: {  	[dreg:$0x2] =	wrdreg s24  }
0xaf: {  	[dreg:$0x3] =	wrdreg $0x29E00  }
0xb0: {  	[dreg:$0x4] =	wrdreg $0x9  }
0xb1: {  	_ =	task.clear_ibuf [dreg:s6], $0x5FFFF;
	_ =	strace $0x90000046  }
0xb2: {  	s29 =	simm.s32 $0x9;
	_ =	strace $0x80000048  }
0xb3: {  	_ =	swait.ge [sflag:s29], $0x1  }
0xb4: {  	[sflag:s29] =	ssyncadd.s32 $0xFFFFFFFF  }
0xb5: {  	_ =	strace $0x90000048  }
0xb6: {  	_ =	sfence  }
0xb7: {  	s30 =	sld [smem:$0x0];
	_ =	sdelay $0x2  }
0xb8: {  	s31 =	sshll.u32 s1, $0xD;
	s1 =	sshrl.u32 s1, $0x2  }
0xb9: {  	s3 =	sand.u32 $0x4000, s31;
	s1 =	sadd.s32 s1, s30  }
0xba: {  	s0 =	sor.u32 s3, s0;
	s1 =	sshll.u32 s1, $0x11  }
0xbb: {  	s0 =	sor.u32 s1, s0  }
0xbc: {  	s0 =	sadd.s32 $0x8F2B, s0  }
0xbd: {  	[sflag:s0] =	ssyncadd.remote.s32 $0x1  }
0xbe: {  	_ =	sfence.sel $0xFFFF  }
0xbf: {  	[dreg:$0x0] =	wrdreg $0xFFFFFFFF;
	(pc) =	sbr.abs _section_cstart, $3  }
0xc0: {  	[dreg:$0x1] =	wrdreg $0xFFFFFFFF  }
0xc1: {  	_ =	task.clear_ibuf [dreg:s6], $0x2FFFF;
	_ =	strace $0x9FFFFFFF  }
0xc2: {  	(tm) =	ssettm $0x7FFFFFFF  }
0xc3: {  	_ =	shalt  }
tec
execute0_lowered:
.L_overlay_start_1:
0x0: {  	(tag) =	ssettag $0x1  }
0x1: {  	s4 =	rddreg [dreg:$0x0]  }
0x2: {  	s2 =	rddreg [dreg:$0x1];
	s3 =	srdreg.scid  }
0x3: {  	s1 =	stileid.u32;
	s0 =	rddreg [dreg:$0x2];
	s10 =	simm.s32 $0x50  }
0x4: {  	s11 =	simm.s32 $0x2710;
	s14 =	simm.s32 $0x0;
	s5 =	sand.u32 $0x1, s3  }
0x5: {  	s6 =	smul.u32 $0x280, s1;
	s3 =	simm.s32 $0x0;
	s12 =	sshll.u32 s1, $0x6  }
0x6: {  	s7 =	sshll.u32 s5, $0x4;
	s8 =	smul.u32 $0x2800, s5;
	[smem:$0x7FF] =	sst s3  }
0x7: {  	s5 =	ssub.s32 $0x2, s5;
	s12 =	sor.u32 $0x1C01, s12;
	s7 =	sor.u32 s1, s7  }
0x8: {  	s9 =	sshrl.u32 s5, $0x1;
	s7 =	smul.u32 $0x4E2, s7;
	s8 =	sadd.s32 s6, s8  }
0x9: {  	_ =	strace $0x80000047;
	s9 =	ssub.s32 s5, s9;
	s8 =	sshrl.u32 s8, $0x3  }
0xa: {  	s7 =	sadd.s32 s7, s4;
	s8 =	sadd.s32 s8, s4;
	s4 =	sadd.s32 s6, s2  }
0xb: {  	s5 =	sadd.s32 $0x2200, s7;
	s6 =	sadd.s32 $0xC000, s8;
	s7 =	smax.u32 s9, $0x1  }
0xc: {  	v0 =	vimm.f32 $1.000000000e+00;
	v1 =	vimm.f32 $0.0e+00;
	s8 =	simm.s32 $0x2760;
	s9 =	simm.s32 $0x1;
	s13 =	sshrl.u32 s4, $0x3  }
.LBB2_1:
0xd: {  	[tilespmem:$0x2710] =	vst v0  }
0xe: {  	[tilespmem:$0x2720] =	vst v0  }
0xf: {  	[tilespmem:$0x2730] =	vst v0  }
0x10: {  	[tilespmem:$0x2740] =	vst v0  }
0x11: {  	[tilespmem:$0x2750] =	vst v0  }
0x12: {  	[tilespmem:$0x2760] =	vst v1  }
0x13: {  	[tilespmem:$0x2770] =	vst v1  }
0x14: {  	[tilespmem:$0x2780] =	vst v1  }
0x15: {  	[tilespmem:$0x2790] =	vst v1  }
0x16: {  	[tilespmem:$0x27A0] =	vst v1  }
0x17: {  	[tilespmem:$0x27B0] =	vst v1  }
0x18: {  	[tilespmem:$0x27C0] =	vst v1  }
0x19: {  	[tilespmem:$0x27D0] =	vst v1  }
0x1a: {  	[tilespmem:$0x27E0] =	vst v1  }
0x1b: {  	[tilespmem:$0x27F0] =	vst v1  }
0x1c: {  	[tilespmem:$0x2800] =	vst v1  }
0x1d: {  	[tilespmem:$0x2810] =	vst v1  }
0x1e: {  	[tilespmem:$0x2820] =	vst v1  }
0x1f: {  	[tilespmem:$0x2830] =	vst v1  }
0x20: {  	[tilespmem:$0x2840] =	vst v1  }
0x21: {  	[tilespmem:$0x2850] =	vst v1  }
0x22: {  	[tilespmem:$0x2860] =	vst v1  }
0x23: {  	[tilespmem:$0x2870] =	vst v1  }
0x24: {  	[tilespmem:$0x2880] =	vst v1  }
0x25: {  	[tilespmem:$0x2890] =	vst v1  }
0x26: {  	[tilespmem:$0x28A0] =	vst v1  }
0x27: {  	[tilespmem:$0x28B0] =	vst v1  }
0x28: {  	[tilespmem:$0x28C0] =	vst v1  }
0x29: {  	[tilespmem:$0x28D0] =	vst v1  }
0x2a: {  	[tilespmem:$0x28E0] =	vst v1  }
0x2b: {  	[tilespmem:$0x28F0] =	vst v1  }
0x2c: {  	[tilespmem:$0x2900] =	vst v1  }
0x2d: {  	[tilespmem:$0x2910] =	vst v1  }
0x2e: {  	[tilespmem:$0x2920] =	vst v1  }
0x2f: {  	[tilespmem:$0x2930] =	vst v1  }
0x30: {  	[tilespmem:$0x2940] =	vst v1  }
0x31: {  	[tilespmem:$0x2950] =	vst v1  }
0x32: {  	[tilespmem:$0x2960] =	vst v1  }
0x33: {  	[tilespmem:$0x2970] =	vst v1  }
0x34: {  	[tilespmem:$0x2980] =	vst v1  }
0x35: {  	[tilespmem:$0x2990] =	vst v1  }
0x36: {  	[tilespmem:$0x29A0] =	vst v1  }
0x37: {  	[tilespmem:$0x29B0] =	vst v1  }
0x38: {  	[tilespmem:$0x29C0] =	vst v1  }
0x39: {  	[tilespmem:$0x29D0] =	vst v1  }
0x3a: {  	[spmem:s4] =	stream.linear.scatter [tilespmem:s8], [sflag:$0x1], $0x280, $0x38;
	[tilespmem:$0x2C60] =	vst v63  }
0x3b: {  	_ =	swait.ge [sflag:s9], $0x280  }
0x3c: {  	[sflag:s9] =	ssyncset.done $0x0  }
0x3d: {  	[sflag:s9] =	ssyncadd.s32 $0xFFFFFD80  }
0x3e: {  	[tilespmem:s3], [sflag:$0x1] =	stream.linear.gather [hbm4b:s5+s3], $0x2710, $0x38;
	[tilespmem:$0x2C60] =	vst v63  }
0x3f: {  	_ =	swait.ge [sflag:s9], $0x2710  }
0x40: {  	[sflag:s9] =	ssyncset.done $0x0  }
0x41: {  	[sflag:s9] =	ssyncadd.s32 $0xFFFFD8F0  }
0x42: {  	s15 =	simm.s32 $0x0;
	[bflag:$0x0] =	sbarrier.arrive $0xFFFF  }
0x43: {  	[spmem:s2] =	stream.indirect.scatter.add.f32 [tilespmem:s11], [sflag:$0x1], $0x1, s15, s10, $0xb8;
	[tilespmem:$0x2C60] =	vst v63  }
0x44: {  	_ =	swait.ge [sflag:s9], $0x50  }
0x45: {  	s15 =	simm.s32 $0x140;
	[sflag:s9] =	ssyncset.done $0x0  }
.LBB2_2:
0x46: {  	s16 =	sshra.s32 s15, $0x2;
	[sflag:s9] =	ssyncadd.s32 $0xFFFFFFB0;
	p0 =	sne.s32 s15, $0x9B00  }
0x47: {  	[spmem:s2] =	stream.indirect.scatter.add.f32 [tilespmem:s11], [sflag:$0x1], $0x1, s16, s10, $0xb8;
	[tilespmem:$0x2C60] =	vst v63  }
.Ltmp0:
0x48: {  	_ = 	snop;
	(pc) =	sbr.rel @p0 .LBB2_2-.Ltmp0, $4  }
0x49: {  	_ = 	snop  }
0x4a: {  	s15 =	sadd.s32 $0x140, s15  }
0x4b: {  	_ =	swait.ge [sflag:s9], $0x50  }
0x4c: {  	[sflag:s9] =	ssyncset.done $0x0  }
0x4d: {  	s14 =	sadd.s32 $0x1, s14  }
0x4e: {  	[sflag:s9] =	ssyncadd.s32 $0xFFFFFFB0;
	p0 =	sne.s32 s14, s7  }
.Ltmp1:
0x4f: {  	[bflag:$0x0] =	sbarrier.arrive $0xFFFF;
	(pc) =	sbr.rel @p0 .LBB2_1-.Ltmp1, $4  }
0x50: {  	[hbm:s6], [sflag:s12] =	dma.local [spmem:s13], $0x50  }
0x51: {  	_ =	swait.ge [sflag:s9], $0x50  }
0x52: {  	[sflag:s9] =	ssyncset.done $0x0  }
0x53: {  	[sflag:s9] =	ssyncadd.s32 $0xFFFFFFB0  }
0x54: {  	_ =	sfence.sel $0x180000  }
0x55: {  	[bflag:$0x0] =	sbarrier.arrive $0xFFFF  }
0x56: {  	p0 =	sne.s32 s1, $0x0;
	_ =	strace $0x90000047  }
0x57: {  	s0 =	sadd.s32 @!p0 $0x100000, s0;
	[bflag:$0x2] =	sbarrier.arrive $0xFFFF  }
0x58: {  	[sflag:s0] =	ssyncadd.tile.s32 @!p0 $0x1;
	_ =	shalt  }
.Lfunc_end2:
_tile_overlayer_lowered:
.L_overlay_start_2:
0x59: {  	(tag) =	ssettag $0x2  }
0x5a: {  	s0 =	rddreg [dreg:$0x0];
	s2 =	stileid.u32  }
0x5b: {  	s1 =	rddreg [dreg:$0x1];
	p0 =	sne.s32 s2, $0x0  }
0x5c: {  	s3 =	rddreg [dreg:$0x2];
	[bflag:$0x3] =	sbarrier.arrive $0xFFFF;
	s2 =	simm.s32 @!p0 $0x1C01  }
0x5d: {  	[timem:s3], [sflag:s2] =	dma.local @!p0 [hbm:s0], s1  }
0x5e: {  	s0 =	simm.s32 @!p0 $0x1  }
0x5f: {  	_ =	swait.ge @!p0 [sflag:s0], s1  }
0x60: {  	s1 =	ssub.s32 @!p0 $0x0, s1;
	[sflag:s0] =	ssyncset.done @!p0 $0x0  }
0x61: {  	[sflag:s0] =	ssyncadd.s32 @!p0 s1  }
0x62: {  	[bflag:$0x3] =	sbarrier.arrive $0xFFFF  }
0x63: {  	_ =	shalt  }

</sc_bundles>
